<compile_context>
chip_gen: v7x
topology: tpu7x:2x2x1
jax: 0.10.2.dev20260603
libtpu: 0.0.44.dev20260713+nightly
codegen_flags: <defaults>
</compile_context>

<pallas_src>
import functools

import jax
import jax.numpy as jnp
from jax import lax
from jax.experimental import pallas as pl
from jax.experimental.pallas import tpu as pltpu
from jax.experimental.pallas import tpu_sc as plsc

NC = 2
NS = 16
LANES = 16


def _mlp1(x, W1, b1, *, grid_n=2):
    n, d_in = x.shape
    d_hid = W1.shape[1]
    blk = n // grid_n

    def body(x_ref, w_ref, b_ref, o_ref):
        h = jnp.dot(x_ref[...], w_ref[...], preferred_element_type=jnp.float32)
        o_ref[...] = jax.nn.sigmoid(jnp.tanh(h + b_ref[...]))

    return pl.pallas_call(
        body,
        grid=(grid_n,),
        in_specs=[
            pl.BlockSpec((blk, d_in), lambda i: (i, 0)),
            pl.BlockSpec((d_in, d_hid), lambda i: (0, 0)),
            pl.BlockSpec((1, d_hid), lambda i: (0, 0)),
        ],
        out_specs=pl.BlockSpec((blk, d_hid), lambda i: (i, 0)),
        out_shape=jax.ShapeDtypeStruct((n, d_hid), jnp.float32),
    )(x, W1, b1.reshape(1, d_hid))


K = 80
G = 5


def _sc_aggregate(hidden2, idx3):
    n2, dh = hidden2.shape
    n = n2 // NC
    e = idx3.shape[1]
    ept = e // NS
    n_chunks = ept // K
    half = n_chunks // 2
    zrows = 128
    rpt = -(-n // (NS * zrows)) * zrows
    n_pad = NS * rpt
    ngroups = n_chunks // G
    assert e % NS == 0 and ept % K == 0 and n_chunks % G == 0 and ngroups % 2 == 0

    mesh = plsc.VectorSubcoreMesh(core_axis_name="c", subcore_axis_name="s")

    @functools.partial(
        pl.kernel,
        out_type=[
            jax.ShapeDtypeStruct((n_pad, NC * dh), jnp.float32),
            jax.ShapeDtypeStruct((NC, n_pad, LANES), jnp.float32),
        ],
        mesh=mesh,
        compiler_params=pltpu.CompilerParams(use_tc_tiling_on_sc=False),
        scratch_types=(
            [pltpu.VMEM((K,), jnp.int32) for _ in range(4 * G)]
            + [pltpu.VMEM((K, dh), jnp.float32) for _ in range(G)]
            + [
                pltpu.VMEM((K, LANES), jnp.float32),
                pltpu.VMEM((zrows, dh), jnp.float32),
                pltpu.VMEM((rpt, LANES), jnp.float32),
                pltpu.VMEM_SHARED((n_pad, dh), jnp.float32),
                pltpu.VMEM_SHARED((n_pad, LANES), jnp.float32),
            ]
            + [pltpu.SemaphoreType.DMA for _ in range(5 * G)]
        ),
    )
    def sc_kernel(h_hbm, idx_hbm, partial_hbm, deg_hbm, *scr):
        srcA = scr[:G]
        dstA = scr[G:2 * G]
        srcB = scr[2 * G:3 * G]
        dstB = scr[3 * G:4 * G]
        rows_v = scr[4 * G:5 * G]
        ones_v, zf_v, zd_v, acc_sh, deg_sh = scr[5 * G:5 * G + 5]
        sems = scr[5 * G + 5:]
        isemA, isemB, gsem, ssem, dsem = (
            sems[i * G:(i + 1) * G] for i in range(5))

        c = lax.axis_index("c")
        s = lax.axis_index("s")

        zero16 = jnp.zeros((LANES,), jnp.float32)
        one16 = jnp.ones((LANES,), jnp.float32)

        @pl.loop(0, zrows)
        def _(r):
            @pl.loop(0, dh // LANES)
            def _(q):
                zf_v[r, pl.ds(q * LANES, LANES)] = zero16

        @pl.loop(0, rpt)
        def _(r):
            zd_v[r, :] = zero16

        @pl.loop(0, K)
        def _(r):
            ones_v[r, :] = one16

        @pl.loop(0, rpt // zrows)
        def _(k):
            pltpu.sync_copy(zf_v, acc_sh.at[pl.ds(s * rpt + k * zrows, zrows)])

        pltpu.sync_copy(zd_v, deg_sh.at[pl.ds(s * rpt, rpt)])

        plsc.subcore_barrier()

        def cbase(g, b):
            return s * ept + (g * G + b) * K

        def issue_idx(g, b, sv, dv, sem):
            pltpu.async_copy(idx_hbm.at[c, pl.ds(cbase(g, b), K)], sv[b], sem[b])
            pltpu.async_copy(idx_hbm.at[2, pl.ds(cbase(g, b), K)], dv[b], sem[b])

        def wait_idx(g, b, sv, dv, sem):
            pltpu.make_async_copy(
                idx_hbm.at[c, pl.ds(cbase(g, b), K)], sv[b], sem[b]).wait()
            pltpu.make_async_copy(
                idx_hbm.at[2, pl.ds(cbase(g, b), K)], dv[b], sem[b]).wait()

        for b in range(G):
            issue_idx(0, b, srcA, dstA, isemA)
            issue_idx(1, b, srcB, dstB, isemB)
        for b in range(G):
            wait_idx(0, b, srcA, dstA, isemA)
            pltpu.async_copy(h_hbm.at[srcA[b]], rows_v[b], gsem[b])

        def subgroup(g, cur, nxt):
            (csrc, cdst, cisem), (nsrc, ndst, nisem) = cur, nxt
            scatters = []
            for b in range(G):
                pltpu.make_async_copy(
                    h_hbm.at[csrc[b]], rows_v[b], gsem[b]).wait()
                scatters.append(pltpu.async_copy(
                    rows_v[b], acc_sh.at[cdst[b]], ssem[b], add=True))
                i = g * G + b
                @pl.when(jnp.where(c == 0, i < half, i >= half))
                def _(b=b, i=i):
                    pltpu.async_copy(
                        ones_v, deg_sh.at[cdst[b]], dsem[b], add=True)

            for b in range(G):
                scatters[b].wait()
                i = g * G + b

                @pl.when(jnp.where(c == 0, i < half, i >= half))
                def _(b=b, i=i):
                    pltpu.make_async_copy(
                        ones_v, deg_sh.at[cdst[b]], dsem[b]).wait()

                @pl.when(g + 1 < ngroups)
                def _(b=b):
                    wait_idx(g + 1, b, nsrc, ndst, nisem)
                    pltpu.async_copy(h_hbm.at[nsrc[b]], rows_v[b], gsem[b])

                @pl.when(g + 2 < ngroups)
                def _(b=b):
                    issue_idx(g + 2, b, csrc, cdst, cisem)

        ringA = (srcA, dstA, isemA)
        ringB = (srcB, dstB, isemB)

        @pl.loop(0, ngroups // 2)
        def _(t):
            subgroup(2 * t, ringA, ringB)
            subgroup(2 * t + 1, ringB, ringA)

        plsc.subcore_barrier()

        pltpu.sync_copy(acc_sh.at[pl.ds(s * rpt, rpt)],
                        partial_hbm.at[pl.ds(s * rpt, rpt), pl.ds(c * dh, dh)])
        pltpu.sync_copy(deg_sh.at[pl.ds(s * rpt, rpt)],
                        deg_hbm.at[c, pl.ds(s * rpt, rpt)])

    return sc_kernel(hidden2, idx3)


def _mlp2(partial, degp, W_out, b_out, n, *, grid_n=2):
    d_hid = partial.shape[1]
    d_out = W_out.shape[1]
    blk = n // grid_n

    def body(p_ref, d_ref, w_ref, b_ref, o_ref):
        deg = d_ref[0][:, 0:1] + d_ref[1][:, 0:1]
        agg = p_ref[...] / jnp.maximum(deg, 1.0)
        o_ref[...] = (
            jnp.dot(agg, w_ref[...], preferred_element_type=jnp.float32)
            + b_ref[...]
        )

    return pl.pallas_call(
        body,
        grid=(grid_n,),
        in_specs=[
            pl.BlockSpec((blk, d_hid), lambda i: (i, 0)),
            pl.BlockSpec((NC, blk, LANES), lambda i: (0, i, 0)),
            pl.BlockSpec((d_hid, d_out), lambda i: (0, 0)),
            pl.BlockSpec((1, d_out), lambda i: (0, 0)),
        ],
        out_specs=pl.BlockSpec((blk, d_out), lambda i: (i, 0)),
        out_shape=jax.ShapeDtypeStruct((n, d_out), jnp.float32),
    )(partial, degp, W_out, b_out.reshape(1, d_out))


def kernel(node_features, edge_index, W1, b1, W_out, b_out):
    n, d_hid = node_features.shape[0], W1.shape[1]
    ei = edge_index.astype(jnp.int32)
    idx3 = jnp.stack([2 * ei[0], 2 * ei[0] + 1, ei[1]])
    hidden = _mlp1(node_features, W1, b1)
    hidden2 = hidden.reshape(NC * n, d_hid // NC)
    partial, degp = _sc_aggregate(hidden2, idx3)
    return _mlp2(partial, degp, W_out, b_out, n)

# --- scband reference (transcript-rebuilt; emitter-appended) ---
"""Pipeline reference for scband-graph-qnnhybrid-65481071410833 (READ-ONLY COPY).

The authoritative reference and input builder live on the scoring server;
editing this copy changes nothing except your own understanding.
"""

import jax, jax.numpy as jnp
import numpy as np

N = 10000
E = 320000
D_IN = 128
D_HID = 128
D_OUT = 128

def setup_inputs(seed: int = 0) -> dict:
    key = jax.random.key(seed)
    k1, k2, k3, k4, k5, k6 = jax.random.split(key, 6)
    node_features = jax.random.normal(k1, (N, D_IN), dtype=jnp.float32)
    edge_index = jax.random.randint(k2, (2, E), 0, N, dtype=jnp.int64)
    W1 = jax.random.normal(k3, (D_IN, D_HID), dtype=jnp.float32) / np.sqrt(D_IN)
    b1 = jnp.zeros((D_HID,), dtype=jnp.float32)
    W_out = jax.random.normal(k4, (D_HID, D_OUT), dtype=jnp.float32) / np.sqrt(D_HID)
    b_out = jnp.zeros((D_OUT,), dtype=jnp.float32)
    return {"node_features": node_features, "edge_index": edge_index,
            "W1": W1, "b1": b1, "W_out": W_out, "b_out": b_out}

def reference(node_features, edge_index, W1, b1, W_out, b_out):
    # QCNNModule: Linear -> Tanh per hidden layer, then sigmoid on output
    hidden = jnp.tanh(node_features @ W1 + b1)
    hidden = jax.nn.sigmoid(hidden)
    # per-node mean over neighbors, expressed as gather + segment mean over edges
    src = edge_index[0]
    dst = edge_index[1]
    msg = jnp.take(hidden, src, axis=0)  # gather [E, D_HID]
    summed = jax.ops.segment_sum(msg, dst, num_segments=N)
    deg = jax.ops.segment_sum(jnp.ones((E,), dtype=jnp.float32), dst, num_segments=N)
    agg = summed / jnp.maximum(deg, 1.0)[:, None]  # nodes with no neighbors stay zero
    out = agg @ W_out + b_out
    return out

if __name__ == "__main__":
    import jax
    _d = setup_inputs()
    print(jax.jit(kernel)(*tuple(_d.values())))

</pallas_src>

<mosaic_0001>
#map = affine_map<(d0, d1) -> (0, 0)>
#map1 = affine_map<(d0, d1) -> (0, 0, 0)>
module attributes {stable_mosaic.version = 14 : i64} {
  func.func @sc_kernel(%arg0: i32, %arg1: i32, %arg2: memref<20000x64xf32, #tpu.memory_space<hbm>>, %arg3: memref<3x320000xi32, #tpu.memory_space<hbm>>, %arg4: memref<10240x128xf32, #tpu.memory_space<hbm>>, %arg5: memref<2x10240x16xf32, #tpu.memory_space<hbm>>, %arg6: memref<80xi32, #tpu.memory_space<vmem>>, %arg7: memref<80xi32, #tpu.memory_space<vmem>>, %arg8: memref<80xi32, #tpu.memory_space<vmem>>, %arg9: memref<80xi32, #tpu.memory_space<vmem>>, %arg10: memref<80xi32, #tpu.memory_space<vmem>>, %arg11: memref<80xi32, #tpu.memory_space<vmem>>, %arg12: memref<80xi32, #tpu.memory_space<vmem>>, %arg13: memref<80xi32, #tpu.memory_space<vmem>>, %arg14: memref<80xi32, #tpu.memory_space<vmem>>, %arg15: memref<80xi32, #tpu.memory_space<vmem>>, %arg16: memref<80xi32, #tpu.memory_space<vmem>>, %arg17: memref<80xi32, #tpu.memory_space<vmem>>, %arg18: memref<80xi32, #tpu.memory_space<vmem>>, %arg19: memref<80xi32, #tpu.memory_space<vmem>>, %arg20: memref<80xi32, #tpu.memory_space<vmem>>, %arg21: memref<80xi32, #tpu.memory_space<vmem>>, %arg22: memref<80xi32, #tpu.memory_space<vmem>>, %arg23: memref<80xi32, #tpu.memory_space<vmem>>, %arg24: memref<80xi32, #tpu.memory_space<vmem>>, %arg25: memref<80xi32, #tpu.memory_space<vmem>>, %arg26: memref<80x64xf32, #tpu.memory_space<vmem>>, %arg27: memref<80x64xf32, #tpu.memory_space<vmem>>, %arg28: memref<80x64xf32, #tpu.memory_space<vmem>>, %arg29: memref<80x64xf32, #tpu.memory_space<vmem>>, %arg30: memref<80x64xf32, #tpu.memory_space<vmem>>, %arg31: memref<80x16xf32, #tpu.memory_space<vmem>>, %arg32: memref<128x64xf32, #tpu.memory_space<vmem>>, %arg33: memref<640x16xf32, #tpu.memory_space<vmem>>, %arg34: memref<10240x64xf32, #tpu.memory_space<vmem_shared>>, %arg35: memref<10240x16xf32, #tpu.memory_space<vmem_shared>>, %arg36: memref<!tpu.dma_semaphore, #tpu.memory_space<semaphore_mem>>, %arg37: memref<!tpu.dma_semaphore, #tpu.memory_space<semaphore_mem>>, %arg38: memref<!tpu.dma_semaphore, #tpu.memory_space<semaphore_mem>>, %arg39: memref<!tpu.dma_semaphore, #tpu.memory_space<semaphore_mem>>, %arg40: memref<!tpu.dma_semaphore, #tpu.memory_space<semaphore_mem>>, %arg41: memref<!tpu.dma_semaphore, #tpu.memory_space<semaphore_mem>>, %arg42: memref<!tpu.dma_semaphore, #tpu.memory_space<semaphore_mem>>, %arg43: memref<!tpu.dma_semaphore, #tpu.memory_space<semaphore_mem>>, %arg44: memref<!tpu.dma_semaphore, #tpu.memory_space<semaphore_mem>>, %arg45: memref<!tpu.dma_semaphore, #tpu.memory_space<semaphore_mem>>, %arg46: memref<!tpu.dma_semaphore, #tpu.memory_space<semaphore_mem>>, %arg47: memref<!tpu.dma_semaphore, #tpu.memory_space<semaphore_mem>>, %arg48: memref<!tpu.dma_semaphore, #tpu.memory_space<semaphore_mem>>, %arg49: memref<!tpu.dma_semaphore, #tpu.memory_space<semaphore_mem>>, %arg50: memref<!tpu.dma_semaphore, #tpu.memory_space<semaphore_mem>>, %arg51: memref<!tpu.dma_semaphore, #tpu.memory_space<semaphore_mem>>, %arg52: memref<!tpu.dma_semaphore, #tpu.memory_space<semaphore_mem>>, %arg53: memref<!tpu.dma_semaphore, #tpu.memory_space<semaphore_mem>>, %arg54: memref<!tpu.dma_semaphore, #tpu.memory_space<semaphore_mem>>, %arg55: memref<!tpu.dma_semaphore, #tpu.memory_space<semaphore_mem>>, %arg56: memref<!tpu.dma_semaphore, #tpu.memory_space<semaphore_mem>>, %arg57: memref<!tpu.dma_semaphore, #tpu.memory_space<semaphore_mem>>, %arg58: memref<!tpu.dma_semaphore, #tpu.memory_space<semaphore_mem>>, %arg59: memref<!tpu.dma_semaphore, #tpu.memory_space<semaphore_mem>>, %arg60: memref<!tpu.dma_semaphore, #tpu.memory_space<semaphore_mem>>) attributes {dimension_semantics = [#tpu.dimension_semantics<core_parallel>, #tpu.dimension_semantics<subcore_parallel>], iteration_bounds = array<i64: 2, 16>, scalar_prefetch = 0 : i64, scratch_operands = 55 : i64, tpu.core_type = #tpu.core_type<sc_vector_subcore>, window_params = [{transform_indices = #map}, {transform_indices = #map}, {transform_indices = #map}, {transform_indices = #map1}]} {
    %broadcast_in_dim3A = arith.constant 0.000000e+00 : f32
    %broadcast_in_dim3A_0 = vector.broadcast %broadcast_in_dim3A : f32 to vector<16xf32>
    %broadcast_in_dim3A_1 = arith.constant 1.000000e+00 : f32
    %broadcast_in_dim3A_2 = vector.broadcast %broadcast_in_dim3A_1 : f32 to vector<16xf32>
    %scan3A = arith.constant 0 : i32
    %scan3A_3 = arith.constant 128 : i32
    %scan3A_4 = arith.addi %scan3A, %scan3A_3 : i32
    %scan3A_5 = arith.constant 1 : i32
    scf.for %scan3A_306 = %scan3A to %scan3A_4 step %scan3A_5  : i32 {
      %mul3A_307 = arith.constant 1 : i32
      %mul3A_308 = arith.muli %scan3A_306, %mul3A_307 : i32
      %add3A_309 = arith.constant 0 : i32
      %add3A_310 = arith.addi %add3A_309, %mul3A_308 : i32
      %scan3A_311 = arith.constant 0 : i32
      %scan3A_312 = arith.constant 4 : i32
      %scan3A_313 = arith.addi %scan3A_311, %scan3A_312 : i32
      %scan3A_314 = arith.constant 1 : i32
      scf.for %scan3A_316 = %scan3A_311 to %scan3A_313 step %scan3A_314  : i32 {
        %mul3A_317 = arith.constant 1 : i32
        %mul3A_318 = arith.muli %scan3A_316, %mul3A_317 : i32
        %add3A_319 = arith.constant 0 : i32
        %add3A_320 = arith.addi %add3A_319, %mul3A_318 : i32
        %mul3A_321 = arith.constant 16 : i32
        %mul3A_322 = arith.muli %add3A_320, %mul3A_321 : i32
        %swap3A = arith.index_cast %add3A_310 : i32 to index
        %swap3A_323 = arith.index_cast %mul3A_322 : i32 to index
        %swap3A_324 = tpu.vector_load %arg32[%swap3A, %swap3A_323] {strides = array<i32>} : memref<128x64xf32, #tpu.memory_space<vmem>>, vector<1x16xf32>,
        %swap3A_325 = vector.shape_cast %swap3A_324 : vector<1x16xf32> to vector<16xf32>
        %swap3A_326 = vector.shape_cast %broadcast_in_dim3A_0 : vector<16xf32> to vector<1x16xf32>
        tpu.vector_store %arg32[%swap3A, %swap3A_323], %swap3A_326 {strides = array<i32>} : memref<128x64xf32, #tpu.memory_space<vmem>>, vector<1x16xf32>,
      }
      %scan3A_315 = arith.constant 4 : i32
    }
    %scan3A_6 = arith.constant 128 : i32
    %scan3A_7 = arith.constant 0 : i32
    %scan3A_8 = arith.constant 640 : i32
    %scan3A_9 = arith.addi %scan3A_7, %scan3A_8 : i32
    %scan3A_10 = arith.constant 1 : i32
    scf.for %scan3A_306 = %scan3A_7 to %scan3A_9 step %scan3A_10  : i32 {
      %mul3A_307 = arith.constant 1 : i32
      %mul3A_308 = arith.muli %scan3A_306, %mul3A_307 : i32
      %add3A_309 = arith.constant 0 : i32
      %add3A_310 = arith.addi %add3A_309, %mul3A_308 : i32
      %swap3A = arith.index_cast %add3A_310 : i32 to index
      %swap3A_311 = arith.constant 0 : index
      %swap3A_312 = tpu.vector_load %arg33[%swap3A, %swap3A_311] {strides = array<i32>} : memref<640x16xf32, #tpu.memory_space<vmem>>, vector<1x16xf32>,
      %swap3A_313 = vector.shape_cast %swap3A_312 : vector<1x16xf32> to vector<16xf32>
      %swap3A_314 = vector.shape_cast %broadcast_in_dim3A_0 : vector<16xf32> to vector<1x16xf32>
      tpu.vector_store %arg33[%swap3A, %swap3A_311], %swap3A_314 {strides = array<i32>} : memref<640x16xf32, #tpu.memory_space<vmem>>, vector<1x16xf32>,
    }
    %scan3A_11 = arith.constant 640 : i32
    %scan3A_12 = arith.constant 0 : i32
    %scan3A_13 = arith.constant 80 : i32
    %scan3A_14 = arith.addi %scan3A_12, %scan3A_13 : i32
    %scan3A_15 = arith.constant 1 : i32
    scf.for %scan3A_306 = %scan3A_12 to %scan3A_14 step %scan3A_15  : i32 {
      %mul3A_307 = arith.constant 1 : i32
      %mul3A_308 = arith.muli %scan3A_306, %mul3A_307 : i32
      %add3A_309 = arith.constant 0 : i32
      %add3A_310 = arith.addi %add3A_309, %mul3A_308 : i32
      %swap3A = arith.index_cast %add3A_310 : i32 to index
      %swap3A_311 = arith.constant 0 : index
      %swap3A_312 = tpu.vector_load %arg31[%swap3A, %swap3A_311] {strides = array<i32>} : memref<80x16xf32, #tpu.memory_space<vmem>>, vector<1x16xf32>,
      %swap3A_313 = vector.shape_cast %swap3A_312 : vector<1x16xf32> to vector<16xf32>
      %swap3A_314 = vector.shape_cast %broadcast_in_dim3A_2 : vector<16xf32> to vector<1x16xf32>
      tpu.vector_store %arg31[%swap3A, %swap3A_311], %swap3A_314 {strides = array<i32>} : memref<80x16xf32, #tpu.memory_space<vmem>>, vector<1x16xf32>,
    }
    %scan3A_16 = arith.constant 80 : i32
    %scan3A_17 = arith.constant 0 : i32
    %scan3A_18 = arith.constant 5 : i32
    %scan3A_19 = arith.addi %scan3A_17, %scan3A_18 : i32
    %scan3A_20 = arith.constant 1 : i32
    scf.for %scan3A_306 = %scan3A_17 to %scan3A_19 step %scan3A_20  : i32 {
      %mul3A_307 = arith.constant 1 : i32
      %mul3A_308 = arith.muli %scan3A_306, %mul3A_307 : i32
      %add3A_309 = arith.constant 0 : i32
      %add3A_310 = arith.addi %add3A_309, %mul3A_308 : i32
      %mul3A_311 = arith.constant 640 : i32
      %mul3A_312 = arith.muli %arg1, %mul3A_311 : i32
      %mul3A_313 = arith.constant 128 : i32
      %mul3A_314 = arith.muli %add3A_310, %mul3A_313 : i32
      %add3A_315 = arith.addi %mul3A_312, %mul3A_314 : i32
      "tpu.region"() ({
        %run_scoped3A = tpu.sem_alloc : memref<!tpu.dma_semaphore, #tpu.memory_space<semaphore_mem>>
        %dma_start3A_316 = arith.constant 0 : i32
        %dma_start3A_317 = tpu.memref_slice %arg34[%add3A_315, %dma_start3A_316] : memref<10240x64xf32, #tpu.memory_space<vmem_shared>> -> memref<128x64xf32, #tpu.memory_space<vmem_shared>>
        %dma_start3A_318 = arith.constant 0 : i32
        %dma_start3A_319 = tpu.memref_slice %arg34[%add3A_315, %dma_start3A_318] : memref<10240x64xf32, #tpu.memory_space<vmem_shared>> -> memref<128x64xf32, #tpu.memory_space<vmem_shared>>
        tpu.enqueue_dma source(%arg32 : memref<128x64xf32, #tpu.memory_space<vmem>>) target(%dma_start3A_319 : memref<128x64xf32, #tpu.memory_space<vmem_shared>>) target_semaphore(%run_scoped3A : memref<!tpu.dma_semaphore, #tpu.memory_space<semaphore_mem>>)
        %dma_wait3A_320 = arith.constant 0 : i32
        %dma_wait3A_321 = tpu.memref_slice %arg34[%add3A_315, %dma_wait3A_320] : memref<10240x64xf32, #tpu.memory_space<vmem_shared>> -> memref<128x64xf32, #tpu.memory_space<vmem_shared>>
        %dma_wait3A_322 = arith.constant 0 : i32
        %dma_wait3A_323 = tpu.memref_slice %arg34[%add3A_315, %dma_wait3A_322] : memref<10240x64xf32, #tpu.memory_space<vmem_shared>> -> memref<128x64xf32, #tpu.memory_space<vmem_shared>>
        tpu.wait_dma2 semaphore(%run_scoped3A : memref<!tpu.dma_semaphore, #tpu.memory_space<semaphore_mem>>) src(%arg32 : memref<128x64xf32, #tpu.memory_space<vmem>>) dst(%dma_wait3A_323 : memref<128x64xf32, #tpu.memory_space<vmem_shared>>)
        tpu.yield
      }) : () -> ()
    }
    %scan3A_21 = arith.constant 5 : i32
    %mul3A = arith.constant 640 : i32
    %mul3A_22 = arith.muli %arg1, %mul3A : i32
    "tpu.region"() ({
      %run_scoped3A = tpu.sem_alloc : memref<!tpu.dma_semaphore, #tpu.memory_space<semaphore_mem>>
      %dma_start3A_306 = arith.constant 0 : i32
      %dma_start3A_307 = tpu.memref_slice %arg35[%mul3A_22, %dma_start3A_306] : memref<10240x16xf32, #tpu.memory_space<vmem_shared>> -> memref<640x16xf32, #tpu.memory_space<vmem_shared>>
      %dma_start3A_308 = arith.constant 0 : i32
      %dma_start3A_309 = tpu.memref_slice %arg35[%mul3A_22, %dma_start3A_308] : memref<10240x16xf32, #tpu.memory_space<vmem_shared>> -> memref<640x16xf32, #tpu.memory_space<vmem_shared>>
      tpu.enqueue_dma source(%arg33 : memref<640x16xf32, #tpu.memory_space<vmem>>) target(%dma_start3A_309 : memref<640x16xf32, #tpu.memory_space<vmem_shared>>) target_semaphore(%run_scoped3A : memref<!tpu.dma_semaphore, #tpu.memory_space<semaphore_mem>>)
      %dma_wait3A_310 = arith.constant 0 : i32
      %dma_wait3A_311 = tpu.memref_slice %arg35[%mul3A_22, %dma_wait3A_310] : memref<10240x16xf32, #tpu.memory_space<vmem_shared>> -> memref<640x16xf32, #tpu.memory_space<vmem_shared>>
      %dma_wait3A_312 = arith.constant 0 : i32
      %dma_wait3A_313 = tpu.memref_slice %arg35[%mul3A_22, %dma_wait3A_312] : memref<10240x16xf32, #tpu.memory_space<vmem_shared>> -> memref<640x16xf32, #tpu.memory_space<vmem_shared>>
      tpu.wait_dma2 semaphore(%run_scoped3A : memref<!tpu.dma_semaphore, #tpu.memory_space<semaphore_mem>>) src(%arg33 : memref<640x16xf32, #tpu.memory_space<vmem>>) dst(%dma_wait3A_313 : memref<640x16xf32, #tpu.memory_space<vmem_shared>>)
      tpu.yield
    }) : () -> ()
    %barrier3A = arith.constant 0 : index
    tpu.barrier barrier_id(%barrier3A)
    %mul3A_23 = arith.constant 20000 : i32
    %mul3A_24 = arith.muli %arg1, %mul3A_23 : i32
    %add3A = arith.constant 0 : i32
    %add3A_25 = arith.addi %mul3A_24, %add3A : i32
    %dma_start3A = tpu.memref_slice %arg3[%arg0, %add3A_25] : memref<3x320000xi32, #tpu.memory_space<hbm>> -> memref<1x80xi32, #tpu.memory_space<hbm>>
    %dma_start3A_26 = tpu.memref_squeeze %dma_start3A : memref<1x80xi32, #tpu.memory_space<hbm>> -> memref<80xi32, #tpu.memory_space<hbm>>
    %dma_start3A_27 = tpu.memref_slice %arg3[%arg0, %add3A_25] : memref<3x320000xi32, #tpu.memory_space<hbm>> -> memref<1x80xi32, #tpu.memory_space<hbm>>
    %dma_start3A_28 = tpu.memref_squeeze %dma_start3A_27 : memref<1x80xi32, #tpu.memory_space<hbm>> -> memref<80xi32, #tpu.memory_space<hbm>>
    tpu.enqueue_dma source(%dma_start3A_28 : memref<80xi32, #tpu.memory_space<hbm>>) target(%arg6 : memref<80xi32, #tpu.memory_space<vmem>>) target_semaphore(%arg36 : memref<!tpu.dma_semaphore, #tpu.memory_space<semaphore_mem>>)
    %mul3A_29 = arith.constant 20000 : i32
    %mul3A_30 = arith.muli %arg1, %mul3A_29 : i32
    %add3A_31 = arith.constant 0 : i32
    %add3A_32 = arith.addi %mul3A_30, %add3A_31 : i32
    %dma_start3A_33 = arith.constant 2 : i32
    %dma_start3A_34 = tpu.memref_slice %arg3[%dma_start3A_33, %add3A_32] : memref<3x320000xi32, #tpu.memory_space<hbm>> -> memref<1x80xi32, #tpu.memory_space<hbm>>
    %dma_start3A_35 = tpu.memref_squeeze %dma_start3A_34 : memref<1x80xi32, #tpu.memory_space<hbm>> -> memref<80xi32, #tpu.memory_space<hbm>>
    %dma_start3A_36 = tpu.memref_slice %arg3[%dma_start3A_33, %add3A_32] : memref<3x320000xi32, #tpu.memory_space<hbm>> -> memref<1x80xi32, #tpu.memory_space<hbm>>
    %dma_start3A_37 = tpu.memref_squeeze %dma_start3A_36 : memref<1x80xi32, #tpu.memory_space<hbm>> -> memref<80xi32, #tpu.memory_space<hbm>>
    tpu.enqueue_dma source(%dma_start3A_37 : memref<80xi32, #tpu.memory_space<hbm>>) target(%arg11 : memref<80xi32, #tpu.memory_space<vmem>>) target_semaphore(%arg36 : memref<!tpu.dma_semaphore, #tpu.memory_space<semaphore_mem>>)
    %mul3A_38 = arith.constant 20000 : i32
    %mul3A_39 = arith.muli %arg1, %mul3A_38 : i32
    %add3A_40 = arith.constant 400 : i32
    %add3A_41 = arith.addi %mul3A_39, %add3A_40 : i32
    %dma_start3A_42 = tpu.memref_slice %arg3[%arg0, %add3A_41] : memref<3x320000xi32, #tpu.memory_space<hbm>> -> memref<1x80xi32, #tpu.memory_space<hbm>>
    %dma_start3A_43 = tpu.memref_squeeze %dma_start3A_42 : memref<1x80xi32, #tpu.memory_space<hbm>> -> memref<80xi32, #tpu.memory_space<hbm>>
    %dma_start3A_44 = tpu.memref_slice %arg3[%arg0, %add3A_41] : memref<3x320000xi32, #tpu.memory_space<hbm>> -> memref<1x80xi32, #tpu.memory_space<hbm>>
    %dma_start3A_45 = tpu.memref_squeeze %dma_start3A_44 : memref<1x80xi32, #tpu.memory_space<hbm>> -> memref<80xi32, #tpu.memory_space<hbm>>
    tpu.enqueue_dma source(%dma_start3A_45 : memref<80xi32, #tpu.memory_space<hbm>>) target(%arg16 : memref<80xi32, #tpu.memory_space<vmem>>) target_semaphore(%arg41 : memref<!tpu.dma_semaphore, #tpu.memory_space<semaphore_mem>>)
    %mul3A_46 = arith.constant 20000 : i32
    %mul3A_47 = arith.muli %arg1, %mul3A_46 : i32
    %add3A_48 = arith.constant 400 : i32
    %add3A_49 = arith.addi %mul3A_47, %add3A_48 : i32
    %dma_start3A_50 = arith.constant 2 : i32
    %dma_start3A_51 = tpu.memref_slice %arg3[%dma_start3A_50, %add3A_49] : memref<3x320000xi32, #tpu.memory_space<hbm>> -> memref<1x80xi32, #tpu.memory_space<hbm>>
    %dma_start3A_52 = tpu.memref_squeeze %dma_start3A_51 : memref<1x80xi32, #tpu.memory_space<hbm>> -> memref<80xi32, #tpu.memory_space<hbm>>
    %dma_start3A_53 = tpu.memref_slice %arg3[%dma_start3A_50, %add3A_49] : memref<3x320000xi32, #tpu.memory_space<hbm>> -> memref<1x80xi32, #tpu.memory_space<hbm>>
    %dma_start3A_54 = tpu.memref_squeeze %dma_start3A_53 : memref<1x80xi32, #tpu.memory_space<hbm>> -> memref<80xi32, #tpu.memory_space<hbm>>
    tpu.enqueue_dma source(%dma_start3A_54 : memref<80xi32, #tpu.memory_space<hbm>>) target(%arg21 : memref<80xi32, #tpu.memory_space<vmem>>) target_semaphore(%arg41 : memref<!tpu.dma_semaphore, #tpu.memory_space<semaphore_mem>>)
    %mul3A_55 = arith.constant 20000 : i32
    %mul3A_56 = arith.muli %arg1, %mul3A_55 : i32
    %add3A_57 = arith.constant 80 : i32
    %add3A_58 = arith.addi %mul3A_56, %add3A_57 : i32
    %dma_start3A_59 = tpu.memref_slice %arg3[%arg0, %add3A_58] : memref<3x320000xi32, #tpu.memory_space<hbm>> -> memref<1x80xi32, #tpu.memory_space<hbm>>
    %dma_start3A_60 = tpu.memref_squeeze %dma_start3A_59 : memref<1x80xi32, #tpu.memory_space<hbm>> -> memref<80xi32, #tpu.memory_space<hbm>>
    %dma_start3A_61 = tpu.memref_slice %arg3[%arg0, %add3A_58] : memref<3x320000xi32, #tpu.memory_space<hbm>> -> memref<1x80xi32, #tpu.memory_space<hbm>>
    %dma_start3A_62 = tpu.memref_squeeze %dma_start3A_61 : memref<1x80xi32, #tpu.memory_space<hbm>> -> memref<80xi32, #tpu.memory_space<hbm>>
    tpu.enqueue_dma source(%dma_start3A_62 : memref<80xi32, #tpu.memory_space<hbm>>) target(%arg7 : memref<80xi32, #tpu.memory_space<vmem>>) target_semaphore(%arg37 : memref<!tpu.dma_semaphore, #tpu.memory_space<semaphore_mem>>)
    %mul3A_63 = arith.constant 20000 : i32
    %mul3A_64 = arith.muli %arg1, %mul3A_63 : i32
    %add3A_65 = arith.constant 80 : i32
    %add3A_66 = arith.addi %mul3A_64, %add3A_65 : i32
    %dma_start3A_67 = arith.constant 2 : i32
    %dma_start3A_68 = tpu.memref_slice %arg3[%dma_start3A_67, %add3A_66] : memref<3x320000xi32, #tpu.memory_space<hbm>> -> memref<1x80xi32, #tpu.memory_space<hbm>>
    %dma_start3A_69 = tpu.memref_squeeze %dma_start3A_68 : memref<1x80xi32, #tpu.memory_space<hbm>> -> memref<80xi32, #tpu.memory_space<hbm>>
    %dma_start3A_70 = tpu.memref_slice %arg3[%dma_start3A_67, %add3A_66] : memref<3x320000xi32, #tpu.memory_space<hbm>> -> memref<1x80xi32, #tpu.memory_space<hbm>>
    %dma_start3A_71 = tpu.memref_squeeze %dma_start3A_70 : memref<1x80xi32, #tpu.memory_space<hbm>> -> memref<80xi32, #tpu.memory_space<hbm>>
    tpu.enqueue_dma source(%dma_start3A_71 : memref<80xi32, #tpu.memory_space<hbm>>) target(%arg12 : memref<80xi32, #tpu.memory_space<vmem>>) target_semaphore(%arg37 : memref<!tpu.dma_semaphore, #tpu.memory_space<semaphore_mem>>)
    %mul3A_72 = arith.constant 20000 : i32
    %mul3A_73 = arith.muli %arg1, %mul3A_72 : i32
    %add3A_74 = arith.constant 480 : i32
    %add3A_75 = arith.addi %mul3A_73, %add3A_74 : i32
    %dma_start3A_76 = tpu.memref_slice %arg3[%arg0, %add3A_75] : memref<3x320000xi32, #tpu.memory_space<hbm>> -> memref<1x80xi32, #tpu.memory_space<hbm>>
    %dma_start3A_77 = tpu.memref_squeeze %dma_start3A_76 : memref<1x80xi32, #tpu.memory_space<hbm>> -> memref<80xi32, #tpu.memory_space<hbm>>
    %dma_start3A_78 = tpu.memref_slice %arg3[%arg0, %add3A_75] : memref<3x320000xi32, #tpu.memory_space<hbm>> -> memref<1x80xi32, #tpu.memory_space<hbm>>
    %dma_start3A_79 = tpu.memref_squeeze %dma_start3A_78 : memref<1x80xi32, #tpu.memory_space<hbm>> -> memref<80xi32, #tpu.memory_space<hbm>>
    tpu.enqueue_dma source(%dma_start3A_79 : memref<80xi32, #tpu.memory_space<hbm>>) target(%arg17 : memref<80xi32, #tpu.memory_space<vmem>>) target_semaphore(%arg42 : memref<!tpu.dma_semaphore, #tpu.memory_space<semaphore_mem>>)
    %mul3A_80 = arith.constant 20000 : i32
    %mul3A_81 = arith.muli %arg1, %mul3A_80 : i32
    %add3A_82 = arith.constant 480 : i32
    %add3A_83 = arith.addi %mul3A_81, %add3A_82 : i32
    %dma_start3A_84 = arith.constant 2 : i32
    %dma_start3A_85 = tpu.memref_slice %arg3[%dma_start3A_84, %add3A_83] : memref<3x320000xi32, #tpu.memory_space<hbm>> -> memref<1x80xi32, #tpu.memory_space<hbm>>
    %dma_start3A_86 = tpu.memref_squeeze %dma_start3A_85 : memref<1x80xi32, #tpu.memory_space<hbm>> -> memref<80xi32, #tpu.memory_space<hbm>>
    %dma_start3A_87 = tpu.memref_slice %arg3[%dma_start3A_84, %add3A_83] : memref<3x320000xi32, #tpu.memory_space<hbm>> -> memref<1x80xi32, #tpu.memory_space<hbm>>
    %dma_start3A_88 = tpu.memref_squeeze %dma_start3A_87 : memref<1x80xi32, #tpu.memory_space<hbm>> -> memref<80xi32, #tpu.memory_space<hbm>>
    tpu.enqueue_dma source(%dma_start3A_88 : memref<80xi32, #tpu.memory_space<hbm>>) target(%arg22 : memref<80xi32, #tpu.memory_space<vmem>>) target_semaphore(%arg42 : memref<!tpu.dma_semaphore, #tpu.memory_space<semaphore_mem>>)
    %mul3A_89 = arith.constant 20000 : i32
    %mul3A_90 = arith.muli %arg1, %mul3A_89 : i32
    %add3A_91 = arith.constant 160 : i32
    %add3A_92 = arith.addi %mul3A_90, %add3A_91 : i32
    %dma_start3A_93 = tpu.memref_slice %arg3[%arg0, %add3A_92] : memref<3x320000xi32, #tpu.memory_space<hbm>> -> memref<1x80xi32, #tpu.memory_space<hbm>>
    %dma_start3A_94 = tpu.memref_squeeze %dma_start3A_93 : memref<1x80xi32, #tpu.memory_space<hbm>> -> memref<80xi32, #tpu.memory_space<hbm>>
    %dma_start3A_95 = tpu.memref_slice %arg3[%arg0, %add3A_92] : memref<3x320000xi32, #tpu.memory_space<hbm>> -> memref<1x80xi32, #tpu.memory_space<hbm>>
    %dma_start3A_96 = tpu.memref_squeeze %dma_start3A_95 : memref<1x80xi32, #tpu.memory_space<hbm>> -> memref<80xi32, #tpu.memory_space<hbm>>
    tpu.enqueue_dma source(%dma_start3A_96 : memref<80xi32, #tpu.memory_space<hbm>>) target(%arg8 : memref<80xi32, #tpu.memory_space<vmem>>) target_semaphore(%arg38 : memref<!tpu.dma_semaphore, #tpu.memory_space<semaphore_mem>>)
    %mul3A_97 = arith.constant 20000 : i32
    %mul3A_98 = arith.muli %arg1, %mul3A_97 : i32
    %add3A_99 = arith.constant 160 : i32
    %add3A_100 = arith.addi %mul3A_98, %add3A_99 : i32
    %dma_start3A_101 = arith.constant 2 : i32
    %dma_start3A_102 = tpu.memref_slice %arg3[%dma_start3A_101, %add3A_100] : memref<3x320000xi32, #tpu.memory_space<hbm>> -> memref<1x80xi32, #tpu.memory_space<hbm>>
    %dma_start3A_103 = tpu.memref_squeeze %dma_start3A_102 : memref<1x80xi32, #tpu.memory_space<hbm>> -> memref<80xi32, #tpu.memory_space<hbm>>
    %dma_start3A_104 = tpu.memref_slice %arg3[%dma_start3A_101, %add3A_100] : memref<3x320000xi32, #tpu.memory_space<hbm>> -> memref<1x80xi32, #tpu.memory_space<hbm>>
    %dma_start3A_105 = tpu.memref_squeeze %dma_start3A_104 : memref<1x80xi32, #tpu.memory_space<hbm>> -> memref<80xi32, #tpu.memory_space<hbm>>
    tpu.enqueue_dma source(%dma_start3A_105 : memref<80xi32, #tpu.memory_space<hbm>>) target(%arg13 : memref<80xi32, #tpu.memory_space<vmem>>) target_semaphore(%arg38 : memref<!tpu.dma_semaphore, #tpu.memory_space<semaphore_mem>>)
    %mul3A_106 = arith.constant 20000 : i32
    %mul3A_107 = arith.muli %arg1, %mul3A_106 : i32
    %add3A_108 = arith.constant 560 : i32
    %add3A_109 = arith.addi %mul3A_107, %add3A_108 : i32
    %dma_start3A_110 = tpu.memref_slice %arg3[%arg0, %add3A_109] : memref<3x320000xi32, #tpu.memory_space<hbm>> -> memref<1x80xi32, #tpu.memory_space<hbm>>
    %dma_start3A_111 = tpu.memref_squeeze %dma_start3A_110 : memref<1x80xi32, #tpu.memory_space<hbm>> -> memref<80xi32, #tpu.memory_space<hbm>>
    %dma_start3A_112 = tpu.memref_slice %arg3[%arg0, %add3A_109] : memref<3x320000xi32, #tpu.memory_space<hbm>> -> memref<1x80xi32, #tpu.memory_space<hbm>>
    %dma_start3A_113 = tpu.memref_squeeze %dma_start3A_112 : memref<1x80xi32, #tpu.memory_space<hbm>> -> memref<80xi32, #tpu.memory_space<hbm>>
    tpu.enqueue_dma source(%dma_start3A_113 : memref<80xi32, #tpu.memory_space<hbm>>) target(%arg18 : memref<80xi32, #tpu.memory_space<vmem>>) target_semaphore(%arg43 : memref<!tpu.dma_semaphore, #tpu.memory_space<semaphore_mem>>)
    %mul3A_114 = arith.constant 20000 : i32
    %mul3A_115 = arith.muli %arg1, %mul3A_114 : i32
    %add3A_116 = arith.constant 560 : i32
    %add3A_117 = arith.addi %mul3A_115, %add3A_116 : i32
    %dma_start3A_118 = arith.constant 2 : i32
    %dma_start3A_119 = tpu.memref_slice %arg3[%dma_start3A_118, %add3A_117] : memref<3x320000xi32, #tpu.memory_space<hbm>> -> memref<1x80xi32, #tpu.memory_space<hbm>>
    %dma_start3A_120 = tpu.memref_squeeze %dma_start3A_119 : memref<1x80xi32, #tpu.memory_space<hbm>> -> memref<80xi32, #tpu.memory_space<hbm>>
    %dma_start3A_121 = tpu.memref_slice %arg3[%dma_start3A_118, %add3A_117] : memref<3x320000xi32, #tpu.memory_space<hbm>> -> memref<1x80xi32, #tpu.memory_space<hbm>>
    %dma_start3A_122 = tpu.memref_squeeze %dma_start3A_121 : memref<1x80xi32, #tpu.memory_space<hbm>> -> memref<80xi32, #tpu.memory_space<hbm>>
    tpu.enqueue_dma source(%dma_start3A_122 : memref<80xi32, #tpu.memory_space<hbm>>) target(%arg23 : memref<80xi32, #tpu.memory_space<vmem>>) target_semaphore(%arg43 : memref<!tpu.dma_semaphore, #tpu.memory_space<semaphore_mem>>)
    %mul3A_123 = arith.constant 20000 : i32
    %mul3A_124 = arith.muli %arg1, %mul3A_123 : i32
    %add3A_125 = arith.constant 240 : i32
    %add3A_126 = arith.addi %mul3A_124, %add3A_125 : i32
    %dma_start3A_127 = tpu.memref_slice %arg3[%arg0, %add3A_126] : memref<3x320000xi32, #tpu.memory_space<hbm>> -> memref<1x80xi32, #tpu.memory_space<hbm>>
    %dma_start3A_128 = tpu.memref_squeeze %dma_start3A_127 : memref<1x80xi32, #tpu.memory_space<hbm>> -> memref<80xi32, #tpu.memory_space<hbm>>
    %dma_start3A_129 = tpu.memref_slice %arg3[%arg0, %add3A_126] : memref<3x320000xi32, #tpu.memory_space<hbm>> -> memref<1x80xi32, #tpu.memory_space<hbm>>
    %dma_start3A_130 = tpu.memref_squeeze %dma_start3A_129 : memref<1x80xi32, #tpu.memory_space<hbm>> -> memref<80xi32, #tpu.memory_space<hbm>>
    tpu.enqueue_dma source(%dma_start3A_130 : memref<80xi32, #tpu.memory_space<hbm>>) target(%arg9 : memref<80xi32, #tpu.memory_space<vmem>>) target_semaphore(%arg39 : memref<!tpu.dma_semaphore, #tpu.memory_space<semaphore_mem>>)
    %mul3A_131 = arith.constant 20000 : i32
    %mul3A_132 = arith.muli %arg1, %mul3A_131 : i32
    %add3A_133 = arith.constant 240 : i32
    %add3A_134 = arith.addi %mul3A_132, %add3A_133 : i32
    %dma_start3A_135 = arith.constant 2 : i32
    %dma_start3A_136 = tpu.memref_slice %arg3[%dma_start3A_135, %add3A_134] : memref<3x320000xi32, #tpu.memory_space<hbm>> -> memref<1x80xi32, #tpu.memory_space<hbm>>
    %dma_start3A_137 = tpu.memref_squeeze %dma_start3A_136 : memref<1x80xi32, #tpu.memory_space<hbm>> -> memref<80xi32, #tpu.memory_space<hbm>>
    %dma_start3A_138 = tpu.memref_slice %arg3[%dma_start3A_135, %add3A_134] : memref<3x320000xi32, #tpu.memory_space<hbm>> -> memref<1x80xi32, #tpu.memory_space<hbm>>
    %dma_start3A_139 = tpu.memref_squeeze %dma_start3A_138 : memref<1x80xi32, #tpu.memory_space<hbm>> -> memref<80xi32, #tpu.memory_space<hbm>>
    tpu.enqueue_dma source(%dma_start3A_139 : memref<80xi32, #tpu.memory_space<hbm>>) target(%arg14 : memref<80xi32, #tpu.memory_space<vmem>>) target_semaphore(%arg39 : memref<!tpu.dma_semaphore, #tpu.memory_space<semaphore_mem>>)
    %mul3A_140 = arith.constant 20000 : i32
    %mul3A_141 = arith.muli %arg1, %mul3A_140 : i32
    %add3A_142 = arith.constant 640 : i32
    %add3A_143 = arith.addi %mul3A_141, %add3A_142 : i32
    %dma_start3A_144 = tpu.memref_slice %arg3[%arg0, %add3A_143] : memref<3x320000xi32, #tpu.memory_space<hbm>> -> memref<1x80xi32, #tpu.memory_space<hbm>>
    %dma_start3A_145 = tpu.memref_squeeze %dma_start3A_144 : memref<1x80xi32, #tpu.memory_space<hbm>> -> memref<80xi32, #tpu.memory_space<hbm>>
    %dma_start3A_146 = tpu.memref_slice %arg3[%arg0, %add3A_143] : memref<3x320000xi32, #tpu.memory_space<hbm>> -> memref<1x80xi32, #tpu.memory_space<hbm>>
    %dma_start3A_147 = tpu.memref_squeeze %dma_start3A_146 : memref<1x80xi32, #tpu.memory_space<hbm>> -> memref<80xi32, #tpu.memory_space<hbm>>
    tpu.enqueue_dma source(%dma_start3A_147 : memref<80xi32, #tpu.memory_space<hbm>>) target(%arg19 : memref<80xi32, #tpu.memory_space<vmem>>) target_semaphore(%arg44 : memref<!tpu.dma_semaphore, #tpu.memory_space<semaphore_mem>>)
    %mul3A_148 = arith.constant 20000 : i32
    %mul3A_149 = arith.muli %arg1, %mul3A_148 : i32
    %add3A_150 = arith.constant 640 : i32
    %add3A_151 = arith.addi %mul3A_149, %add3A_150 : i32
    %dma_start3A_152 = arith.constant 2 : i32
    %dma_start3A_153 = tpu.memref_slice %arg3[%dma_start3A_152, %add3A_151] : memref<3x320000xi32, #tpu.memory_space<hbm>> -> memref<1x80xi32, #tpu.memory_space<hbm>>
    %dma_start3A_154 = tpu.memref_squeeze %dma_start3A_153 : memref<1x80xi32, #tpu.memory_space<hbm>> -> memref<80xi32, #tpu.memory_space<hbm>>
    %dma_start3A_155 = tpu.memref_slice %arg3[%dma_start3A_152, %add3A_151] : memref<3x320000xi32, #tpu.memory_space<hbm>> -> memref<1x80xi32, #tpu.memory_space<hbm>>
    %dma_start3A_156 = tpu.memref_squeeze %dma_start3A_155 : memref<1x80xi32, #tpu.memory_space<hbm>> -> memref<80xi32, #tpu.memory_space<hbm>>
    tpu.enqueue_dma source(%dma_start3A_156 : memref<80xi32, #tpu.memory_space<hbm>>) target(%arg24 : memref<80xi32, #tpu.memory_space<vmem>>) target_semaphore(%arg44 : memref<!tpu.dma_semaphore, #tpu.memory_space<semaphore_mem>>)
    %mul3A_157 = arith.constant 20000 : i32
    %mul3A_158 = arith.muli %arg1, %mul3A_157 : i32
    %add3A_159 = arith.constant 320 : i32
    %add3A_160 = arith.addi %mul3A_158, %add3A_159 : i32
    %dma_start3A_161 = tpu.memref_slice %arg3[%arg0, %add3A_160] : memref<3x320000xi32, #tpu.memory_space<hbm>> -> memref<1x80xi32, #tpu.memory_space<hbm>>
    %dma_start3A_162 = tpu.memref_squeeze %dma_start3A_161 : memref<1x80xi32, #tpu.memory_space<hbm>> -> memref<80xi32, #tpu.memory_space<hbm>>
    %dma_start3A_163 = tpu.memref_slice %arg3[%arg0, %add3A_160] : memref<3x320000xi32, #tpu.memory_space<hbm>> -> memref<1x80xi32, #tpu.memory_space<hbm>>
    %dma_start3A_164 = tpu.memref_squeeze %dma_start3A_163 : memref<1x80xi32, #tpu.memory_space<hbm>> -> memref<80xi32, #tpu.memory_space<hbm>>
    tpu.enqueue_dma source(%dma_start3A_164 : memref<80xi32, #tpu.memory_space<hbm>>) target(%arg10 : memref<80xi32, #tpu.memory_space<vmem>>) target_semaphore(%arg40 : memref<!tpu.dma_semaphore, #tpu.memory_space<semaphore_mem>>)
    %mul3A_165 = arith.constant 20000 : i32
    %mul3A_166 = arith.muli %arg1, %mul3A_165 : i32
    %add3A_167 = arith.constant 320 : i32
    %add3A_168 = arith.addi %mul3A_166, %add3A_167 : i32
    %dma_start3A_169 = arith.constant 2 : i32
    %dma_start3A_170 = tpu.memref_slice %arg3[%dma_start3A_169, %add3A_168] : memref<3x320000xi32, #tpu.memory_space<hbm>> -> memref<1x80xi32, #tpu.memory_space<hbm>>
    %dma_start3A_171 = tpu.memref_squeeze %dma_start3A_170 : memref<1x80xi32, #tpu.memory_space<hbm>> -> memref<80xi32, #tpu.memory_space<hbm>>
    %dma_start3A_172 = tpu.memref_slice %arg3[%dma_start3A_169, %add3A_168] : memref<3x320000xi32, #tpu.memory_space<hbm>> -> memref<1x80xi32, #tpu.memory_space<hbm>>
    %dma_start3A_173 = tpu.memref_squeeze %dma_start3A_172 : memref<1x80xi32, #tpu.memory_space<hbm>> -> memref<80xi32, #tpu.memory_space<hbm>>
    tpu.enqueue_dma source(%dma_start3A_173 : memref<80xi32, #tpu.memory_space<hbm>>) target(%arg15 : memref<80xi32, #tpu.memory_space<vmem>>) target_semaphore(%arg40 : memref<!tpu.dma_semaphore, #tpu.memory_space<semaphore_mem>>)
    %mul3A_174 = arith.constant 20000 : i32
    %mul3A_175 = arith.muli %arg1, %mul3A_174 : i32
    %add3A_176 = arith.constant 720 : i32
    %add3A_177 = arith.addi %mul3A_175, %add3A_176 : i32
    %dma_start3A_178 = tpu.memref_slice %arg3[%arg0, %add3A_177] : memref<3x320000xi32, #tpu.memory_space<hbm>> -> memref<1x80xi32, #tpu.memory_space<hbm>>
    %dma_start3A_179 = tpu.memref_squeeze %dma_start3A_178 : memref<1x80xi32, #tpu.memory_space<hbm>> -> memref<80xi32, #tpu.memory_space<hbm>>
    %dma_start3A_180 = tpu.memref_slice %arg3[%arg0, %add3A_177] : memref<3x320000xi32, #tpu.memory_space<hbm>> -> memref<1x80xi32, #tpu.memory_space<hbm>>
    %dma_start3A_181 = tpu.memref_squeeze %dma_start3A_180 : memref<1x80xi32, #tpu.memory_space<hbm>> -> memref<80xi32, #tpu.memory_space<hbm>>
    tpu.enqueue_dma source(%dma_start3A_181 : memref<80xi32, #tpu.memory_space<hbm>>) target(%arg20 : memref<80xi32, #tpu.memory_space<vmem>>) target_semaphore(%arg45 : memref<!tpu.dma_semaphore, #tpu.memory_space<semaphore_mem>>)
    %mul3A_182 = arith.constant 20000 : i32
    %mul3A_183 = arith.muli %arg1, %mul3A_182 : i32
    %add3A_184 = arith.constant 720 : i32
    %add3A_185 = arith.addi %mul3A_183, %add3A_184 : i32
    %dma_start3A_186 = arith.constant 2 : i32
    %dma_start3A_187 = tpu.memref_slice %arg3[%dma_start3A_186, %add3A_185] : memref<3x320000xi32, #tpu.memory_space<hbm>> -> memref<1x80xi32, #tpu.memory_space<hbm>>
    %dma_start3A_188 = tpu.memref_squeeze %dma_start3A_187 : memref<1x80xi32, #tpu.memory_space<hbm>> -> memref<80xi32, #tpu.memory_space<hbm>>
    %dma_start3A_189 = tpu.memref_slice %arg3[%dma_start3A_186, %add3A_185] : memref<3x320000xi32, #tpu.memory_space<hbm>> -> memref<1x80xi32, #tpu.memory_space<hbm>>
    %dma_start3A_190 = tpu.memref_squeeze %dma_start3A_189 : memref<1x80xi32, #tpu.memory_space<hbm>> -> memref<80xi32, #tpu.memory_space<hbm>>
    tpu.enqueue_dma source(%dma_start3A_190 : memref<80xi32, #tpu.memory_space<hbm>>) target(%arg25 : memref<80xi32, #tpu.memory_space<vmem>>) target_semaphore(%arg45 : memref<!tpu.dma_semaphore, #tpu.memory_space<semaphore_mem>>)
    %mul3A_191 = arith.constant 20000 : i32
    %mul3A_192 = arith.muli %arg1, %mul3A_191 : i32
    %add3A_193 = arith.constant 0 : i32
    %add3A_194 = arith.addi %mul3A_192, %add3A_193 : i32
    %dma_wait3A = tpu.memref_slice %arg3[%arg0, %add3A_194] : memref<3x320000xi32, #tpu.memory_space<hbm>> -> memref<1x80xi32, #tpu.memory_space<hbm>>
    %dma_wait3A_195 = tpu.memref_squeeze %dma_wait3A : memref<1x80xi32, #tpu.memory_space<hbm>> -> memref<80xi32, #tpu.memory_space<hbm>>
    %dma_wait3A_196 = tpu.memref_slice %arg3[%arg0, %add3A_194] : memref<3x320000xi32, #tpu.memory_space<hbm>> -> memref<1x80xi32, #tpu.memory_space<hbm>>
    %dma_wait3A_197 = tpu.memref_squeeze %dma_wait3A_196 : memref<1x80xi32, #tpu.memory_space<hbm>> -> memref<80xi32, #tpu.memory_space<hbm>>
    tpu.wait_dma2 semaphore(%arg36 : memref<!tpu.dma_semaphore, #tpu.memory_space<semaphore_mem>>) src(%dma_wait3A_197 : memref<80xi32, #tpu.memory_space<hbm>>) dst(%arg6 : memref<80xi32, #tpu.memory_space<vmem>>)
    %mul3A_198 = arith.constant 20000 : i32
    %mul3A_199 = arith.muli %arg1, %mul3A_198 : i32
    %add3A_200 = arith.constant 0 : i32
    %add3A_201 = arith.addi %mul3A_199, %add3A_200 : i32
    %dma_wait3A_202 = arith.constant 2 : i32
    %dma_wait3A_203 = tpu.memref_slice %arg3[%dma_wait3A_202, %add3A_201] : memref<3x320000xi32, #tpu.memory_space<hbm>> -> memref<1x80xi32, #tpu.memory_space<hbm>>
    %dma_wait3A_204 = tpu.memref_squeeze %dma_wait3A_203 : memref<1x80xi32, #tpu.memory_space<hbm>> -> memref<80xi32, #tpu.memory_space<hbm>>
    %dma_wait3A_205 = tpu.memref_slice %arg3[%dma_wait3A_202, %add3A_201] : memref<3x320000xi32, #tpu.memory_space<hbm>> -> memref<1x80xi32, #tpu.memory_space<hbm>>
    %dma_wait3A_206 = tpu.memref_squeeze %dma_wait3A_205 : memref<1x80xi32, #tpu.memory_space<hbm>> -> memref<80xi32, #tpu.memory_space<hbm>>
    tpu.wait_dma2 semaphore(%arg36 : memref<!tpu.dma_semaphore, #tpu.memory_space<semaphore_mem>>) src(%dma_wait3A_206 : memref<80xi32, #tpu.memory_space<hbm>>) dst(%arg11 : memref<80xi32, #tpu.memory_space<vmem>>)
    %dma_start3A_207 = arith.constant 0 : i32
    %dma_start3A_208 = arith.constant 0 : i32
    %dma_start3A_209 = tpu.memref_slice %arg2[%dma_start3A_207, %dma_start3A_208] : memref<20000x64xf32, #tpu.memory_space<hbm>> -> memref<20000x64xf32, #tpu.memory_space<hbm>>
    tpu.enqueue_indirect_dma source(%dma_start3A_209 : memref<20000x64xf32, #tpu.memory_space<hbm>>) target(%arg26 : memref<80x64xf32, #tpu.memory_space<vmem>>) offsets(%arg6 : memref<80xi32, #tpu.memory_space<vmem>>) semaphore(%arg46 : memref<!tpu.dma_semaphore, #tpu.memory_space<semaphore_mem>>)
    %mul3A_210 = arith.constant 20000 : i32
    %mul3A_211 = arith.muli %arg1, %mul3A_210 : i32
    %add3A_212 = arith.constant 80 : i32
    %add3A_213 = arith.addi %mul3A_211, %add3A_212 : i32
    %dma_wait3A_214 = tpu.memref_slice %arg3[%arg0, %add3A_213] : memref<3x320000xi32, #tpu.memory_space<hbm>> -> memref<1x80xi32, #tpu.memory_space<hbm>>
    %dma_wait3A_215 = tpu.memref_squeeze %dma_wait3A_214 : memref<1x80xi32, #tpu.memory_space<hbm>> -> memref<80xi32, #tpu.memory_space<hbm>>
    %dma_wait3A_216 = tpu.memref_slice %arg3[%arg0, %add3A_213] : memref<3x320000xi32, #tpu.memory_space<hbm>> -> memref<1x80xi32, #tpu.memory_space<hbm>>
    %dma_wait3A_217 = tpu.memref_squeeze %dma_wait3A_216 : memref<1x80xi32, #tpu.memory_space<hbm>> -> memref<80xi32, #tpu.memory_space<hbm>>
    tpu.wait_dma2 semaphore(%arg37 : memref<!tpu.dma_semaphore, #tpu.memory_space<semaphore_mem>>) src(%dma_wait3A_217 : memref<80xi32, #tpu.memory_space<hbm>>) dst(%arg7 : memref<80xi32, #tpu.memory_space<vmem>>)
    %mul3A_218 = arith.constant 20000 : i32
    %mul3A_219 = arith.muli %arg1, %mul3A_218 : i32
    %add3A_220 = arith.constant 80 : i32
    %add3A_221 = arith.addi %mul3A_219, %add3A_220 : i32
    %dma_wait3A_222 = arith.constant 2 : i32
    %dma_wait3A_223 = tpu.memref_slice %arg3[%dma_wait3A_222, %add3A_221] : memref<3x320000xi32, #tpu.memory_space<hbm>> -> memref<1x80xi32, #tpu.memory_space<hbm>>
    %dma_wait3A_224 = tpu.memref_squeeze %dma_wait3A_223 : memref<1x80xi32, #tpu.memory_space<hbm>> -> memref<80xi32, #tpu.memory_space<hbm>>
    %dma_wait3A_225 = tpu.memref_slice %arg3[%dma_wait3A_222, %add3A_221] : memref<3x320000xi32, #tpu.memory_space<hbm>> -> memref<1x80xi32, #tpu.memory_space<hbm>>
    %dma_wait3A_226 = tpu.memref_squeeze %dma_wait3A_225 : memref<1x80xi32, #tpu.memory_space<hbm>> -> memref<80xi32, #tpu.memory_space<hbm>>
    tpu.wait_dma2 semaphore(%arg37 : memref<!tpu.dma_semaphore, #tpu.memory_space<semaphore_mem>>) src(%dma_wait3A_226 : memref<80xi32, #tpu.memory_space<hbm>>) dst(%arg12 : memref<80xi32, #tpu.memory_space<vmem>>)
    %dma_start3A_227 = arith.constant 0 : i32
    %dma_start3A_228 = arith.constant 0 : i32
    %dma_start3A_229 = tpu.memref_slice %arg2[%dma_start3A_227, %dma_start3A_228] : memref<20000x64xf32, #tpu.memory_space<hbm>> -> memref<20000x64xf32, #tpu.memory_space<hbm>>
    tpu.enqueue_indirect_dma source(%dma_start3A_229 : memref<20000x64xf32, #tpu.memory_space<hbm>>) target(%arg27 : memref<80x64xf32, #tpu.memory_space<vmem>>) offsets(%arg7 : memref<80xi32, #tpu.memory_space<vmem>>) semaphore(%arg47 : memref<!tpu.dma_semaphore, #tpu.memory_space<semaphore_mem>>)
    %mul3A_230 = arith.constant 20000 : i32
    %mul3A_231 = arith.muli %arg1, %mul3A_230 : i32
    %add3A_232 = arith.constant 160 : i32
    %add3A_233 = arith.addi %mul3A_231, %add3A_232 : i32
    %dma_wait3A_234 = tpu.memref_slice %arg3[%arg0, %add3A_233] : memref<3x320000xi32, #tpu.memory_space<hbm>> -> memref<1x80xi32, #tpu.memory_space<hbm>>
    %dma_wait3A_235 = tpu.memref_squeeze %dma_wait3A_234 : memref<1x80xi32, #tpu.memory_space<hbm>> -> memref<80xi32, #tpu.memory_space<hbm>>
    %dma_wait3A_236 = tpu.memref_slice %arg3[%arg0, %add3A_233] : memref<3x320000xi32, #tpu.memory_space<hbm>> -> memref<1x80xi32, #tpu.memory_space<hbm>>
    %dma_wait3A_237 = tpu.memref_squeeze %dma_wait3A_236 : memref<1x80xi32, #tpu.memory_space<hbm>> -> memref<80xi32, #tpu.memory_space<hbm>>
    tpu.wait_dma2 semaphore(%arg38 : memref<!tpu.dma_semaphore, #tpu.memory_space<semaphore_mem>>) src(%dma_wait3A_237 : memref<80xi32, #tpu.memory_space<hbm>>) dst(%arg8 : memref<80xi32, #tpu.memory_space<vmem>>)
    %mul3A_238 = arith.constant 20000 : i32
    %mul3A_239 = arith.muli %arg1, %mul3A_238 : i32
    %add3A_240 = arith.constant 160 : i32
    %add3A_241 = arith.addi %mul3A_239, %add3A_240 : i32
    %dma_wait3A_242 = arith.constant 2 : i32
    %dma_wait3A_243 = tpu.memref_slice %arg3[%dma_wait3A_242, %add3A_241] : memref<3x320000xi32, #tpu.memory_space<hbm>> -> memref<1x80xi32, #tpu.memory_space<hbm>>
    %dma_wait3A_244 = tpu.memref_squeeze %dma_wait3A_243 : memref<1x80xi32, #tpu.memory_space<hbm>> -> memref<80xi32, #tpu.memory_space<hbm>>
    %dma_wait3A_245 = tpu.memref_slice %arg3[%dma_wait3A_242, %add3A_241] : memref<3x320000xi32, #tpu.memory_space<hbm>> -> memref<1x80xi32, #tpu.memory_space<hbm>>
    %dma_wait3A_246 = tpu.memref_squeeze %dma_wait3A_245 : memref<1x80xi32, #tpu.memory_space<hbm>> -> memref<80xi32, #tpu.memory_space<hbm>>
    tpu.wait_dma2 semaphore(%arg38 : memref<!tpu.dma_semaphore, #tpu.memory_space<semaphore_mem>>) src(%dma_wait3A_246 : memref<80xi32, #tpu.memory_space<hbm>>) dst(%arg13 : memref<80xi32, #tpu.memory_space<vmem>>)
    %dma_start3A_247 = arith.constant 0 : i32
    %dma_start3A_248 = arith.constant 0 : i32
    %dma_start3A_249 = tpu.memref_slice %arg2[%dma_start3A_247, %dma_start3A_248] : memref<20000x64xf32, #tpu.memory_space<hbm>> -> memref<20000x64xf32, #tpu.memory_space<hbm>>
    tpu.enqueue_indirect_dma source(%dma_start3A_249 : memref<20000x64xf32, #tpu.memory_space<hbm>>) target(%arg28 : memref<80x64xf32, #tpu.memory_space<vmem>>) offsets(%arg8 : memref<80xi32, #tpu.memory_space<vmem>>) semaphore(%arg48 : memref<!tpu.dma_semaphore, #tpu.memory_space<semaphore_mem>>)
    %mul3A_250 = arith.constant 20000 : i32
    %mul3A_251 = arith.muli %arg1, %mul3A_250 : i32
    %add3A_252 = arith.constant 240 : i32
    %add3A_253 = arith.addi %mul3A_251, %add3A_252 : i32
    %dma_wait3A_254 = tpu.memref_slice %arg3[%arg0, %add3A_253] : memref<3x320000xi32, #tpu.memory_space<hbm>> -> memref<1x80xi32, #tpu.memory_space<hbm>>
    %dma_wait3A_255 = tpu.memref_squeeze %dma_wait3A_254 : memref<1x80xi32, #tpu.memory_space<hbm>> -> memref<80xi32, #tpu.memory_space<hbm>>
    %dma_wait3A_256 = tpu.memref_slice %arg3[%arg0, %add3A_253] : memref<3x320000xi32, #tpu.memory_space<hbm>> -> memref<1x80xi32, #tpu.memory_space<hbm>>
    %dma_wait3A_257 = tpu.memref_squeeze %dma_wait3A_256 : memref<1x80xi32, #tpu.memory_space<hbm>> -> memref<80xi32, #tpu.memory_space<hbm>>
    tpu.wait_dma2 semaphore(%arg39 : memref<!tpu.dma_semaphore, #tpu.memory_space<semaphore_mem>>) src(%dma_wait3A_257 : memref<80xi32, #tpu.memory_space<hbm>>) dst(%arg9 : memref<80xi32, #tpu.memory_space<vmem>>)
    %mul3A_258 = arith.constant 20000 : i32
    %mul3A_259 = arith.muli %arg1, %mul3A_258 : i32
    %add3A_260 = arith.constant 240 : i32
    %add3A_261 = arith.addi %mul3A_259, %add3A_260 : i32
    %dma_wait3A_262 = arith.constant 2 : i32
    %dma_wait3A_263 = tpu.memref_slice %arg3[%dma_wait3A_262, %add3A_261] : memref<3x320000xi32, #tpu.memory_space<hbm>> -> memref<1x80xi32, #tpu.memory_space<hbm>>
    %dma_wait3A_264 = tpu.memref_squeeze %dma_wait3A_263 : memref<1x80xi32, #tpu.memory_space<hbm>> -> memref<80xi32, #tpu.memory_space<hbm>>
    %dma_wait3A_265 = tpu.memref_slice %arg3[%dma_wait3A_262, %add3A_261] : memref<3x320000xi32, #tpu.memory_space<hbm>> -> memref<1x80xi32, #tpu.memory_space<hbm>>
    %dma_wait3A_266 = tpu.memref_squeeze %dma_wait3A_265 : memref<1x80xi32, #tpu.memory_space<hbm>> -> memref<80xi32, #tpu.memory_space<hbm>>
    tpu.wait_dma2 semaphore(%arg39 : memref<!tpu.dma_semaphore, #tpu.memory_space<semaphore_mem>>) src(%dma_wait3A_266 : memref<80xi32, #tpu.memory_space<hbm>>) dst(%arg14 : memref<80xi32, #tpu.memory_space<vmem>>)
    %dma_start3A_267 = arith.constant 0 : i32
    %dma_start3A_268 = arith.constant 0 : i32
    %dma_start3A_269 = tpu.memref_slice %arg2[%dma_start3A_267, %dma_start3A_268] : memref<20000x64xf32, #tpu.memory_space<hbm>> -> memref<20000x64xf32, #tpu.memory_space<hbm>>
    tpu.enqueue_indirect_dma source(%dma_start3A_269 : memref<20000x64xf32, #tpu.memory_space<hbm>>) target(%arg29 : memref<80x64xf32, #tpu.memory_space<vmem>>) offsets(%arg9 : memref<80xi32, #tpu.memory_space<vmem>>) semaphore(%arg49 : memref<!tpu.dma_semaphore, #tpu.memory_space<semaphore_mem>>)
    %mul3A_270 = arith.constant 20000 : i32
    %mul3A_271 = arith.muli %arg1, %mul3A_270 : i32
    %add3A_272 = arith.constant 320 : i32
    %add3A_273 = arith.addi %mul3A_271, %add3A_272 : i32
    %dma_wait3A_274 = tpu.memref_slice %arg3[%arg0, %add3A_273] : memref<3x320000xi32, #tpu.memory_space<hbm>> -> memref<1x80xi32, #tpu.memory_space<hbm>>
    %dma_wait3A_275 = tpu.memref_squeeze %dma_wait3A_274 : memref<1x80xi32, #tpu.memory_space<hbm>> -> memref<80xi32, #tpu.memory_space<hbm>>
    %dma_wait3A_276 = tpu.memref_slice %arg3[%arg0, %add3A_273] : memref<3x320000xi32, #tpu.memory_space<hbm>> -> memref<1x80xi32, #tpu.memory_space<hbm>>
    %dma_wait3A_277 = tpu.memref_squeeze %dma_wait3A_276 : memref<1x80xi32, #tpu.memory_space<hbm>> -> memref<80xi32, #tpu.memory_space<hbm>>
    tpu.wait_dma2 semaphore(%arg40 : memref<!tpu.dma_semaphore, #tpu.memory_space<semaphore_mem>>) src(%dma_wait3A_277 : memref<80xi32, #tpu.memory_space<hbm>>) dst(%arg10 : memref<80xi32, #tpu.memory_space<vmem>>)
    %mul3A_278 = arith.constant 20000 : i32
    %mul3A_279 = arith.muli %arg1, %mul3A_278 : i32
    %add3A_280 = arith.constant 320 : i32
    %add3A_281 = arith.addi %mul3A_279, %add3A_280 : i32
    %dma_wait3A_282 = arith.constant 2 : i32
    %dma_wait3A_283 = tpu.memref_slice %arg3[%dma_wait3A_282, %add3A_281] : memref<3x320000xi32, #tpu.memory_space<hbm>> -> memref<1x80xi32, #tpu.memory_space<hbm>>
    %dma_wait3A_284 = tpu.memref_squeeze %dma_wait3A_283 : memref<1x80xi32, #tpu.memory_space<hbm>> -> memref<80xi32, #tpu.memory_space<hbm>>
    %dma_wait3A_285 = tpu.memref_slice %arg3[%dma_wait3A_282, %add3A_281] : memref<3x320000xi32, #tpu.memory_space<hbm>> -> memref<1x80xi32, #tpu.memory_space<hbm>>
    %dma_wait3A_286 = tpu.memref_squeeze %dma_wait3A_285 : memref<1x80xi32, #tpu.memory_space<hbm>> -> memref<80xi32, #tpu.memory_space<hbm>>
    tpu.wait_dma2 semaphore(%arg40 : memref<!tpu.dma_semaphore, #tpu.memory_space<semaphore_mem>>) src(%dma_wait3A_286 : memref<80xi32, #tpu.memory_space<hbm>>) dst(%arg15 : memref<80xi32, #tpu.memory_space<vmem>>)
    %dma_start3A_287 = arith.constant 0 : i32
    %dma_start3A_288 = arith.constant 0 : i32
    %dma_start3A_289 = tpu.memref_slice %arg2[%dma_start3A_287, %dma_start3A_288] : memref<20000x64xf32, #tpu.memory_space<hbm>> -> memref<20000x64xf32, #tpu.memory_space<hbm>>
    tpu.enqueue_indirect_dma source(%dma_start3A_289 : memref<20000x64xf32, #tpu.memory_space<hbm>>) target(%arg30 : memref<80x64xf32, #tpu.memory_space<vmem>>) offsets(%arg10 : memref<80xi32, #tpu.memory_space<vmem>>) semaphore(%arg50 : memref<!tpu.dma_semaphore, #tpu.memory_space<semaphore_mem>>)
    %scan3A_290 = arith.constant 0 : i32
    %scan3A_291 = arith.constant 25 : i32
    %scan3A_292 = arith.addi %scan3A_290, %scan3A_291 : i32
    %scan3A_293 = arith.constant 1 : i32
    scf.for %scan3A_306 = %scan3A_290 to %scan3A_292 step %scan3A_293  : i32 {
      %mul3A_307 = arith.constant 1 : i32
      %mul3A_308 = arith.muli %scan3A_306, %mul3A_307 : i32
      %add3A_309 = arith.constant 0 : i32
      %add3A_310 = arith.addi %add3A_309, %mul3A_308 : i32
      %mul3A_311 = arith.constant 2 : i32
      %mul3A_312 = arith.muli %mul3A_311, %add3A_310 : i32
      %dma_wait3A_313 = arith.constant 0 : i32
      %dma_wait3A_314 = arith.constant 0 : i32
      %dma_wait3A_315 = tpu.memref_slice %arg2[%dma_wait3A_313, %dma_wait3A_314] : memref<20000x64xf32, #tpu.memory_space<hbm>> -> memref<20000x64xf32, #tpu.memory_space<hbm>>
      tpu.wait_indirect_dma semaphore(%arg46 : memref<!tpu.dma_semaphore, #tpu.memory_space<semaphore_mem>>) src(%dma_wait3A_315 : memref<20000x64xf32, #tpu.memory_space<hbm>>) dst(%arg26 : memref<80x64xf32, #tpu.memory_space<vmem>>)
      %dma_start3A_316 = arith.constant 0 : i32
      %dma_start3A_317 = arith.constant 0 : i32
      %dma_start3A_318 = tpu.memref_slice %arg34[%dma_start3A_316, %dma_start3A_317] : memref<10240x64xf32, #tpu.memory_space<vmem_shared>> -> memref<10240x64xf32, #tpu.memory_space<vmem_shared>>
      tpu.enqueue_indirect_dma source(%arg26 : memref<80x64xf32, #tpu.memory_space<vmem>>) target(%dma_start3A_318 : memref<10240x64xf32, #tpu.memory_space<vmem_shared>>) offsets(%arg11 : memref<80xi32, #tpu.memory_space<vmem>>) semaphore(%arg51 : memref<!tpu.dma_semaphore, #tpu.memory_space<semaphore_mem>>) {add = true}
      %mul3A_319 = arith.constant 5 : i32
      %mul3A_320 = arith.muli %mul3A_312, %mul3A_319 : i32
      %add3A_321 = arith.constant 0 : i32
      %add3A_322 = arith.addi %mul3A_320, %add3A_321 : i32
      %eq3A = arith.constant 0 : i32
      %eq3A_323 = arith.cmpi eq, %arg0, %eq3A : i32
      %lt3A = arith.constant 125 : i32
      %lt3A_324 = arith.cmpi slt, %add3A_322, %lt3A : i32
      %ge3A = arith.constant 125 : i32
      %ge3A_325 = arith.cmpi sge, %add3A_322, %ge3A : i32
      %select_n3A = arith.select %eq3A_323, %lt3A_324, %ge3A_325 : i1
      %convert_element_type3A = arith.extui %select_n3A : i1 to i32
      %cond3A = arith.constant 0 : i32
      %cond3A_326 = arith.cmpi ne, %convert_element_type3A, %cond3A : i32
      scf.if %cond3A_326 {
        %dma_start3A_821 = arith.constant 0 : i32
        %dma_start3A_822 = arith.constant 0 : i32
        %dma_start3A_823 = tpu.memref_slice %arg35[%dma_start3A_821, %dma_start3A_822] : memref<10240x16xf32, #tpu.memory_space<vmem_shared>> -> memref<10240x16xf32, #tpu.memory_space<vmem_shared>>
        tpu.enqueue_indirect_dma source(%arg31 : memref<80x16xf32, #tpu.memory_space<vmem>>) target(%dma_start3A_823 : memref<10240x16xf32, #tpu.memory_space<vmem_shared>>) offsets(%arg11 : memref<80xi32, #tpu.memory_space<vmem>>) semaphore(%arg56 : memref<!tpu.dma_semaphore, #tpu.memory_space<semaphore_mem>>) {add = true}
      } else {
      }
      %dma_wait3A_327 = arith.constant 0 : i32
      %dma_wait3A_328 = arith.constant 0 : i32
      %dma_wait3A_329 = tpu.memref_slice %arg2[%dma_wait3A_327, %dma_wait3A_328] : memref<20000x64xf32, #tpu.memory_space<hbm>> -> memref<20000x64xf32, #tpu.memory_space<hbm>>
      tpu.wait_indirect_dma semaphore(%arg47 : memref<!tpu.dma_semaphore, #tpu.memory_space<semaphore_mem>>) src(%dma_wait3A_329 : memref<20000x64xf32, #tpu.memory_space<hbm>>) dst(%arg27 : memref<80x64xf32, #tpu.memory_space<vmem>>)
      %dma_start3A_330 = arith.constant 0 : i32
      %dma_start3A_331 = arith.constant 0 : i32
      %dma_start3A_332 = tpu.memref_slice %arg34[%dma_start3A_330, %dma_start3A_331] : memref<10240x64xf32, #tpu.memory_space<vmem_shared>> -> memref<10240x64xf32, #tpu.memory_space<vmem_shared>>
      tpu.enqueue_indirect_dma source(%arg27 : memref<80x64xf32, #tpu.memory_space<vmem>>) target(%dma_start3A_332 : memref<10240x64xf32, #tpu.memory_space<vmem_shared>>) offsets(%arg12 : memref<80xi32, #tpu.memory_space<vmem>>) semaphore(%arg52 : memref<!tpu.dma_semaphore, #tpu.memory_space<semaphore_mem>>) {add = true}
      %mul3A_333 = arith.constant 5 : i32
      %mul3A_334 = arith.muli %mul3A_312, %mul3A_333 : i32
      %add3A_335 = arith.constant 1 : i32
      %add3A_336 = arith.addi %mul3A_334, %add3A_335 : i32
      %eq3A_337 = arith.constant 0 : i32
      %eq3A_338 = arith.cmpi eq, %arg0, %eq3A_337 : i32
      %lt3A_339 = arith.constant 125 : i32
      %lt3A_340 = arith.cmpi slt, %add3A_336, %lt3A_339 : i32
      %ge3A_341 = arith.constant 125 : i32
      %ge3A_342 = arith.cmpi sge, %add3A_336, %ge3A_341 : i32
      %select_n3A_343 = arith.select %eq3A_338, %lt3A_340, %ge3A_342 : i1
      %convert_element_type3A_344 = arith.extui %select_n3A_343 : i1 to i32
      %cond3A_345 = arith.constant 0 : i32
      %cond3A_346 = arith.cmpi ne, %convert_element_type3A_344, %cond3A_345 : i32
      scf.if %cond3A_346 {
        %dma_start3A_821 = arith.constant 0 : i32
        %dma_start3A_822 = arith.constant 0 : i32
        %dma_start3A_823 = tpu.memref_slice %arg35[%dma_start3A_821, %dma_start3A_822] : memref<10240x16xf32, #tpu.memory_space<vmem_shared>> -> memref<10240x16xf32, #tpu.memory_space<vmem_shared>>
        tpu.enqueue_indirect_dma source(%arg31 : memref<80x16xf32, #tpu.memory_space<vmem>>) target(%dma_start3A_823 : memref<10240x16xf32, #tpu.memory_space<vmem_shared>>) offsets(%arg12 : memref<80xi32, #tpu.memory_space<vmem>>) semaphore(%arg57 : memref<!tpu.dma_semaphore, #tpu.memory_space<semaphore_mem>>) {add = true}
      } else {
      }
      %dma_wait3A_347 = arith.constant 0 : i32
      %dma_wait3A_348 = arith.constant 0 : i32
      %dma_wait3A_349 = tpu.memref_slice %arg2[%dma_wait3A_347, %dma_wait3A_348] : memref<20000x64xf32, #tpu.memory_space<hbm>> -> memref<20000x64xf32, #tpu.memory_space<hbm>>
      tpu.wait_indirect_dma semaphore(%arg48 : memref<!tpu.dma_semaphore, #tpu.memory_space<semaphore_mem>>) src(%dma_wait3A_349 : memref<20000x64xf32, #tpu.memory_space<hbm>>) dst(%arg28 : memref<80x64xf32, #tpu.memory_space<vmem>>)
      %dma_start3A_350 = arith.constant 0 : i32
      %dma_start3A_351 = arith.constant 0 : i32
      %dma_start3A_352 = tpu.memref_slice %arg34[%dma_start3A_350, %dma_start3A_351] : memref<10240x64xf32, #tpu.memory_space<vmem_shared>> -> memref<10240x64xf32, #tpu.memory_space<vmem_shared>>
      tpu.enqueue_indirect_dma source(%arg28 : memref<80x64xf32, #tpu.memory_space<vmem>>) target(%dma_start3A_352 : memref<10240x64xf32, #tpu.memory_space<vmem_shared>>) offsets(%arg13 : memref<80xi32, #tpu.memory_space<vmem>>) semaphore(%arg53 : memref<!tpu.dma_semaphore, #tpu.memory_space<semaphore_mem>>) {add = true}
      %mul3A_353 = arith.constant 5 : i32
      %mul3A_354 = arith.muli %mul3A_312, %mul3A_353 : i32
      %add3A_355 = arith.constant 2 : i32
      %add3A_356 = arith.addi %mul3A_354, %add3A_355 : i32
      %eq3A_357 = arith.constant 0 : i32
      %eq3A_358 = arith.cmpi eq, %arg0, %eq3A_357 : i32
      %lt3A_359 = arith.constant 125 : i32
      %lt3A_360 = arith.cmpi slt, %add3A_356, %lt3A_359 : i32
      %ge3A_361 = arith.constant 125 : i32
      %ge3A_362 = arith.cmpi sge, %add3A_356, %ge3A_361 : i32
      %select_n3A_363 = arith.select %eq3A_358, %lt3A_360, %ge3A_362 : i1
      %convert_element_type3A_364 = arith.extui %select_n3A_363 : i1 to i32
      %cond3A_365 = arith.constant 0 : i32
      %cond3A_366 = arith.cmpi ne, %convert_element_type3A_364, %cond3A_365 : i32
      scf.if %cond3A_366 {
        %dma_start3A_821 = arith.constant 0 : i32
        %dma_start3A_822 = arith.constant 0 : i32
        %dma_start3A_823 = tpu.memref_slice %arg35[%dma_start3A_821, %dma_start3A_822] : memref<10240x16xf32, #tpu.memory_space<vmem_shared>> -> memref<10240x16xf32, #tpu.memory_space<vmem_shared>>
        tpu.enqueue_indirect_dma source(%arg31 : memref<80x16xf32, #tpu.memory_space<vmem>>) target(%dma_start3A_823 : memref<10240x16xf32, #tpu.memory_space<vmem_shared>>) offsets(%arg13 : memref<80xi32, #tpu.memory_space<vmem>>) semaphore(%arg58 : memref<!tpu.dma_semaphore, #tpu.memory_space<semaphore_mem>>) {add = true}
      } else {
      }
      %dma_wait3A_367 = arith.constant 0 : i32
      %dma_wait3A_368 = arith.constant 0 : i32
      %dma_wait3A_369 = tpu.memref_slice %arg2[%dma_wait3A_367, %dma_wait3A_368] : memref<20000x64xf32, #tpu.memory_space<hbm>> -> memref<20000x64xf32, #tpu.memory_space<hbm>>
      tpu.wait_indirect_dma semaphore(%arg49 : memref<!tpu.dma_semaphore, #tpu.memory_space<semaphore_mem>>) src(%dma_wait3A_369 : memref<20000x64xf32, #tpu.memory_space<hbm>>) dst(%arg29 : memref<80x64xf32, #tpu.memory_space<vmem>>)
      %dma_start3A_370 = arith.constant 0 : i32
      %dma_start3A_371 = arith.constant 0 : i32
      %dma_start3A_372 = tpu.memref_slice %arg34[%dma_start3A_370, %dma_start3A_371] : memref<10240x64xf32, #tpu.memory_space<vmem_shared>> -> memref<10240x64xf32, #tpu.memory_space<vmem_shared>>
      tpu.enqueue_indirect_dma source(%arg29 : memref<80x64xf32, #tpu.memory_space<vmem>>) target(%dma_start3A_372 : memref<10240x64xf32, #tpu.memory_space<vmem_shared>>) offsets(%arg14 : memref<80xi32, #tpu.memory_space<vmem>>) semaphore(%arg54 : memref<!tpu.dma_semaphore, #tpu.memory_space<semaphore_mem>>) {add = true}
      %mul3A_373 = arith.constant 5 : i32
      %mul3A_374 = arith.muli %mul3A_312, %mul3A_373 : i32
      %add3A_375 = arith.constant 3 : i32
      %add3A_376 = arith.addi %mul3A_374, %add3A_375 : i32
      %eq3A_377 = arith.constant 0 : i32
      %eq3A_378 = arith.cmpi eq, %arg0, %eq3A_377 : i32
      %lt3A_379 = arith.constant 125 : i32
      %lt3A_380 = arith.cmpi slt, %add3A_376, %lt3A_379 : i32
      %ge3A_381 = arith.constant 125 : i32
      %ge3A_382 = arith.cmpi sge, %add3A_376, %ge3A_381 : i32
      %select_n3A_383 = arith.select %eq3A_378, %lt3A_380, %ge3A_382 : i1
      %convert_element_type3A_384 = arith.extui %select_n3A_383 : i1 to i32
      %cond3A_385 = arith.constant 0 : i32
      %cond3A_386 = arith.cmpi ne, %convert_element_type3A_384, %cond3A_385 : i32
      scf.if %cond3A_386 {
        %dma_start3A_821 = arith.constant 0 : i32
        %dma_start3A_822 = arith.constant 0 : i32
        %dma_start3A_823 = tpu.memref_slice %arg35[%dma_start3A_821, %dma_start3A_822] : memref<10240x16xf32, #tpu.memory_space<vmem_shared>> -> memref<10240x16xf32, #tpu.memory_space<vmem_shared>>
        tpu.enqueue_indirect_dma source(%arg31 : memref<80x16xf32, #tpu.memory_space<vmem>>) target(%dma_start3A_823 : memref<10240x16xf32, #tpu.memory_space<vmem_shared>>) offsets(%arg14 : memref<80xi32, #tpu.memory_space<vmem>>) semaphore(%arg59 : memref<!tpu.dma_semaphore, #tpu.memory_space<semaphore_mem>>) {add = true}
      } else {
      }
      %dma_wait3A_387 = arith.constant 0 : i32
      %dma_wait3A_388 = arith.constant 0 : i32
      %dma_wait3A_389 = tpu.memref_slice %arg2[%dma_wait3A_387, %dma_wait3A_388] : memref<20000x64xf32, #tpu.memory_space<hbm>> -> memref<20000x64xf32, #tpu.memory_space<hbm>>
      tpu.wait_indirect_dma semaphore(%arg50 : memref<!tpu.dma_semaphore, #tpu.memory_space<semaphore_mem>>) src(%dma_wait3A_389 : memref<20000x64xf32, #tpu.memory_space<hbm>>) dst(%arg30 : memref<80x64xf32, #tpu.memory_space<vmem>>)
      %dma_start3A_390 = arith.constant 0 : i32
      %dma_start3A_391 = arith.constant 0 : i32
      %dma_start3A_392 = tpu.memref_slice %arg34[%dma_start3A_390, %dma_start3A_391] : memref<10240x64xf32, #tpu.memory_space<vmem_shared>> -> memref<10240x64xf32, #tpu.memory_space<vmem_shared>>
      tpu.enqueue_indirect_dma source(%arg30 : memref<80x64xf32, #tpu.memory_space<vmem>>) target(%dma_start3A_392 : memref<10240x64xf32, #tpu.memory_space<vmem_shared>>) offsets(%arg15 : memref<80xi32, #tpu.memory_space<vmem>>) semaphore(%arg55 : memref<!tpu.dma_semaphore, #tpu.memory_space<semaphore_mem>>) {add = true}
      %mul3A_393 = arith.constant 5 : i32
      %mul3A_394 = arith.muli %mul3A_312, %mul3A_393 : i32
      %add3A_395 = arith.constant 4 : i32
      %add3A_396 = arith.addi %mul3A_394, %add3A_395 : i32
      %eq3A_397 = arith.constant 0 : i32
      %eq3A_398 = arith.cmpi eq, %arg0, %eq3A_397 : i32
      %lt3A_399 = arith.constant 125 : i32
      %lt3A_400 = arith.cmpi slt, %add3A_396, %lt3A_399 : i32
      %ge3A_401 = arith.constant 125 : i32
      %ge3A_402 = arith.cmpi sge, %add3A_396, %ge3A_401 : i32
      %select_n3A_403 = arith.select %eq3A_398, %lt3A_400, %ge3A_402 : i1
      %convert_element_type3A_404 = arith.extui %select_n3A_403 : i1 to i32
      %cond3A_405 = arith.constant 0 : i32
      %cond3A_406 = arith.cmpi ne, %convert_element_type3A_404, %cond3A_405 : i32
      scf.if %cond3A_406 {
        %dma_start3A_821 = arith.constant 0 : i32
        %dma_start3A_822 = arith.constant 0 : i32
        %dma_start3A_823 = tpu.memref_slice %arg35[%dma_start3A_821, %dma_start3A_822] : memref<10240x16xf32, #tpu.memory_space<vmem_shared>> -> memref<10240x16xf32, #tpu.memory_space<vmem_shared>>
        tpu.enqueue_indirect_dma source(%arg31 : memref<80x16xf32, #tpu.memory_space<vmem>>) target(%dma_start3A_823 : memref<10240x16xf32, #tpu.memory_space<vmem_shared>>) offsets(%arg15 : memref<80xi32, #tpu.memory_space<vmem>>) semaphore(%arg60 : memref<!tpu.dma_semaphore, #tpu.memory_space<semaphore_mem>>) {add = true}
      } else {
      }
      %dma_wait3A_407 = arith.constant 0 : i32
      %dma_wait3A_408 = arith.constant 0 : i32
      %dma_wait3A_409 = tpu.memref_slice %arg34[%dma_wait3A_407, %dma_wait3A_408] : memref<10240x64xf32, #tpu.memory_space<vmem_shared>> -> memref<10240x64xf32, #tpu.memory_space<vmem_shared>>
      tpu.wait_indirect_dma semaphore(%arg51 : memref<!tpu.dma_semaphore, #tpu.memory_space<semaphore_mem>>) src(%arg26 : memref<80x64xf32, #tpu.memory_space<vmem>>) dst(%dma_wait3A_409 : memref<10240x64xf32, #tpu.memory_space<vmem_shared>>)
      %mul3A_410 = arith.constant 5 : i32
      %mul3A_411 = arith.muli %mul3A_312, %mul3A_410 : i32
      %add3A_412 = arith.constant 0 : i32
      %add3A_413 = arith.addi %mul3A_411, %add3A_412 : i32
      %eq3A_414 = arith.constant 0 : i32
      %eq3A_415 = arith.cmpi eq, %arg0, %eq3A_414 : i32
      %lt3A_416 = arith.constant 125 : i32
      %lt3A_417 = arith.cmpi slt, %add3A_413, %lt3A_416 : i32
      %ge3A_418 = arith.constant 125 : i32
      %ge3A_419 = arith.cmpi sge, %add3A_413, %ge3A_418 : i32
      %select_n3A_420 = arith.select %eq3A_415, %lt3A_417, %ge3A_419 : i1
      %convert_element_type3A_421 = arith.extui %select_n3A_420 : i1 to i32
      %cond3A_422 = arith.constant 0 : i32
      %cond3A_423 = arith.cmpi ne, %convert_element_type3A_421, %cond3A_422 : i32
      scf.if %cond3A_423 {
        %dma_wait3A_821 = arith.constant 0 : i32
        %dma_wait3A_822 = arith.constant 0 : i32
        %dma_wait3A_823 = tpu.memref_slice %arg35[%dma_wait3A_821, %dma_wait3A_822] : memref<10240x16xf32, #tpu.memory_space<vmem_shared>> -> memref<10240x16xf32, #tpu.memory_space<vmem_shared>>
        tpu.wait_indirect_dma semaphore(%arg56 : memref<!tpu.dma_semaphore, #tpu.memory_space<semaphore_mem>>) src(%arg31 : memref<80x16xf32, #tpu.memory_space<vmem>>) dst(%dma_wait3A_823 : memref<10240x16xf32, #tpu.memory_space<vmem_shared>>)
      } else {
      }
      %add3A_424 = arith.constant 1 : i32
      %add3A_425 = arith.addi %mul3A_312, %add3A_424 : i32
      %lt3A_426 = arith.constant 50 : i32
      %lt3A_427 = arith.cmpi slt, %add3A_425, %lt3A_426 : i32
      %convert_element_type3A_428 = arith.extui %lt3A_427 : i1 to i32
      %cond3A_429 = arith.constant 0 : i32
      %cond3A_430 = arith.cmpi ne, %convert_element_type3A_428, %cond3A_429 : i32
      scf.if %cond3A_430 {
        %add3A_821 = arith.constant 1 : i32
        %add3A_822 = arith.addi %mul3A_312, %add3A_821 : i32
        %mul3A_823 = arith.constant 20000 : i32
        %mul3A_824 = arith.muli %arg1, %mul3A_823 : i32
        %mul3A_825 = arith.constant 5 : i32
        %mul3A_826 = arith.muli %add3A_822, %mul3A_825 : i32
        %add3A_827 = arith.constant 0 : i32
        %add3A_828 = arith.addi %mul3A_826, %add3A_827 : i32
        %mul3A_829 = arith.constant 80 : i32
        %mul3A_830 = arith.muli %add3A_828, %mul3A_829 : i32
        %add3A_831 = arith.addi %mul3A_824, %mul3A_830 : i32
        %dma_wait3A_832 = tpu.memref_slice %arg3[%arg0, %add3A_831] : memref<3x320000xi32, #tpu.memory_space<hbm>> -> memref<1x80xi32, #tpu.memory_space<hbm>>
        %dma_wait3A_833 = tpu.memref_squeeze %dma_wait3A_832 : memref<1x80xi32, #tpu.memory_space<hbm>> -> memref<80xi32, #tpu.memory_space<hbm>>
        %dma_wait3A_834 = tpu.memref_slice %arg3[%arg0, %add3A_831] : memref<3x320000xi32, #tpu.memory_space<hbm>> -> memref<1x80xi32, #tpu.memory_space<hbm>>
        %dma_wait3A_835 = tpu.memref_squeeze %dma_wait3A_834 : memref<1x80xi32, #tpu.memory_space<hbm>> -> memref<80xi32, #tpu.memory_space<hbm>>
        tpu.wait_dma2 semaphore(%arg41 : memref<!tpu.dma_semaphore, #tpu.memory_space<semaphore_mem>>) src(%dma_wait3A_835 : memref<80xi32, #tpu.memory_space<hbm>>) dst(%arg16 : memref<80xi32, #tpu.memory_space<vmem>>)
        %mul3A_836 = arith.constant 20000 : i32
        %mul3A_837 = arith.muli %arg1, %mul3A_836 : i32
        %mul3A_838 = arith.constant 5 : i32
        %mul3A_839 = arith.muli %add3A_822, %mul3A_838 : i32
        %add3A_840 = arith.constant 0 : i32
        %add3A_841 = arith.addi %mul3A_839, %add3A_840 : i32
        %mul3A_842 = arith.constant 80 : i32
        %mul3A_843 = arith.muli %add3A_841, %mul3A_842 : i32
        %add3A_844 = arith.addi %mul3A_837, %mul3A_843 : i32
        %dma_wait3A_845 = arith.constant 2 : i32
        %dma_wait3A_846 = tpu.memref_slice %arg3[%dma_wait3A_845, %add3A_844] : memref<3x320000xi32, #tpu.memory_space<hbm>> -> memref<1x80xi32, #tpu.memory_space<hbm>>
        %dma_wait3A_847 = tpu.memref_squeeze %dma_wait3A_846 : memref<1x80xi32, #tpu.memory_space<hbm>> -> memref<80xi32, #tpu.memory_space<hbm>>
        %dma_wait3A_848 = tpu.memref_slice %arg3[%dma_wait3A_845, %add3A_844] : memref<3x320000xi32, #tpu.memory_space<hbm>> -> memref<1x80xi32, #tpu.memory_space<hbm>>
        %dma_wait3A_849 = tpu.memref_squeeze %dma_wait3A_848 : memref<1x80xi32, #tpu.memory_space<hbm>> -> memref<80xi32, #tpu.memory_space<hbm>>
        tpu.wait_dma2 semaphore(%arg41 : memref<!tpu.dma_semaphore, #tpu.memory_space<semaphore_mem>>) src(%dma_wait3A_849 : memref<80xi32, #tpu.memory_space<hbm>>) dst(%arg21 : memref<80xi32, #tpu.memory_space<vmem>>)
        %dma_start3A_850 = arith.constant 0 : i32
        %dma_start3A_851 = arith.constant 0 : i32
        %dma_start3A_852 = tpu.memref_slice %arg2[%dma_start3A_850, %dma_start3A_851] : memref<20000x64xf32, #tpu.memory_space<hbm>> -> memref<20000x64xf32, #tpu.memory_space<hbm>>
        tpu.enqueue_indirect_dma source(%dma_start3A_852 : memref<20000x64xf32, #tpu.memory_space<hbm>>) target(%arg26 : memref<80x64xf32, #tpu.memory_space<vmem>>) offsets(%arg16 : memref<80xi32, #tpu.memory_space<vmem>>) semaphore(%arg46 : memref<!tpu.dma_semaphore, #tpu.memory_space<semaphore_mem>>)
      } else {
      }
      %add3A_431 = arith.constant 2 : i32
      %add3A_432 = arith.addi %mul3A_312, %add3A_431 : i32
      %lt3A_433 = arith.constant 50 : i32
      %lt3A_434 = arith.cmpi slt, %add3A_432, %lt3A_433 : i32
      %convert_element_type3A_435 = arith.extui %lt3A_434 : i1 to i32
      %cond3A_436 = arith.constant 0 : i32
      %cond3A_437 = arith.cmpi ne, %convert_element_type3A_435, %cond3A_436 : i32
      scf.if %cond3A_437 {
        %add3A_821 = arith.constant 2 : i32
        %add3A_822 = arith.addi %mul3A_312, %add3A_821 : i32
        %mul3A_823 = arith.constant 20000 : i32
        %mul3A_824 = arith.muli %arg1, %mul3A_823 : i32
        %mul3A_825 = arith.constant 5 : i32
        %mul3A_826 = arith.muli %add3A_822, %mul3A_825 : i32
        %add3A_827 = arith.constant 0 : i32
        %add3A_828 = arith.addi %mul3A_826, %add3A_827 : i32
        %mul3A_829 = arith.constant 80 : i32
        %mul3A_830 = arith.muli %add3A_828, %mul3A_829 : i32
        %add3A_831 = arith.addi %mul3A_824, %mul3A_830 : i32
        %dma_start3A_832 = tpu.memref_slice %arg3[%arg0, %add3A_831] : memref<3x320000xi32, #tpu.memory_space<hbm>> -> memref<1x80xi32, #tpu.memory_space<hbm>>
        %dma_start3A_833 = tpu.memref_squeeze %dma_start3A_832 : memref<1x80xi32, #tpu.memory_space<hbm>> -> memref<80xi32, #tpu.memory_space<hbm>>
        %dma_start3A_834 = tpu.memref_slice %arg3[%arg0, %add3A_831] : memref<3x320000xi32, #tpu.memory_space<hbm>> -> memref<1x80xi32, #tpu.memory_space<hbm>>
        %dma_start3A_835 = tpu.memref_squeeze %dma_start3A_834 : memref<1x80xi32, #tpu.memory_space<hbm>> -> memref<80xi32, #tpu.memory_space<hbm>>
        tpu.enqueue_dma source(%dma_start3A_835 : memref<80xi32, #tpu.memory_space<hbm>>) target(%arg6 : memref<80xi32, #tpu.memory_space<vmem>>) target_semaphore(%arg36 : memref<!tpu.dma_semaphore, #tpu.memory_space<semaphore_mem>>)
        %mul3A_836 = arith.constant 20000 : i32
        %mul3A_837 = arith.muli %arg1, %mul3A_836 : i32
        %mul3A_838 = arith.constant 5 : i32
        %mul3A_839 = arith.muli %add3A_822, %mul3A_838 : i32
        %add3A_840 = arith.constant 0 : i32
        %add3A_841 = arith.addi %mul3A_839, %add3A_840 : i32
        %mul3A_842 = arith.constant 80 : i32
        %mul3A_843 = arith.muli %add3A_841, %mul3A_842 : i32
        %add3A_844 = arith.addi %mul3A_837, %mul3A_843 : i32
        %dma_start3A_845 = arith.constant 2 : i32
        %dma_start3A_846 = tpu.memref_slice %arg3[%dma_start3A_845, %add3A_844] : memref<3x320000xi32, #tpu.memory_space<hbm>> -> memref<1x80xi32, #tpu.memory_space<hbm>>
        %dma_start3A_847 = tpu.memref_squeeze %dma_start3A_846 : memref<1x80xi32, #tpu.memory_space<hbm>> -> memref<80xi32, #tpu.memory_space<hbm>>
        %dma_start3A_848 = tpu.memref_slice %arg3[%dma_start3A_845, %add3A_844] : memref<3x320000xi32, #tpu.memory_space<hbm>> -> memref<1x80xi32, #tpu.memory_space<hbm>>
        %dma_start3A_849 = tpu.memref_squeeze %dma_start3A_848 : memref<1x80xi32, #tpu.memory_space<hbm>> -> memref<80xi32, #tpu.memory_space<hbm>>
        tpu.enqueue_dma source(%dma_start3A_849 : memref<80xi32, #tpu.memory_space<hbm>>) target(%arg11 : memref<80xi32, #tpu.memory_space<vmem>>) target_semaphore(%arg36 : memref<!tpu.dma_semaphore, #tpu.memory_space<semaphore_mem>>)
      } else {
      }
      %dma_wait3A_438 = arith.constant 0 : i32
      %dma_wait3A_439 = arith.constant 0 : i32
      %dma_wait3A_440 = tpu.memref_slice %arg34[%dma_wait3A_438, %dma_wait3A_439] : memref<10240x64xf32, #tpu.memory_space<vmem_shared>> -> memref<10240x64xf32, #tpu.memory_space<vmem_shared>>
      tpu.wait_indirect_dma semaphore(%arg52 : memref<!tpu.dma_semaphore, #tpu.memory_space<semaphore_mem>>) src(%arg27 : memref<80x64xf32, #tpu.memory_space<vmem>>) dst(%dma_wait3A_440 : memref<10240x64xf32, #tpu.memory_space<vmem_shared>>)
      %mul3A_441 = arith.constant 5 : i32
      %mul3A_442 = arith.muli %mul3A_312, %mul3A_441 : i32
      %add3A_443 = arith.constant 1 : i32
      %add3A_444 = arith.addi %mul3A_442, %add3A_443 : i32
      %eq3A_445 = arith.constant 0 : i32
      %eq3A_446 = arith.cmpi eq, %arg0, %eq3A_445 : i32
      %lt3A_447 = arith.constant 125 : i32
      %lt3A_448 = arith.cmpi slt, %add3A_444, %lt3A_447 : i32
      %ge3A_449 = arith.constant 125 : i32
      %ge3A_450 = arith.cmpi sge, %add3A_444, %ge3A_449 : i32
      %select_n3A_451 = arith.select %eq3A_446, %lt3A_448, %ge3A_450 : i1
      %convert_element_type3A_452 = arith.extui %select_n3A_451 : i1 to i32
      %cond3A_453 = arith.constant 0 : i32
      %cond3A_454 = arith.cmpi ne, %convert_element_type3A_452, %cond3A_453 : i32
      scf.if %cond3A_454 {
        %dma_wait3A_821 = arith.constant 0 : i32
        %dma_wait3A_822 = arith.constant 0 : i32
        %dma_wait3A_823 = tpu.memref_slice %arg35[%dma_wait3A_821, %dma_wait3A_822] : memref<10240x16xf32, #tpu.memory_space<vmem_shared>> -> memref<10240x16xf32, #tpu.memory_space<vmem_shared>>
        tpu.wait_indirect_dma semaphore(%arg57 : memref<!tpu.dma_semaphore, #tpu.memory_space<semaphore_mem>>) src(%arg31 : memref<80x16xf32, #tpu.memory_space<vmem>>) dst(%dma_wait3A_823 : memref<10240x16xf32, #tpu.memory_space<vmem_shared>>)
      } else {
      }
      %add3A_455 = arith.constant 1 : i32
      %add3A_456 = arith.addi %mul3A_312, %add3A_455 : i32
      %lt3A_457 = arith.constant 50 : i32
      %lt3A_458 = arith.cmpi slt, %add3A_456, %lt3A_457 : i32
      %convert_element_type3A_459 = arith.extui %lt3A_458 : i1 to i32
      %cond3A_460 = arith.constant 0 : i32
      %cond3A_461 = arith.cmpi ne, %convert_element_type3A_459, %cond3A_460 : i32
      scf.if %cond3A_461 {
        %add3A_821 = arith.constant 1 : i32
        %add3A_822 = arith.addi %mul3A_312, %add3A_821 : i32
        %mul3A_823 = arith.constant 20000 : i32
        %mul3A_824 = arith.muli %arg1, %mul3A_823 : i32
        %mul3A_825 = arith.constant 5 : i32
        %mul3A_826 = arith.muli %add3A_822, %mul3A_825 : i32
        %add3A_827 = arith.constant 1 : i32
        %add3A_828 = arith.addi %mul3A_826, %add3A_827 : i32
        %mul3A_829 = arith.constant 80 : i32
        %mul3A_830 = arith.muli %add3A_828, %mul3A_829 : i32
        %add3A_831 = arith.addi %mul3A_824, %mul3A_830 : i32
        %dma_wait3A_832 = tpu.memref_slice %arg3[%arg0, %add3A_831] : memref<3x320000xi32, #tpu.memory_space<hbm>> -> memref<1x80xi32, #tpu.memory_space<hbm>>
        %dma_wait3A_833 = tpu.memref_squeeze %dma_wait3A_832 : memref<1x80xi32, #tpu.memory_space<hbm>> -> memref<80xi32, #tpu.memory_space<hbm>>
        %dma_wait3A_834 = tpu.memref_slice %arg3[%arg0, %add3A_831] : memref<3x320000xi32, #tpu.memory_space<hbm>> -> memref<1x80xi32, #tpu.memory_space<hbm>>
        %dma_wait3A_835 = tpu.memref_squeeze %dma_wait3A_834 : memref<1x80xi32, #tpu.memory_space<hbm>> -> memref<80xi32, #tpu.memory_space<hbm>>
        tpu.wait_dma2 semaphore(%arg42 : memref<!tpu.dma_semaphore, #tpu.memory_space<semaphore_mem>>) src(%dma_wait3A_835 : memref<80xi32, #tpu.memory_space<hbm>>) dst(%arg17 : memref<80xi32, #tpu.memory_space<vmem>>)
        %mul3A_836 = arith.constant 20000 : i32
        %mul3A_837 = arith.muli %arg1, %mul3A_836 : i32
        %mul3A_838 = arith.constant 5 : i32
        %mul3A_839 = arith.muli %add3A_822, %mul3A_838 : i32
        %add3A_840 = arith.constant 1 : i32
        %add3A_841 = arith.addi %mul3A_839, %add3A_840 : i32
        %mul3A_842 = arith.constant 80 : i32
        %mul3A_843 = arith.muli %add3A_841, %mul3A_842 : i32
        %add3A_844 = arith.addi %mul3A_837, %mul3A_843 : i32
        %dma_wait3A_845 = arith.constant 2 : i32
        %dma_wait3A_846 = tpu.memref_slice %arg3[%dma_wait3A_845, %add3A_844] : memref<3x320000xi32, #tpu.memory_space<hbm>> -> memref<1x80xi32, #tpu.memory_space<hbm>>
        %dma_wait3A_847 = tpu.memref_squeeze %dma_wait3A_846 : memref<1x80xi32, #tpu.memory_space<hbm>> -> memref<80xi32, #tpu.memory_space<hbm>>
        %dma_wait3A_848 = tpu.memref_slice %arg3[%dma_wait3A_845, %add3A_844] : memref<3x320000xi32, #tpu.memory_space<hbm>> -> memref<1x80xi32, #tpu.memory_space<hbm>>
        %dma_wait3A_849 = tpu.memref_squeeze %dma_wait3A_848 : memref<1x80xi32, #tpu.memory_space<hbm>> -> memref<80xi32, #tpu.memory_space<hbm>>
        tpu.wait_dma2 semaphore(%arg42 : memref<!tpu.dma_semaphore, #tpu.memory_space<semaphore_mem>>) src(%dma_wait3A_849 : memref<80xi32, #tpu.memory_space<hbm>>) dst(%arg22 : memref<80xi32, #tpu.memory_space<vmem>>)
        %dma_start3A_850 = arith.constant 0 : i32
        %dma_start3A_851 = arith.constant 0 : i32
        %dma_start3A_852 = tpu.memref_slice %arg2[%dma_start3A_850, %dma_start3A_851] : memref<20000x64xf32, #tpu.memory_space<hbm>> -> memref<20000x64xf32, #tpu.memory_space<hbm>>
        tpu.enqueue_indirect_dma source(%dma_start3A_852 : memref<20000x64xf32, #tpu.memory_space<hbm>>) target(%arg27 : memref<80x64xf32, #tpu.memory_space<vmem>>) offsets(%arg17 : memref<80xi32, #tpu.memory_space<vmem>>) semaphore(%arg47 : memref<!tpu.dma_semaphore, #tpu.memory_space<semaphore_mem>>)
      } else {
      }
      %add3A_462 = arith.constant 2 : i32
      %add3A_463 = arith.addi %mul3A_312, %add3A_462 : i32
      %lt3A_464 = arith.constant 50 : i32
      %lt3A_465 = arith.cmpi slt, %add3A_463, %lt3A_464 : i32
      %convert_element_type3A_466 = arith.extui %lt3A_465 : i1 to i32
      %cond3A_467 = arith.constant 0 : i32
      %cond3A_468 = arith.cmpi ne, %convert_element_type3A_466, %cond3A_467 : i32
      scf.if %cond3A_468 {
        %add3A_821 = arith.constant 2 : i32
        %add3A_822 = arith.addi %mul3A_312, %add3A_821 : i32
        %mul3A_823 = arith.constant 20000 : i32
        %mul3A_824 = arith.muli %arg1, %mul3A_823 : i32
        %mul3A_825 = arith.constant 5 : i32
        %mul3A_826 = arith.muli %add3A_822, %mul3A_825 : i32
        %add3A_827 = arith.constant 1 : i32
        %add3A_828 = arith.addi %mul3A_826, %add3A_827 : i32
        %mul3A_829 = arith.constant 80 : i32
        %mul3A_830 = arith.muli %add3A_828, %mul3A_829 : i32
        %add3A_831 = arith.addi %mul3A_824, %mul3A_830 : i32
        %dma_start3A_832 = tpu.memref_slice %arg3[%arg0, %add3A_831] : memref<3x320000xi32, #tpu.memory_space<hbm>> -> memref<1x80xi32, #tpu.memory_space<hbm>>
        %dma_start3A_833 = tpu.memref_squeeze %dma_start3A_832 : memref<1x80xi32, #tpu.memory_space<hbm>> -> memref<80xi32, #tpu.memory_space<hbm>>
        %dma_start3A_834 = tpu.memref_slice %arg3[%arg0, %add3A_831] : memref<3x320000xi32, #tpu.memory_space<hbm>> -> memref<1x80xi32, #tpu.memory_space<hbm>>
        %dma_start3A_835 = tpu.memref_squeeze %dma_start3A_834 : memref<1x80xi32, #tpu.memory_space<hbm>> -> memref<80xi32, #tpu.memory_space<hbm>>
        tpu.enqueue_dma source(%dma_start3A_835 : memref<80xi32, #tpu.memory_space<hbm>>) target(%arg7 : memref<80xi32, #tpu.memory_space<vmem>>) target_semaphore(%arg37 : memref<!tpu.dma_semaphore, #tpu.memory_space<semaphore_mem>>)
        %mul3A_836 = arith.constant 20000 : i32
        %mul3A_837 = arith.muli %arg1, %mul3A_836 : i32
        %mul3A_838 = arith.constant 5 : i32
        %mul3A_839 = arith.muli %add3A_822, %mul3A_838 : i32
        %add3A_840 = arith.constant 1 : i32
        %add3A_841 = arith.addi %mul3A_839, %add3A_840 : i32
        %mul3A_842 = arith.constant 80 : i32
        %mul3A_843 = arith.muli %add3A_841, %mul3A_842 : i32
        %add3A_844 = arith.addi %mul3A_837, %mul3A_843 : i32
        %dma_start3A_845 = arith.constant 2 : i32
        %dma_start3A_846 = tpu.memref_slice %arg3[%dma_start3A_845, %add3A_844] : memref<3x320000xi32, #tpu.memory_space<hbm>> -> memref<1x80xi32, #tpu.memory_space<hbm>>
        %dma_start3A_847 = tpu.memref_squeeze %dma_start3A_846 : memref<1x80xi32, #tpu.memory_space<hbm>> -> memref<80xi32, #tpu.memory_space<hbm>>
        %dma_start3A_848 = tpu.memref_slice %arg3[%dma_start3A_845, %add3A_844] : memref<3x320000xi32, #tpu.memory_space<hbm>> -> memref<1x80xi32, #tpu.memory_space<hbm>>
        %dma_start3A_849 = tpu.memref_squeeze %dma_start3A_848 : memref<1x80xi32, #tpu.memory_space<hbm>> -> memref<80xi32, #tpu.memory_space<hbm>>
        tpu.enqueue_dma source(%dma_start3A_849 : memref<80xi32, #tpu.memory_space<hbm>>) target(%arg12 : memref<80xi32, #tpu.memory_space<vmem>>) target_semaphore(%arg37 : memref<!tpu.dma_semaphore, #tpu.memory_space<semaphore_mem>>)
      } else {
      }
      %dma_wait3A_469 = arith.constant 0 : i32
      %dma_wait3A_470 = arith.constant 0 : i32
      %dma_wait3A_471 = tpu.memref_slice %arg34[%dma_wait3A_469, %dma_wait3A_470] : memref<10240x64xf32, #tpu.memory_space<vmem_shared>> -> memref<10240x64xf32, #tpu.memory_space<vmem_shared>>
      tpu.wait_indirect_dma semaphore(%arg53 : memref<!tpu.dma_semaphore, #tpu.memory_space<semaphore_mem>>) src(%arg28 : memref<80x64xf32, #tpu.memory_space<vmem>>) dst(%dma_wait3A_471 : memref<10240x64xf32, #tpu.memory_space<vmem_shared>>)
      %mul3A_472 = arith.constant 5 : i32
      %mul3A_473 = arith.muli %mul3A_312, %mul3A_472 : i32
      %add3A_474 = arith.constant 2 : i32
      %add3A_475 = arith.addi %mul3A_473, %add3A_474 : i32
      %eq3A_476 = arith.constant 0 : i32
      %eq3A_477 = arith.cmpi eq, %arg0, %eq3A_476 : i32
      %lt3A_478 = arith.constant 125 : i32
      %lt3A_479 = arith.cmpi slt, %add3A_475, %lt3A_478 : i32
      %ge3A_480 = arith.constant 125 : i32
      %ge3A_481 = arith.cmpi sge, %add3A_475, %ge3A_480 : i32
      %select_n3A_482 = arith.select %eq3A_477, %lt3A_479, %ge3A_481 : i1
      %convert_element_type3A_483 = arith.extui %select_n3A_482 : i1 to i32
      %cond3A_484 = arith.constant 0 : i32
      %cond3A_485 = arith.cmpi ne, %convert_element_type3A_483, %cond3A_484 : i32
      scf.if %cond3A_485 {
        %dma_wait3A_821 = arith.constant 0 : i32
        %dma_wait3A_822 = arith.constant 0 : i32
        %dma_wait3A_823 = tpu.memref_slice %arg35[%dma_wait3A_821, %dma_wait3A_822] : memref<10240x16xf32, #tpu.memory_space<vmem_shared>> -> memref<10240x16xf32, #tpu.memory_space<vmem_shared>>
        tpu.wait_indirect_dma semaphore(%arg58 : memref<!tpu.dma_semaphore, #tpu.memory_space<semaphore_mem>>) src(%arg31 : memref<80x16xf32, #tpu.memory_space<vmem>>) dst(%dma_wait3A_823 : memref<10240x16xf32, #tpu.memory_space<vmem_shared>>)
      } else {
      }
      %add3A_486 = arith.constant 1 : i32
      %add3A_487 = arith.addi %mul3A_312, %add3A_486 : i32
      %lt3A_488 = arith.constant 50 : i32
      %lt3A_489 = arith.cmpi slt, %add3A_487, %lt3A_488 : i32
      %convert_element_type3A_490 = arith.extui %lt3A_489 : i1 to i32
      %cond3A_491 = arith.constant 0 : i32
      %cond3A_492 = arith.cmpi ne, %convert_element_type3A_490, %cond3A_491 : i32
      scf.if %cond3A_492 {
        %add3A_821 = arith.constant 1 : i32
        %add3A_822 = arith.addi %mul3A_312, %add3A_821 : i32
        %mul3A_823 = arith.constant 20000 : i32
        %mul3A_824 = arith.muli %arg1, %mul3A_823 : i32
        %mul3A_825 = arith.constant 5 : i32
        %mul3A_826 = arith.muli %add3A_822, %mul3A_825 : i32
        %add3A_827 = arith.constant 2 : i32
        %add3A_828 = arith.addi %mul3A_826, %add3A_827 : i32
        %mul3A_829 = arith.constant 80 : i32
        %mul3A_830 = arith.muli %add3A_828, %mul3A_829 : i32
        %add3A_831 = arith.addi %mul3A_824, %mul3A_830 : i32
        %dma_wait3A_832 = tpu.memref_slice %arg3[%arg0, %add3A_831] : memref<3x320000xi32, #tpu.memory_space<hbm>> -> memref<1x80xi32, #tpu.memory_space<hbm>>
        %dma_wait3A_833 = tpu.memref_squeeze %dma_wait3A_832 : memref<1x80xi32, #tpu.memory_space<hbm>> -> memref<80xi32, #tpu.memory_space<hbm>>
        %dma_wait3A_834 = tpu.memref_slice %arg3[%arg0, %add3A_831] : memref<3x320000xi32, #tpu.memory_space<hbm>> -> memref<1x80xi32, #tpu.memory_space<hbm>>
        %dma_wait3A_835 = tpu.memref_squeeze %dma_wait3A_834 : memref<1x80xi32, #tpu.memory_space<hbm>> -> memref<80xi32, #tpu.memory_space<hbm>>
        tpu.wait_dma2 semaphore(%arg43 : memref<!tpu.dma_semaphore, #tpu.memory_space<semaphore_mem>>) src(%dma_wait3A_835 : memref<80xi32, #tpu.memory_space<hbm>>) dst(%arg18 : memref<80xi32, #tpu.memory_space<vmem>>)
        %mul3A_836 = arith.constant 20000 : i32
        %mul3A_837 = arith.muli %arg1, %mul3A_836 : i32
        %mul3A_838 = arith.constant 5 : i32
        %mul3A_839 = arith.muli %add3A_822, %mul3A_838 : i32
        %add3A_840 = arith.constant 2 : i32
        %add3A_841 = arith.addi %mul3A_839, %add3A_840 : i32
        %mul3A_842 = arith.constant 80 : i32
        %mul3A_843 = arith.muli %add3A_841, %mul3A_842 : i32
        %add3A_844 = arith.addi %mul3A_837, %mul3A_843 : i32
        %dma_wait3A_845 = arith.constant 2 : i32
        %dma_wait3A_846 = tpu.memref_slice %arg3[%dma_wait3A_845, %add3A_844] : memref<3x320000xi32, #tpu.memory_space<hbm>> -> memref<1x80xi32, #tpu.memory_space<hbm>>
        %dma_wait3A_847 = tpu.memref_squeeze %dma_wait3A_846 : memref<1x80xi32, #tpu.memory_space<hbm>> -> memref<80xi32, #tpu.memory_space<hbm>>
        %dma_wait3A_848 = tpu.memref_slice %arg3[%dma_wait3A_845, %add3A_844] : memref<3x320000xi32, #tpu.memory_space<hbm>> -> memref<1x80xi32, #tpu.memory_space<hbm>>
        %dma_wait3A_849 = tpu.memref_squeeze %dma_wait3A_848 : memref<1x80xi32, #tpu.memory_space<hbm>> -> memref<80xi32, #tpu.memory_space<hbm>>
        tpu.wait_dma2 semaphore(%arg43 : memref<!tpu.dma_semaphore, #tpu.memory_space<semaphore_mem>>) src(%dma_wait3A_849 : memref<80xi32, #tpu.memory_space<hbm>>) dst(%arg23 : memref<80xi32, #tpu.memory_space<vmem>>)
        %dma_start3A_850 = arith.constant 0 : i32
        %dma_start3A_851 = arith.constant 0 : i32
        %dma_start3A_852 = tpu.memref_slice %arg2[%dma_start3A_850, %dma_start3A_851] : memref<20000x64xf32, #tpu.memory_space<hbm>> -> memref<20000x64xf32, #tpu.memory_space<hbm>>
        tpu.enqueue_indirect_dma source(%dma_start3A_852 : memref<20000x64xf32, #tpu.memory_space<hbm>>) target(%arg28 : memref<80x64xf32, #tpu.memory_space<vmem>>) offsets(%arg18 : memref<80xi32, #tpu.memory_space<vmem>>) semaphore(%arg48 : memref<!tpu.dma_semaphore, #tpu.memory_space<semaphore_mem>>)
      } else {
      }
      %add3A_493 = arith.constant 2 : i32
      %add3A_494 = arith.addi %mul3A_312, %add3A_493 : i32
      %lt3A_495 = arith.constant 50 : i32
      %lt3A_496 = arith.cmpi slt, %add3A_494, %lt3A_495 : i32
      %convert_element_type3A_497 = arith.extui %lt3A_496 : i1 to i32
      %cond3A_498 = arith.constant 0 : i32
      %cond3A_499 = arith.cmpi ne, %convert_element_type3A_497, %cond3A_498 : i32
      scf.if %cond3A_499 {
        %add3A_821 = arith.constant 2 : i32
        %add3A_822 = arith.addi %mul3A_312, %add3A_821 : i32
        %mul3A_823 = arith.constant 20000 : i32
        %mul3A_824 = arith.muli %arg1, %mul3A_823 : i32
        %mul3A_825 = arith.constant 5 : i32
        %mul3A_826 = arith.muli %add3A_822, %mul3A_825 : i32
        %add3A_827 = arith.constant 2 : i32
        %add3A_828 = arith.addi %mul3A_826, %add3A_827 : i32
        %mul3A_829 = arith.constant 80 : i32
        %mul3A_830 = arith.muli %add3A_828, %mul3A_829 : i32
        %add3A_831 = arith.addi %mul3A_824, %mul3A_830 : i32
        %dma_start3A_832 = tpu.memref_slice %arg3[%arg0, %add3A_831] : memref<3x320000xi32, #tpu.memory_space<hbm>> -> memref<1x80xi32, #tpu.memory_space<hbm>>
        %dma_start3A_833 = tpu.memref_squeeze %dma_start3A_832 : memref<1x80xi32, #tpu.memory_space<hbm>> -> memref<80xi32, #tpu.memory_space<hbm>>
        %dma_start3A_834 = tpu.memref_slice %arg3[%arg0, %add3A_831] : memref<3x320000xi32, #tpu.memory_space<hbm>> -> memref<1x80xi32, #tpu.memory_space<hbm>>
        %dma_start3A_835 = tpu.memref_squeeze %dma_start3A_834 : memref<1x80xi32, #tpu.memory_space<hbm>> -> memref<80xi32, #tpu.memory_space<hbm>>
        tpu.enqueue_dma source(%dma_start3A_835 : memref<80xi32, #tpu.memory_space<hbm>>) target(%arg8 : memref<80xi32, #tpu.memory_space<vmem>>) target_semaphore(%arg38 : memref<!tpu.dma_semaphore, #tpu.memory_space<semaphore_mem>>)
        %mul3A_836 = arith.constant 20000 : i32
        %mul3A_837 = arith.muli %arg1, %mul3A_836 : i32
        %mul3A_838 = arith.constant 5 : i32
        %mul3A_839 = arith.muli %add3A_822, %mul3A_838 : i32
        %add3A_840 = arith.constant 2 : i32
        %add3A_841 = arith.addi %mul3A_839, %add3A_840 : i32
        %mul3A_842 = arith.constant 80 : i32
        %mul3A_843 = arith.muli %add3A_841, %mul3A_842 : i32
        %add3A_844 = arith.addi %mul3A_837, %mul3A_843 : i32
        %dma_start3A_845 = arith.constant 2 : i32
        %dma_start3A_846 = tpu.memref_slice %arg3[%dma_start3A_845, %add3A_844] : memref<3x320000xi32, #tpu.memory_space<hbm>> -> memref<1x80xi32, #tpu.memory_space<hbm>>
        %dma_start3A_847 = tpu.memref_squeeze %dma_start3A_846 : memref<1x80xi32, #tpu.memory_space<hbm>> -> memref<80xi32, #tpu.memory_space<hbm>>
        %dma_start3A_848 = tpu.memref_slice %arg3[%dma_start3A_845, %add3A_844] : memref<3x320000xi32, #tpu.memory_space<hbm>> -> memref<1x80xi32, #tpu.memory_space<hbm>>
        %dma_start3A_849 = tpu.memref_squeeze %dma_start3A_848 : memref<1x80xi32, #tpu.memory_space<hbm>> -> memref<80xi32, #tpu.memory_space<hbm>>
        tpu.enqueue_dma source(%dma_start3A_849 : memref<80xi32, #tpu.memory_space<hbm>>) target(%arg13 : memref<80xi32, #tpu.memory_space<vmem>>) target_semaphore(%arg38 : memref<!tpu.dma_semaphore, #tpu.memory_space<semaphore_mem>>)
      } else {
      }
      %dma_wait3A_500 = arith.constant 0 : i32
      %dma_wait3A_501 = arith.constant 0 : i32
      %dma_wait3A_502 = tpu.memref_slice %arg34[%dma_wait3A_500, %dma_wait3A_501] : memref<10240x64xf32, #tpu.memory_space<vmem_shared>> -> memref<10240x64xf32, #tpu.memory_space<vmem_shared>>
      tpu.wait_indirect_dma semaphore(%arg54 : memref<!tpu.dma_semaphore, #tpu.memory_space<semaphore_mem>>) src(%arg29 : memref<80x64xf32, #tpu.memory_space<vmem>>) dst(%dma_wait3A_502 : memref<10240x64xf32, #tpu.memory_space<vmem_shared>>)
      %mul3A_503 = arith.constant 5 : i32
      %mul3A_504 = arith.muli %mul3A_312, %mul3A_503 : i32
      %add3A_505 = arith.constant 3 : i32
      %add3A_506 = arith.addi %mul3A_504, %add3A_505 : i32
      %eq3A_507 = arith.constant 0 : i32
      %eq3A_508 = arith.cmpi eq, %arg0, %eq3A_507 : i32
      %lt3A_509 = arith.constant 125 : i32
      %lt3A_510 = arith.cmpi slt, %add3A_506, %lt3A_509 : i32
      %ge3A_511 = arith.constant 125 : i32
      %ge3A_512 = arith.cmpi sge, %add3A_506, %ge3A_511 : i32
      %select_n3A_513 = arith.select %eq3A_508, %lt3A_510, %ge3A_512 : i1
      %convert_element_type3A_514 = arith.extui %select_n3A_513 : i1 to i32
      %cond3A_515 = arith.constant 0 : i32
      %cond3A_516 = arith.cmpi ne, %convert_element_type3A_514, %cond3A_515 : i32
      scf.if %cond3A_516 {
        %dma_wait3A_821 = arith.constant 0 : i32
        %dma_wait3A_822 = arith.constant 0 : i32
        %dma_wait3A_823 = tpu.memref_slice %arg35[%dma_wait3A_821, %dma_wait3A_822] : memref<10240x16xf32, #tpu.memory_space<vmem_shared>> -> memref<10240x16xf32, #tpu.memory_space<vmem_shared>>
        tpu.wait_indirect_dma semaphore(%arg59 : memref<!tpu.dma_semaphore, #tpu.memory_space<semaphore_mem>>) src(%arg31 : memref<80x16xf32, #tpu.memory_space<vmem>>) dst(%dma_wait3A_823 : memref<10240x16xf32, #tpu.memory_space<vmem_shared>>)
      } else {
      }
      %add3A_517 = arith.constant 1 : i32
      %add3A_518 = arith.addi %mul3A_312, %add3A_517 : i32
      %lt3A_519 = arith.constant 50 : i32
      %lt3A_520 = arith.cmpi slt, %add3A_518, %lt3A_519 : i32
      %convert_element_type3A_521 = arith.extui %lt3A_520 : i1 to i32
      %cond3A_522 = arith.constant 0 : i32
      %cond3A_523 = arith.cmpi ne, %convert_element_type3A_521, %cond3A_522 : i32
      scf.if %cond3A_523 {
        %add3A_821 = arith.constant 1 : i32
        %add3A_822 = arith.addi %mul3A_312, %add3A_821 : i32
        %mul3A_823 = arith.constant 20000 : i32
        %mul3A_824 = arith.muli %arg1, %mul3A_823 : i32
        %mul3A_825 = arith.constant 5 : i32
        %mul3A_826 = arith.muli %add3A_822, %mul3A_825 : i32
        %add3A_827 = arith.constant 3 : i32
        %add3A_828 = arith.addi %mul3A_826, %add3A_827 : i32
        %mul3A_829 = arith.constant 80 : i32
        %mul3A_830 = arith.muli %add3A_828, %mul3A_829 : i32
        %add3A_831 = arith.addi %mul3A_824, %mul3A_830 : i32
        %dma_wait3A_832 = tpu.memref_slice %arg3[%arg0, %add3A_831] : memref<3x320000xi32, #tpu.memory_space<hbm>> -> memref<1x80xi32, #tpu.memory_space<hbm>>
        %dma_wait3A_833 = tpu.memref_squeeze %dma_wait3A_832 : memref<1x80xi32, #tpu.memory_space<hbm>> -> memref<80xi32, #tpu.memory_space<hbm>>
        %dma_wait3A_834 = tpu.memref_slice %arg3[%arg0, %add3A_831] : memref<3x320000xi32, #tpu.memory_space<hbm>> -> memref<1x80xi32, #tpu.memory_space<hbm>>
        %dma_wait3A_835 = tpu.memref_squeeze %dma_wait3A_834 : memref<1x80xi32, #tpu.memory_space<hbm>> -> memref<80xi32, #tpu.memory_space<hbm>>
        tpu.wait_dma2 semaphore(%arg44 : memref<!tpu.dma_semaphore, #tpu.memory_space<semaphore_mem>>) src(%dma_wait3A_835 : memref<80xi32, #tpu.memory_space<hbm>>) dst(%arg19 : memref<80xi32, #tpu.memory_space<vmem>>)
        %mul3A_836 = arith.constant 20000 : i32
        %mul3A_837 = arith.muli %arg1, %mul3A_836 : i32
        %mul3A_838 = arith.constant 5 : i32
        %mul3A_839 = arith.muli %add3A_822, %mul3A_838 : i32
        %add3A_840 = arith.constant 3 : i32
        %add3A_841 = arith.addi %mul3A_839, %add3A_840 : i32
        %mul3A_842 = arith.constant 80 : i32
        %mul3A_843 = arith.muli %add3A_841, %mul3A_842 : i32
        %add3A_844 = arith.addi %mul3A_837, %mul3A_843 : i32
        %dma_wait3A_845 = arith.constant 2 : i32
        %dma_wait3A_846 = tpu.memref_slice %arg3[%dma_wait3A_845, %add3A_844] : memref<3x320000xi32, #tpu.memory_space<hbm>> -> memref<1x80xi32, #tpu.memory_space<hbm>>
        %dma_wait3A_847 = tpu.memref_squeeze %dma_wait3A_846 : memref<1x80xi32, #tpu.memory_space<hbm>> -> memref<80xi32, #tpu.memory_space<hbm>>
        %dma_wait3A_848 = tpu.memref_slice %arg3[%dma_wait3A_845, %add3A_844] : memref<3x320000xi32, #tpu.memory_space<hbm>> -> memref<1x80xi32, #tpu.memory_space<hbm>>
        %dma_wait3A_849 = tpu.memref_squeeze %dma_wait3A_848 : memref<1x80xi32, #tpu.memory_space<hbm>> -> memref<80xi32, #tpu.memory_space<hbm>>
        tpu.wait_dma2 semaphore(%arg44 : memref<!tpu.dma_semaphore, #tpu.memory_space<semaphore_mem>>) src(%dma_wait3A_849 : memref<80xi32, #tpu.memory_space<hbm>>) dst(%arg24 : memref<80xi32, #tpu.memory_space<vmem>>)
        %dma_start3A_850 = arith.constant 0 : i32
        %dma_start3A_851 = arith.constant 0 : i32
        %dma_start3A_852 = tpu.memref_slice %arg2[%dma_start3A_850, %dma_start3A_851] : memref<20000x64xf32, #tpu.memory_space<hbm>> -> memref<20000x64xf32, #tpu.memory_space<hbm>>
        tpu.enqueue_indirect_dma source(%dma_start3A_852 : memref<20000x64xf32, #tpu.memory_space<hbm>>) target(%arg29 : memref<80x64xf32, #tpu.memory_space<vmem>>) offsets(%arg19 : memref<80xi32, #tpu.memory_space<vmem>>) semaphore(%arg49 : memref<!tpu.dma_semaphore, #tpu.memory_space<semaphore_mem>>)
      } else {
      }
      %add3A_524 = arith.constant 2 : i32
      %add3A_525 = arith.addi %mul3A_312, %add3A_524 : i32
      %lt3A_526 = arith.constant 50 : i32
      %lt3A_527 = arith.cmpi slt, %add3A_525, %lt3A_526 : i32
      %convert_element_type3A_528 = arith.extui %lt3A_527 : i1 to i32
      %cond3A_529 = arith.constant 0 : i32
      %cond3A_530 = arith.cmpi ne, %convert_element_type3A_528, %cond3A_529 : i32
      scf.if %cond3A_530 {
        %add3A_821 = arith.constant 2 : i32
        %add3A_822 = arith.addi %mul3A_312, %add3A_821 : i32
        %mul3A_823 = arith.constant 20000 : i32
        %mul3A_824 = arith.muli %arg1, %mul3A_823 : i32
        %mul3A_825 = arith.constant 5 : i32
        %mul3A_826 = arith.muli %add3A_822, %mul3A_825 : i32
        %add3A_827 = arith.constant 3 : i32
        %add3A_828 = arith.addi %mul3A_826, %add3A_827 : i32
        %mul3A_829 = arith.constant 80 : i32
        %mul3A_830 = arith.muli %add3A_828, %mul3A_829 : i32
        %add3A_831 = arith.addi %mul3A_824, %mul3A_830 : i32
        %dma_start3A_832 = tpu.memref_slice %arg3[%arg0, %add3A_831] : memref<3x320000xi32, #tpu.memory_space<hbm>> -> memref<1x80xi32, #tpu.memory_space<hbm>>
        %dma_start3A_833 = tpu.memref_squeeze %dma_start3A_832 : memref<1x80xi32, #tpu.memory_space<hbm>> -> memref<80xi32, #tpu.memory_space<hbm>>
        %dma_start3A_834 = tpu.memref_slice %arg3[%arg0, %add3A_831] : memref<3x320000xi32, #tpu.memory_space<hbm>> -> memref<1x80xi32, #tpu.memory_space<hbm>>
        %dma_start3A_835 = tpu.memref_squeeze %dma_start3A_834 : memref<1x80xi32, #tpu.memory_space<hbm>> -> memref<80xi32, #tpu.memory_space<hbm>>
        tpu.enqueue_dma source(%dma_start3A_835 : memref<80xi32, #tpu.memory_space<hbm>>) target(%arg9 : memref<80xi32, #tpu.memory_space<vmem>>) target_semaphore(%arg39 : memref<!tpu.dma_semaphore, #tpu.memory_space<semaphore_mem>>)
        %mul3A_836 = arith.constant 20000 : i32
        %mul3A_837 = arith.muli %arg1, %mul3A_836 : i32
        %mul3A_838 = arith.constant 5 : i32
        %mul3A_839 = arith.muli %add3A_822, %mul3A_838 : i32
        %add3A_840 = arith.constant 3 : i32
        %add3A_841 = arith.addi %mul3A_839, %add3A_840 : i32
        %mul3A_842 = arith.constant 80 : i32
        %mul3A_843 = arith.muli %add3A_841, %mul3A_842 : i32
        %add3A_844 = arith.addi %mul3A_837, %mul3A_843 : i32
        %dma_start3A_845 = arith.constant 2 : i32
        %dma_start3A_846 = tpu.memref_slice %arg3[%dma_start3A_845, %add3A_844] : memref<3x320000xi32, #tpu.memory_space<hbm>> -> memref<1x80xi32, #tpu.memory_space<hbm>>
        %dma_start3A_847 = tpu.memref_squeeze %dma_start3A_846 : memref<1x80xi32, #tpu.memory_space<hbm>> -> memref<80xi32, #tpu.memory_space<hbm>>
        %dma_start3A_848 = tpu.memref_slice %arg3[%dma_start3A_845, %add3A_844] : memref<3x320000xi32, #tpu.memory_space<hbm>> -> memref<1x80xi32, #tpu.memory_space<hbm>>
        %dma_start3A_849 = tpu.memref_squeeze %dma_start3A_848 : memref<1x80xi32, #tpu.memory_space<hbm>> -> memref<80xi32, #tpu.memory_space<hbm>>
        tpu.enqueue_dma source(%dma_start3A_849 : memref<80xi32, #tpu.memory_space<hbm>>) target(%arg14 : memref<80xi32, #tpu.memory_space<vmem>>) target_semaphore(%arg39 : memref<!tpu.dma_semaphore, #tpu.memory_space<semaphore_mem>>)
      } else {
      }
      %dma_wait3A_531 = arith.constant 0 : i32
      %dma_wait3A_532 = arith.constant 0 : i32
      %dma_wait3A_533 = tpu.memref_slice %arg34[%dma_wait3A_531, %dma_wait3A_532] : memref<10240x64xf32, #tpu.memory_space<vmem_shared>> -> memref<10240x64xf32, #tpu.memory_space<vmem_shared>>
      tpu.wait_indirect_dma semaphore(%arg55 : memref<!tpu.dma_semaphore, #tpu.memory_space<semaphore_mem>>) src(%arg30 : memref<80x64xf32, #tpu.memory_space<vmem>>) dst(%dma_wait3A_533 : memref<10240x64xf32, #tpu.memory_space<vmem_shared>>)
      %mul3A_534 = arith.constant 5 : i32
      %mul3A_535 = arith.muli %mul3A_312, %mul3A_534 : i32
      %add3A_536 = arith.constant 4 : i32
      %add3A_537 = arith.addi %mul3A_535, %add3A_536 : i32
      %eq3A_538 = arith.constant 0 : i32
      %eq3A_539 = arith.cmpi eq, %arg0, %eq3A_538 : i32
      %lt3A_540 = arith.constant 125 : i32
      %lt3A_541 = arith.cmpi slt, %add3A_537, %lt3A_540 : i32
      %ge3A_542 = arith.constant 125 : i32
      %ge3A_543 = arith.cmpi sge, %add3A_537, %ge3A_542 : i32
      %select_n3A_544 = arith.select %eq3A_539, %lt3A_541, %ge3A_543 : i1
      %convert_element_type3A_545 = arith.extui %select_n3A_544 : i1 to i32
      %cond3A_546 = arith.constant 0 : i32
      %cond3A_547 = arith.cmpi ne, %convert_element_type3A_545, %cond3A_546 : i32
      scf.if %cond3A_547 {
        %dma_wait3A_821 = arith.constant 0 : i32
        %dma_wait3A_822 = arith.constant 0 : i32
        %dma_wait3A_823 = tpu.memref_slice %arg35[%dma_wait3A_821, %dma_wait3A_822] : memref<10240x16xf32, #tpu.memory_space<vmem_shared>> -> memref<10240x16xf32, #tpu.memory_space<vmem_shared>>
        tpu.wait_indirect_dma semaphore(%arg60 : memref<!tpu.dma_semaphore, #tpu.memory_space<semaphore_mem>>) src(%arg31 : memref<80x16xf32, #tpu.memory_space<vmem>>) dst(%dma_wait3A_823 : memref<10240x16xf32, #tpu.memory_space<vmem_shared>>)
      } else {
      }
      %add3A_548 = arith.constant 1 : i32
      %add3A_549 = arith.addi %mul3A_312, %add3A_548 : i32
      %lt3A_550 = arith.constant 50 : i32
      %lt3A_551 = arith.cmpi slt, %add3A_549, %lt3A_550 : i32
      %convert_element_type3A_552 = arith.extui %lt3A_551 : i1 to i32
      %cond3A_553 = arith.constant 0 : i32
      %cond3A_554 = arith.cmpi ne, %convert_element_type3A_552, %cond3A_553 : i32
      scf.if %cond3A_554 {
        %add3A_821 = arith.constant 1 : i32
        %add3A_822 = arith.addi %mul3A_312, %add3A_821 : i32
        %mul3A_823 = arith.constant 20000 : i32
        %mul3A_824 = arith.muli %arg1, %mul3A_823 : i32
        %mul3A_825 = arith.constant 5 : i32
        %mul3A_826 = arith.muli %add3A_822, %mul3A_825 : i32
        %add3A_827 = arith.constant 4 : i32
        %add3A_828 = arith.addi %mul3A_826, %add3A_827 : i32
        %mul3A_829 = arith.constant 80 : i32
        %mul3A_830 = arith.muli %add3A_828, %mul3A_829 : i32
        %add3A_831 = arith.addi %mul3A_824, %mul3A_830 : i32
        %dma_wait3A_832 = tpu.memref_slice %arg3[%arg0, %add3A_831] : memref<3x320000xi32, #tpu.memory_space<hbm>> -> memref<1x80xi32, #tpu.memory_space<hbm>>
        %dma_wait3A_833 = tpu.memref_squeeze %dma_wait3A_832 : memref<1x80xi32, #tpu.memory_space<hbm>> -> memref<80xi32, #tpu.memory_space<hbm>>
        %dma_wait3A_834 = tpu.memref_slice %arg3[%arg0, %add3A_831] : memref<3x320000xi32, #tpu.memory_space<hbm>> -> memref<1x80xi32, #tpu.memory_space<hbm>>
        %dma_wait3A_835 = tpu.memref_squeeze %dma_wait3A_834 : memref<1x80xi32, #tpu.memory_space<hbm>> -> memref<80xi32, #tpu.memory_space<hbm>>
        tpu.wait_dma2 semaphore(%arg45 : memref<!tpu.dma_semaphore, #tpu.memory_space<semaphore_mem>>) src(%dma_wait3A_835 : memref<80xi32, #tpu.memory_space<hbm>>) dst(%arg20 : memref<80xi32, #tpu.memory_space<vmem>>)
        %mul3A_836 = arith.constant 20000 : i32
        %mul3A_837 = arith.muli %arg1, %mul3A_836 : i32
        %mul3A_838 = arith.constant 5 : i32
        %mul3A_839 = arith.muli %add3A_822, %mul3A_838 : i32
        %add3A_840 = arith.constant 4 : i32
        %add3A_841 = arith.addi %mul3A_839, %add3A_840 : i32
        %mul3A_842 = arith.constant 80 : i32
        %mul3A_843 = arith.muli %add3A_841, %mul3A_842 : i32
        %add3A_844 = arith.addi %mul3A_837, %mul3A_843 : i32
        %dma_wait3A_845 = arith.constant 2 : i32
        %dma_wait3A_846 = tpu.memref_slice %arg3[%dma_wait3A_845, %add3A_844] : memref<3x320000xi32, #tpu.memory_space<hbm>> -> memref<1x80xi32, #tpu.memory_space<hbm>>
        %dma_wait3A_847 = tpu.memref_squeeze %dma_wait3A_846 : memref<1x80xi32, #tpu.memory_space<hbm>> -> memref<80xi32, #tpu.memory_space<hbm>>
        %dma_wait3A_848 = tpu.memref_slice %arg3[%dma_wait3A_845, %add3A_844] : memref<3x320000xi32, #tpu.memory_space<hbm>> -> memref<1x80xi32, #tpu.memory_space<hbm>>
        %dma_wait3A_849 = tpu.memref_squeeze %dma_wait3A_848 : memref<1x80xi32, #tpu.memory_space<hbm>> -> memref<80xi32, #tpu.memory_space<hbm>>
        tpu.wait_dma2 semaphore(%arg45 : memref<!tpu.dma_semaphore, #tpu.memory_space<semaphore_mem>>) src(%dma_wait3A_849 : memref<80xi32, #tpu.memory_space<hbm>>) dst(%arg25 : memref<80xi32, #tpu.memory_space<vmem>>)
        %dma_start3A_850 = arith.constant 0 : i32
        %dma_start3A_851 = arith.constant 0 : i32
        %dma_start3A_852 = tpu.memref_slice %arg2[%dma_start3A_850, %dma_start3A_851] : memref<20000x64xf32, #tpu.memory_space<hbm>> -> memref<20000x64xf32, #tpu.memory_space<hbm>>
        tpu.enqueue_indirect_dma source(%dma_start3A_852 : memref<20000x64xf32, #tpu.memory_space<hbm>>) target(%arg30 : memref<80x64xf32, #tpu.memory_space<vmem>>) offsets(%arg20 : memref<80xi32, #tpu.memory_space<vmem>>) semaphore(%arg50 : memref<!tpu.dma_semaphore, #tpu.memory_space<semaphore_mem>>)
      } else {
      }
      %add3A_555 = arith.constant 2 : i32
      %add3A_556 = arith.addi %mul3A_312, %add3A_555 : i32
      %lt3A_557 = arith.constant 50 : i32
      %lt3A_558 = arith.cmpi slt, %add3A_556, %lt3A_557 : i32
      %convert_element_type3A_559 = arith.extui %lt3A_558 : i1 to i32
      %cond3A_560 = arith.constant 0 : i32
      %cond3A_561 = arith.cmpi ne, %convert_element_type3A_559, %cond3A_560 : i32
      scf.if %cond3A_561 {
        %add3A_821 = arith.constant 2 : i32
        %add3A_822 = arith.addi %mul3A_312, %add3A_821 : i32
        %mul3A_823 = arith.constant 20000 : i32
        %mul3A_824 = arith.muli %arg1, %mul3A_823 : i32
        %mul3A_825 = arith.constant 5 : i32
        %mul3A_826 = arith.muli %add3A_822, %mul3A_825 : i32
        %add3A_827 = arith.constant 4 : i32
        %add3A_828 = arith.addi %mul3A_826, %add3A_827 : i32
        %mul3A_829 = arith.constant 80 : i32
        %mul3A_830 = arith.muli %add3A_828, %mul3A_829 : i32
        %add3A_831 = arith.addi %mul3A_824, %mul3A_830 : i32
        %dma_start3A_832 = tpu.memref_slice %arg3[%arg0, %add3A_831] : memref<3x320000xi32, #tpu.memory_space<hbm>> -> memref<1x80xi32, #tpu.memory_space<hbm>>
        %dma_start3A_833 = tpu.memref_squeeze %dma_start3A_832 : memref<1x80xi32, #tpu.memory_space<hbm>> -> memref<80xi32, #tpu.memory_space<hbm>>
        %dma_start3A_834 = tpu.memref_slice %arg3[%arg0, %add3A_831] : memref<3x320000xi32, #tpu.memory_space<hbm>> -> memref<1x80xi32, #tpu.memory_space<hbm>>
        %dma_start3A_835 = tpu.memref_squeeze %dma_start3A_834 : memref<1x80xi32, #tpu.memory_space<hbm>> -> memref<80xi32, #tpu.memory_space<hbm>>
        tpu.enqueue_dma source(%dma_start3A_835 : memref<80xi32, #tpu.memory_space<hbm>>) target(%arg10 : memref<80xi32, #tpu.memory_space<vmem>>) target_semaphore(%arg40 : memref<!tpu.dma_semaphore, #tpu.memory_space<semaphore_mem>>)
        %mul3A_836 = arith.constant 20000 : i32
        %mul3A_837 = arith.muli %arg1, %mul3A_836 : i32
        %mul3A_838 = arith.constant 5 : i32
        %mul3A_839 = arith.muli %add3A_822, %mul3A_838 : i32
        %add3A_840 = arith.constant 4 : i32
        %add3A_841 = arith.addi %mul3A_839, %add3A_840 : i32
        %mul3A_842 = arith.constant 80 : i32
        %mul3A_843 = arith.muli %add3A_841, %mul3A_842 : i32
        %add3A_844 = arith.addi %mul3A_837, %mul3A_843 : i32
        %dma_start3A_845 = arith.constant 2 : i32
        %dma_start3A_846 = tpu.memref_slice %arg3[%dma_start3A_845, %add3A_844] : memref<3x320000xi32, #tpu.memory_space<hbm>> -> memref<1x80xi32, #tpu.memory_space<hbm>>
        %dma_start3A_847 = tpu.memref_squeeze %dma_start3A_846 : memref<1x80xi32, #tpu.memory_space<hbm>> -> memref<80xi32, #tpu.memory_space<hbm>>
        %dma_start3A_848 = tpu.memref_slice %arg3[%dma_start3A_845, %add3A_844] : memref<3x320000xi32, #tpu.memory_space<hbm>> -> memref<1x80xi32, #tpu.memory_space<hbm>>
        %dma_start3A_849 = tpu.memref_squeeze %dma_start3A_848 : memref<1x80xi32, #tpu.memory_space<hbm>> -> memref<80xi32, #tpu.memory_space<hbm>>
        tpu.enqueue_dma source(%dma_start3A_849 : memref<80xi32, #tpu.memory_space<hbm>>) target(%arg15 : memref<80xi32, #tpu.memory_space<vmem>>) target_semaphore(%arg40 : memref<!tpu.dma_semaphore, #tpu.memory_space<semaphore_mem>>)
      } else {
      }
      %mul3A_562 = arith.constant 2 : i32
      %mul3A_563 = arith.muli %mul3A_562, %add3A_310 : i32
      %add3A_564 = arith.constant 1 : i32
      %add3A_565 = arith.addi %mul3A_563, %add3A_564 : i32
      %dma_wait3A_566 = arith.constant 0 : i32
      %dma_wait3A_567 = arith.constant 0 : i32
      %dma_wait3A_568 = tpu.memref_slice %arg2[%dma_wait3A_566, %dma_wait3A_567] : memref<20000x64xf32, #tpu.memory_space<hbm>> -> memref<20000x64xf32, #tpu.memory_space<hbm>>
      tpu.wait_indirect_dma semaphore(%arg46 : memref<!tpu.dma_semaphore, #tpu.memory_space<semaphore_mem>>) src(%dma_wait3A_568 : memref<20000x64xf32, #tpu.memory_space<hbm>>) dst(%arg26 : memref<80x64xf32, #tpu.memory_space<vmem>>)
      %dma_start3A_569 = arith.constant 0 : i32
      %dma_start3A_570 = arith.constant 0 : i32
      %dma_start3A_571 = tpu.memref_slice %arg34[%dma_start3A_569, %dma_start3A_570] : memref<10240x64xf32, #tpu.memory_space<vmem_shared>> -> memref<10240x64xf32, #tpu.memory_space<vmem_shared>>
      tpu.enqueue_indirect_dma source(%arg26 : memref<80x64xf32, #tpu.memory_space<vmem>>) target(%dma_start3A_571 : memref<10240x64xf32, #tpu.memory_space<vmem_shared>>) offsets(%arg21 : memref<80xi32, #tpu.memory_space<vmem>>) semaphore(%arg51 : memref<!tpu.dma_semaphore, #tpu.memory_space<semaphore_mem>>) {add = true}
      %mul3A_572 = arith.constant 5 : i32
      %mul3A_573 = arith.muli %add3A_565, %mul3A_572 : i32
      %add3A_574 = arith.constant 0 : i32
      %add3A_575 = arith.addi %mul3A_573, %add3A_574 : i32
      %eq3A_576 = arith.constant 0 : i32
      %eq3A_577 = arith.cmpi eq, %arg0, %eq3A_576 : i32
      %lt3A_578 = arith.constant 125 : i32
      %lt3A_579 = arith.cmpi slt, %add3A_575, %lt3A_578 : i32
      %ge3A_580 = arith.constant 125 : i32
      %ge3A_581 = arith.cmpi sge, %add3A_575, %ge3A_580 : i32
      %select_n3A_582 = arith.select %eq3A_577, %lt3A_579, %ge3A_581 : i1
      %convert_element_type3A_583 = arith.extui %select_n3A_582 : i1 to i32
      %cond3A_584 = arith.constant 0 : i32
      %cond3A_585 = arith.cmpi ne, %convert_element_type3A_583, %cond3A_584 : i32
      scf.if %cond3A_585 {
        %dma_start3A_821 = arith.constant 0 : i32
        %dma_start3A_822 = arith.constant 0 : i32
        %dma_start3A_823 = tpu.memref_slice %arg35[%dma_start3A_821, %dma_start3A_822] : memref<10240x16xf32, #tpu.memory_space<vmem_shared>> -> memref<10240x16xf32, #tpu.memory_space<vmem_shared>>
        tpu.enqueue_indirect_dma source(%arg31 : memref<80x16xf32, #tpu.memory_space<vmem>>) target(%dma_start3A_823 : memref<10240x16xf32, #tpu.memory_space<vmem_shared>>) offsets(%arg21 : memref<80xi32, #tpu.memory_space<vmem>>) semaphore(%arg56 : memref<!tpu.dma_semaphore, #tpu.memory_space<semaphore_mem>>) {add = true}
      } else {
      }
      %dma_wait3A_586 = arith.constant 0 : i32
      %dma_wait3A_587 = arith.constant 0 : i32
      %dma_wait3A_588 = tpu.memref_slice %arg2[%dma_wait3A_586, %dma_wait3A_587] : memref<20000x64xf32, #tpu.memory_space<hbm>> -> memref<20000x64xf32, #tpu.memory_space<hbm>>
      tpu.wait_indirect_dma semaphore(%arg47 : memref<!tpu.dma_semaphore, #tpu.memory_space<semaphore_mem>>) src(%dma_wait3A_588 : memref<20000x64xf32, #tpu.memory_space<hbm>>) dst(%arg27 : memref<80x64xf32, #tpu.memory_space<vmem>>)
      %dma_start3A_589 = arith.constant 0 : i32
      %dma_start3A_590 = arith.constant 0 : i32
      %dma_start3A_591 = tpu.memref_slice %arg34[%dma_start3A_589, %dma_start3A_590] : memref<10240x64xf32, #tpu.memory_space<vmem_shared>> -> memref<10240x64xf32, #tpu.memory_space<vmem_shared>>
      tpu.enqueue_indirect_dma source(%arg27 : memref<80x64xf32, #tpu.memory_space<vmem>>) target(%dma_start3A_591 : memref<10240x64xf32, #tpu.memory_space<vmem_shared>>) offsets(%arg22 : memref<80xi32, #tpu.memory_space<vmem>>) semaphore(%arg52 : memref<!tpu.dma_semaphore, #tpu.memory_space<semaphore_mem>>) {add = true}
      %mul3A_592 = arith.constant 5 : i32
      %mul3A_593 = arith.muli %add3A_565, %mul3A_592 : i32
      %add3A_594 = arith.constant 1 : i32
      %add3A_595 = arith.addi %mul3A_593, %add3A_594 : i32
      %eq3A_596 = arith.constant 0 : i32
      %eq3A_597 = arith.cmpi eq, %arg0, %eq3A_596 : i32
      %lt3A_598 = arith.constant 125 : i32
      %lt3A_599 = arith.cmpi slt, %add3A_595, %lt3A_598 : i32
      %ge3A_600 = arith.constant 125 : i32
      %ge3A_601 = arith.cmpi sge, %add3A_595, %ge3A_600 : i32
      %select_n3A_602 = arith.select %eq3A_597, %lt3A_599, %ge3A_601 : i1
      %convert_element_type3A_603 = arith.extui %select_n3A_602 : i1 to i32
      %cond3A_604 = arith.constant 0 : i32
      %cond3A_605 = arith.cmpi ne, %convert_element_type3A_603, %cond3A_604 : i32
      scf.if %cond3A_605 {
        %dma_start3A_821 = arith.constant 0 : i32
        %dma_start3A_822 = arith.constant 0 : i32
        %dma_start3A_823 = tpu.memref_slice %arg35[%dma_start3A_821, %dma_start3A_822] : memref<10240x16xf32, #tpu.memory_space<vmem_shared>> -> memref<10240x16xf32, #tpu.memory_space<vmem_shared>>
        tpu.enqueue_indirect_dma source(%arg31 : memref<80x16xf32, #tpu.memory_space<vmem>>) target(%dma_start3A_823 : memref<10240x16xf32, #tpu.memory_space<vmem_shared>>) offsets(%arg22 : memref<80xi32, #tpu.memory_space<vmem>>) semaphore(%arg57 : memref<!tpu.dma_semaphore, #tpu.memory_space<semaphore_mem>>) {add = true}
      } else {
      }
      %dma_wait3A_606 = arith.constant 0 : i32
      %dma_wait3A_607 = arith.constant 0 : i32
      %dma_wait3A_608 = tpu.memref_slice %arg2[%dma_wait3A_606, %dma_wait3A_607] : memref<20000x64xf32, #tpu.memory_space<hbm>> -> memref<20000x64xf32, #tpu.memory_space<hbm>>
      tpu.wait_indirect_dma semaphore(%arg48 : memref<!tpu.dma_semaphore, #tpu.memory_space<semaphore_mem>>) src(%dma_wait3A_608 : memref<20000x64xf32, #tpu.memory_space<hbm>>) dst(%arg28 : memref<80x64xf32, #tpu.memory_space<vmem>>)
      %dma_start3A_609 = arith.constant 0 : i32
      %dma_start3A_610 = arith.constant 0 : i32
      %dma_start3A_611 = tpu.memref_slice %arg34[%dma_start3A_609, %dma_start3A_610] : memref<10240x64xf32, #tpu.memory_space<vmem_shared>> -> memref<10240x64xf32, #tpu.memory_space<vmem_shared>>
      tpu.enqueue_indirect_dma source(%arg28 : memref<80x64xf32, #tpu.memory_space<vmem>>) target(%dma_start3A_611 : memref<10240x64xf32, #tpu.memory_space<vmem_shared>>) offsets(%arg23 : memref<80xi32, #tpu.memory_space<vmem>>) semaphore(%arg53 : memref<!tpu.dma_semaphore, #tpu.memory_space<semaphore_mem>>) {add = true}
      %mul3A_612 = arith.constant 5 : i32
      %mul3A_613 = arith.muli %add3A_565, %mul3A_612 : i32
      %add3A_614 = arith.constant 2 : i32
      %add3A_615 = arith.addi %mul3A_613, %add3A_614 : i32
      %eq3A_616 = arith.constant 0 : i32
      %eq3A_617 = arith.cmpi eq, %arg0, %eq3A_616 : i32
      %lt3A_618 = arith.constant 125 : i32
      %lt3A_619 = arith.cmpi slt, %add3A_615, %lt3A_618 : i32
      %ge3A_620 = arith.constant 125 : i32
      %ge3A_621 = arith.cmpi sge, %add3A_615, %ge3A_620 : i32
      %select_n3A_622 = arith.select %eq3A_617, %lt3A_619, %ge3A_621 : i1
      %convert_element_type3A_623 = arith.extui %select_n3A_622 : i1 to i32
      %cond3A_624 = arith.constant 0 : i32
      %cond3A_625 = arith.cmpi ne, %convert_element_type3A_623, %cond3A_624 : i32
      scf.if %cond3A_625 {
        %dma_start3A_821 = arith.constant 0 : i32
        %dma_start3A_822 = arith.constant 0 : i32
        %dma_start3A_823 = tpu.memref_slice %arg35[%dma_start3A_821, %dma_start3A_822] : memref<10240x16xf32, #tpu.memory_space<vmem_shared>> -> memref<10240x16xf32, #tpu.memory_space<vmem_shared>>
        tpu.enqueue_indirect_dma source(%arg31 : memref<80x16xf32, #tpu.memory_space<vmem>>) target(%dma_start3A_823 : memref<10240x16xf32, #tpu.memory_space<vmem_shared>>) offsets(%arg23 : memref<80xi32, #tpu.memory_space<vmem>>) semaphore(%arg58 : memref<!tpu.dma_semaphore, #tpu.memory_space<semaphore_mem>>) {add = true}
      } else {
      }
      %dma_wait3A_626 = arith.constant 0 : i32
      %dma_wait3A_627 = arith.constant 0 : i32
      %dma_wait3A_628 = tpu.memref_slice %arg2[%dma_wait3A_626, %dma_wait3A_627] : memref<20000x64xf32, #tpu.memory_space<hbm>> -> memref<20000x64xf32, #tpu.memory_space<hbm>>
      tpu.wait_indirect_dma semaphore(%arg49 : memref<!tpu.dma_semaphore, #tpu.memory_space<semaphore_mem>>) src(%dma_wait3A_628 : memref<20000x64xf32, #tpu.memory_space<hbm>>) dst(%arg29 : memref<80x64xf32, #tpu.memory_space<vmem>>)
      %dma_start3A_629 = arith.constant 0 : i32
      %dma_start3A_630 = arith.constant 0 : i32
      %dma_start3A_631 = tpu.memref_slice %arg34[%dma_start3A_629, %dma_start3A_630] : memref<10240x64xf32, #tpu.memory_space<vmem_shared>> -> memref<10240x64xf32, #tpu.memory_space<vmem_shared>>
      tpu.enqueue_indirect_dma source(%arg29 : memref<80x64xf32, #tpu.memory_space<vmem>>) target(%dma_start3A_631 : memref<10240x64xf32, #tpu.memory_space<vmem_shared>>) offsets(%arg24 : memref<80xi32, #tpu.memory_space<vmem>>) semaphore(%arg54 : memref<!tpu.dma_semaphore, #tpu.memory_space<semaphore_mem>>) {add = true}
      %mul3A_632 = arith.constant 5 : i32
      %mul3A_633 = arith.muli %add3A_565, %mul3A_632 : i32
      %add3A_634 = arith.constant 3 : i32
      %add3A_635 = arith.addi %mul3A_633, %add3A_634 : i32
      %eq3A_636 = arith.constant 0 : i32
      %eq3A_637 = arith.cmpi eq, %arg0, %eq3A_636 : i32
      %lt3A_638 = arith.constant 125 : i32
      %lt3A_639 = arith.cmpi slt, %add3A_635, %lt3A_638 : i32
      %ge3A_640 = arith.constant 125 : i32
      %ge3A_641 = arith.cmpi sge, %add3A_635, %ge3A_640 : i32
      %select_n3A_642 = arith.select %eq3A_637, %lt3A_639, %ge3A_641 : i1
      %convert_element_type3A_643 = arith.extui %select_n3A_642 : i1 to i32
      %cond3A_644 = arith.constant 0 : i32
      %cond3A_645 = arith.cmpi ne, %convert_element_type3A_643, %cond3A_644 : i32
      scf.if %cond3A_645 {
        %dma_start3A_821 = arith.constant 0 : i32
        %dma_start3A_822 = arith.constant 0 : i32
        %dma_start3A_823 = tpu.memref_slice %arg35[%dma_start3A_821, %dma_start3A_822] : memref<10240x16xf32, #tpu.memory_space<vmem_shared>> -> memref<10240x16xf32, #tpu.memory_space<vmem_shared>>
        tpu.enqueue_indirect_dma source(%arg31 : memref<80x16xf32, #tpu.memory_space<vmem>>) target(%dma_start3A_823 : memref<10240x16xf32, #tpu.memory_space<vmem_shared>>) offsets(%arg24 : memref<80xi32, #tpu.memory_space<vmem>>) semaphore(%arg59 : memref<!tpu.dma_semaphore, #tpu.memory_space<semaphore_mem>>) {add = true}
      } else {
      }
      %dma_wait3A_646 = arith.constant 0 : i32
      %dma_wait3A_647 = arith.constant 0 : i32
      %dma_wait3A_648 = tpu.memref_slice %arg2[%dma_wait3A_646, %dma_wait3A_647] : memref<20000x64xf32, #tpu.memory_space<hbm>> -> memref<20000x64xf32, #tpu.memory_space<hbm>>
      tpu.wait_indirect_dma semaphore(%arg50 : memref<!tpu.dma_semaphore, #tpu.memory_space<semaphore_mem>>) src(%dma_wait3A_648 : memref<20000x64xf32, #tpu.memory_space<hbm>>) dst(%arg30 : memref<80x64xf32, #tpu.memory_space<vmem>>)
      %dma_start3A_649 = arith.constant 0 : i32
      %dma_start3A_650 = arith.constant 0 : i32
      %dma_start3A_651 = tpu.memref_slice %arg34[%dma_start3A_649, %dma_start3A_650] : memref<10240x64xf32, #tpu.memory_space<vmem_shared>> -> memref<10240x64xf32, #tpu.memory_space<vmem_shared>>
      tpu.enqueue_indirect_dma source(%arg30 : memref<80x64xf32, #tpu.memory_space<vmem>>) target(%dma_start3A_651 : memref<10240x64xf32, #tpu.memory_space<vmem_shared>>) offsets(%arg25 : memref<80xi32, #tpu.memory_space<vmem>>) semaphore(%arg55 : memref<!tpu.dma_semaphore, #tpu.memory_space<semaphore_mem>>) {add = true}
      %mul3A_652 = arith.constant 5 : i32
      %mul3A_653 = arith.muli %add3A_565, %mul3A_652 : i32
      %add3A_654 = arith.constant 4 : i32
      %add3A_655 = arith.addi %mul3A_653, %add3A_654 : i32
      %eq3A_656 = arith.constant 0 : i32
      %eq3A_657 = arith.cmpi eq, %arg0, %eq3A_656 : i32
      %lt3A_658 = arith.constant 125 : i32
      %lt3A_659 = arith.cmpi slt, %add3A_655, %lt3A_658 : i32
      %ge3A_660 = arith.constant 125 : i32
      %ge3A_661 = arith.cmpi sge, %add3A_655, %ge3A_660 : i32
      %select_n3A_662 = arith.select %eq3A_657, %lt3A_659, %ge3A_661 : i1
      %convert_element_type3A_663 = arith.extui %select_n3A_662 : i1 to i32
      %cond3A_664 = arith.constant 0 : i32
      %cond3A_665 = arith.cmpi ne, %convert_element_type3A_663, %cond3A_664 : i32
      scf.if %cond3A_665 {
        %dma_start3A_821 = arith.constant 0 : i32
        %dma_start3A_822 = arith.constant 0 : i32
        %dma_start3A_823 = tpu.memref_slice %arg35[%dma_start3A_821, %dma_start3A_822] : memref<10240x16xf32, #tpu.memory_space<vmem_shared>> -> memref<10240x16xf32, #tpu.memory_space<vmem_shared>>
        tpu.enqueue_indirect_dma source(%arg31 : memref<80x16xf32, #tpu.memory_space<vmem>>) target(%dma_start3A_823 : memref<10240x16xf32, #tpu.memory_space<vmem_shared>>) offsets(%arg25 : memref<80xi32, #tpu.memory_space<vmem>>) semaphore(%arg60 : memref<!tpu.dma_semaphore, #tpu.memory_space<semaphore_mem>>) {add = true}
      } else {
      }
      %dma_wait3A_666 = arith.constant 0 : i32
      %dma_wait3A_667 = arith.constant 0 : i32
      %dma_wait3A_668 = tpu.memref_slice %arg34[%dma_wait3A_666, %dma_wait3A_667] : memref<10240x64xf32, #tpu.memory_space<vmem_shared>> -> memref<10240x64xf32, #tpu.memory_space<vmem_shared>>
      tpu.wait_indirect_dma semaphore(%arg51 : memref<!tpu.dma_semaphore, #tpu.memory_space<semaphore_mem>>) src(%arg26 : memref<80x64xf32, #tpu.memory_space<vmem>>) dst(%dma_wait3A_668 : memref<10240x64xf32, #tpu.memory_space<vmem_shared>>)
      %mul3A_669 = arith.constant 5 : i32
      %mul3A_670 = arith.muli %add3A_565, %mul3A_669 : i32
      %add3A_671 = arith.constant 0 : i32
      %add3A_672 = arith.addi %mul3A_670, %add3A_671 : i32
      %eq3A_673 = arith.constant 0 : i32
      %eq3A_674 = arith.cmpi eq, %arg0, %eq3A_673 : i32
      %lt3A_675 = arith.constant 125 : i32
      %lt3A_676 = arith.cmpi slt, %add3A_672, %lt3A_675 : i32
      %ge3A_677 = arith.constant 125 : i32
      %ge3A_678 = arith.cmpi sge, %add3A_672, %ge3A_677 : i32
      %select_n3A_679 = arith.select %eq3A_674, %lt3A_676, %ge3A_678 : i1
      %convert_element_type3A_680 = arith.extui %select_n3A_679 : i1 to i32
      %cond3A_681 = arith.constant 0 : i32
      %cond3A_682 = arith.cmpi ne, %convert_element_type3A_680, %cond3A_681 : i32
      scf.if %cond3A_682 {
        %dma_wait3A_821 = arith.constant 0 : i32
        %dma_wait3A_822 = arith.constant 0 : i32
        %dma_wait3A_823 = tpu.memref_slice %arg35[%dma_wait3A_821, %dma_wait3A_822] : memref<10240x16xf32, #tpu.memory_space<vmem_shared>> -> memref<10240x16xf32, #tpu.memory_space<vmem_shared>>
        tpu.wait_indirect_dma semaphore(%arg56 : memref<!tpu.dma_semaphore, #tpu.memory_space<semaphore_mem>>) src(%arg31 : memref<80x16xf32, #tpu.memory_space<vmem>>) dst(%dma_wait3A_823 : memref<10240x16xf32, #tpu.memory_space<vmem_shared>>)
      } else {
      }
      %add3A_683 = arith.constant 1 : i32
      %add3A_684 = arith.addi %add3A_565, %add3A_683 : i32
      %lt3A_685 = arith.constant 50 : i32
      %lt3A_686 = arith.cmpi slt, %add3A_684, %lt3A_685 : i32
      %convert_element_type3A_687 = arith.extui %lt3A_686 : i1 to i32
      %cond3A_688 = arith.constant 0 : i32
      %cond3A_689 = arith.cmpi ne, %convert_element_type3A_687, %cond3A_688 : i32
      scf.if %cond3A_689 {
        %add3A_821 = arith.constant 1 : i32
        %add3A_822 = arith.addi %add3A_565, %add3A_821 : i32
        %mul3A_823 = arith.constant 20000 : i32
        %mul3A_824 = arith.muli %arg1, %mul3A_823 : i32
        %mul3A_825 = arith.constant 5 : i32
        %mul3A_826 = arith.muli %add3A_822, %mul3A_825 : i32
        %add3A_827 = arith.constant 0 : i32
        %add3A_828 = arith.addi %mul3A_826, %add3A_827 : i32
        %mul3A_829 = arith.constant 80 : i32
        %mul3A_830 = arith.muli %add3A_828, %mul3A_829 : i32
        %add3A_831 = arith.addi %mul3A_824, %mul3A_830 : i32
        %dma_wait3A_832 = tpu.memref_slice %arg3[%arg0, %add3A_831] : memref<3x320000xi32, #tpu.memory_space<hbm>> -> memref<1x80xi32, #tpu.memory_space<hbm>>
        %dma_wait3A_833 = tpu.memref_squeeze %dma_wait3A_832 : memref<1x80xi32, #tpu.memory_space<hbm>> -> memref<80xi32, #tpu.memory_space<hbm>>
        %dma_wait3A_834 = tpu.memref_slice %arg3[%arg0, %add3A_831] : memref<3x320000xi32, #tpu.memory_space<hbm>> -> memref<1x80xi32, #tpu.memory_space<hbm>>
        %dma_wait3A_835 = tpu.memref_squeeze %dma_wait3A_834 : memref<1x80xi32, #tpu.memory_space<hbm>> -> memref<80xi32, #tpu.memory_space<hbm>>
        tpu.wait_dma2 semaphore(%arg36 : memref<!tpu.dma_semaphore, #tpu.memory_space<semaphore_mem>>) src(%dma_wait3A_835 : memref<80xi32, #tpu.memory_space<hbm>>) dst(%arg6 : memref<80xi32, #tpu.memory_space<vmem>>)
        %mul3A_836 = arith.constant 20000 : i32
        %mul3A_837 = arith.muli %arg1, %mul3A_836 : i32
        %mul3A_838 = arith.constant 5 : i32
        %mul3A_839 = arith.muli %add3A_822, %mul3A_838 : i32
        %add3A_840 = arith.constant 0 : i32
        %add3A_841 = arith.addi %mul3A_839, %add3A_840 : i32
        %mul3A_842 = arith.constant 80 : i32
        %mul3A_843 = arith.muli %add3A_841, %mul3A_842 : i32
        %add3A_844 = arith.addi %mul3A_837, %mul3A_843 : i32
        %dma_wait3A_845 = arith.constant 2 : i32
        %dma_wait3A_846 = tpu.memref_slice %arg3[%dma_wait3A_845, %add3A_844] : memref<3x320000xi32, #tpu.memory_space<hbm>> -> memref<1x80xi32, #tpu.memory_space<hbm>>
        %dma_wait3A_847 = tpu.memref_squeeze %dma_wait3A_846 : memref<1x80xi32, #tpu.memory_space<hbm>> -> memref<80xi32, #tpu.memory_space<hbm>>
        %dma_wait3A_848 = tpu.memref_slice %arg3[%dma_wait3A_845, %add3A_844] : memref<3x320000xi32, #tpu.memory_space<hbm>> -> memref<1x80xi32, #tpu.memory_space<hbm>>
        %dma_wait3A_849 = tpu.memref_squeeze %dma_wait3A_848 : memref<1x80xi32, #tpu.memory_space<hbm>> -> memref<80xi32, #tpu.memory_space<hbm>>
        tpu.wait_dma2 semaphore(%arg36 : memref<!tpu.dma_semaphore, #tpu.memory_space<semaphore_mem>>) src(%dma_wait3A_849 : memref<80xi32, #tpu.memory_space<hbm>>) dst(%arg11 : memref<80xi32, #tpu.memory_space<vmem>>)
        %dma_start3A_850 = arith.constant 0 : i32
        %dma_start3A_851 = arith.constant 0 : i32
        %dma_start3A_852 = tpu.memref_slice %arg2[%dma_start3A_850, %dma_start3A_851] : memref<20000x64xf32, #tpu.memory_space<hbm>> -> memref<20000x64xf32, #tpu.memory_space<hbm>>
        tpu.enqueue_indirect_dma source(%dma_start3A_852 : memref<20000x64xf32, #tpu.memory_space<hbm>>) target(%arg26 : memref<80x64xf32, #tpu.memory_space<vmem>>) offsets(%arg6 : memref<80xi32, #tpu.memory_space<vmem>>) semaphore(%arg46 : memref<!tpu.dma_semaphore, #tpu.memory_space<semaphore_mem>>)
      } else {
      }
      %add3A_690 = arith.constant 2 : i32
      %add3A_691 = arith.addi %add3A_565, %add3A_690 : i32
      %lt3A_692 = arith.constant 50 : i32
      %lt3A_693 = arith.cmpi slt, %add3A_691, %lt3A_692 : i32
      %convert_element_type3A_694 = arith.extui %lt3A_693 : i1 to i32
      %cond3A_695 = arith.constant 0 : i32
      %cond3A_696 = arith.cmpi ne, %convert_element_type3A_694, %cond3A_695 : i32
      scf.if %cond3A_696 {
        %add3A_821 = arith.constant 2 : i32
        %add3A_822 = arith.addi %add3A_565, %add3A_821 : i32
        %mul3A_823 = arith.constant 20000 : i32
        %mul3A_824 = arith.muli %arg1, %mul3A_823 : i32
        %mul3A_825 = arith.constant 5 : i32
        %mul3A_826 = arith.muli %add3A_822, %mul3A_825 : i32
        %add3A_827 = arith.constant 0 : i32
        %add3A_828 = arith.addi %mul3A_826, %add3A_827 : i32
        %mul3A_829 = arith.constant 80 : i32
        %mul3A_830 = arith.muli %add3A_828, %mul3A_829 : i32
        %add3A_831 = arith.addi %mul3A_824, %mul3A_830 : i32
        %dma_start3A_832 = tpu.memref_slice %arg3[%arg0, %add3A_831] : memref<3x320000xi32, #tpu.memory_space<hbm>> -> memref<1x80xi32, #tpu.memory_space<hbm>>
        %dma_start3A_833 = tpu.memref_squeeze %dma_start3A_832 : memref<1x80xi32, #tpu.memory_space<hbm>> -> memref<80xi32, #tpu.memory_space<hbm>>
        %dma_start3A_834 = tpu.memref_slice %arg3[%arg0, %add3A_831] : memref<3x320000xi32, #tpu.memory_space<hbm>> -> memref<1x80xi32, #tpu.memory_space<hbm>>
        %dma_start3A_835 = tpu.memref_squeeze %dma_start3A_834 : memref<1x80xi32, #tpu.memory_space<hbm>> -> memref<80xi32, #tpu.memory_space<hbm>>
        tpu.enqueue_dma source(%dma_start3A_835 : memref<80xi32, #tpu.memory_space<hbm>>) target(%arg16 : memref<80xi32, #tpu.memory_space<vmem>>) target_semaphore(%arg41 : memref<!tpu.dma_semaphore, #tpu.memory_space<semaphore_mem>>)
        %mul3A_836 = arith.constant 20000 : i32
        %mul3A_837 = arith.muli %arg1, %mul3A_836 : i32
        %mul3A_838 = arith.constant 5 : i32
        %mul3A_839 = arith.muli %add3A_822, %mul3A_838 : i32
        %add3A_840 = arith.constant 0 : i32
        %add3A_841 = arith.addi %mul3A_839, %add3A_840 : i32
        %mul3A_842 = arith.constant 80 : i32
        %mul3A_843 = arith.muli %add3A_841, %mul3A_842 : i32
        %add3A_844 = arith.addi %mul3A_837, %mul3A_843 : i32
        %dma_start3A_845 = arith.constant 2 : i32
        %dma_start3A_846 = tpu.memref_slice %arg3[%dma_start3A_845, %add3A_844] : memref<3x320000xi32, #tpu.memory_space<hbm>> -> memref<1x80xi32, #tpu.memory_space<hbm>>
        %dma_start3A_847 = tpu.memref_squeeze %dma_start3A_846 : memref<1x80xi32, #tpu.memory_space<hbm>> -> memref<80xi32, #tpu.memory_space<hbm>>
        %dma_start3A_848 = tpu.memref_slice %arg3[%dma_start3A_845, %add3A_844] : memref<3x320000xi32, #tpu.memory_space<hbm>> -> memref<1x80xi32, #tpu.memory_space<hbm>>
        %dma_start3A_849 = tpu.memref_squeeze %dma_start3A_848 : memref<1x80xi32, #tpu.memory_space<hbm>> -> memref<80xi32, #tpu.memory_space<hbm>>
        tpu.enqueue_dma source(%dma_start3A_849 : memref<80xi32, #tpu.memory_space<hbm>>) target(%arg21 : memref<80xi32, #tpu.memory_space<vmem>>) target_semaphore(%arg41 : memref<!tpu.dma_semaphore, #tpu.memory_space<semaphore_mem>>)
      } else {
      }
      %dma_wait3A_697 = arith.constant 0 : i32
      %dma_wait3A_698 = arith.constant 0 : i32
      %dma_wait3A_699 = tpu.memref_slice %arg34[%dma_wait3A_697, %dma_wait3A_698] : memref<10240x64xf32, #tpu.memory_space<vmem_shared>> -> memref<10240x64xf32, #tpu.memory_space<vmem_shared>>
      tpu.wait_indirect_dma semaphore(%arg52 : memref<!tpu.dma_semaphore, #tpu.memory_space<semaphore_mem>>) src(%arg27 : memref<80x64xf32, #tpu.memory_space<vmem>>) dst(%dma_wait3A_699 : memref<10240x64xf32, #tpu.memory_space<vmem_shared>>)
      %mul3A_700 = arith.constant 5 : i32
      %mul3A_701 = arith.muli %add3A_565, %mul3A_700 : i32
      %add3A_702 = arith.constant 1 : i32
      %add3A_703 = arith.addi %mul3A_701, %add3A_702 : i32
      %eq3A_704 = arith.constant 0 : i32
      %eq3A_705 = arith.cmpi eq, %arg0, %eq3A_704 : i32
      %lt3A_706 = arith.constant 125 : i32
      %lt3A_707 = arith.cmpi slt, %add3A_703, %lt3A_706 : i32
      %ge3A_708 = arith.constant 125 : i32
      %ge3A_709 = arith.cmpi sge, %add3A_703, %ge3A_708 : i32
      %select_n3A_710 = arith.select %eq3A_705, %lt3A_707, %ge3A_709 : i1
      %convert_element_type3A_711 = arith.extui %select_n3A_710 : i1 to i32
      %cond3A_712 = arith.constant 0 : i32
      %cond3A_713 = arith.cmpi ne, %convert_element_type3A_711, %cond3A_712 : i32
      scf.if %cond3A_713 {
        %dma_wait3A_821 = arith.constant 0 : i32
        %dma_wait3A_822 = arith.constant 0 : i32
        %dma_wait3A_823 = tpu.memref_slice %arg35[%dma_wait3A_821, %dma_wait3A_822] : memref<10240x16xf32, #tpu.memory_space<vmem_shared>> -> memref<10240x16xf32, #tpu.memory_space<vmem_shared>>
        tpu.wait_indirect_dma semaphore(%arg57 : memref<!tpu.dma_semaphore, #tpu.memory_space<semaphore_mem>>) src(%arg31 : memref<80x16xf32, #tpu.memory_space<vmem>>) dst(%dma_wait3A_823 : memref<10240x16xf32, #tpu.memory_space<vmem_shared>>)
      } else {
      }
      %add3A_714 = arith.constant 1 : i32
      %add3A_715 = arith.addi %add3A_565, %add3A_714 : i32
      %lt3A_716 = arith.constant 50 : i32
      %lt3A_717 = arith.cmpi slt, %add3A_715, %lt3A_716 : i32
      %convert_element_type3A_718 = arith.extui %lt3A_717 : i1 to i32
      %cond3A_719 = arith.constant 0 : i32
      %cond3A_720 = arith.cmpi ne, %convert_element_type3A_718, %cond3A_719 : i32
      scf.if %cond3A_720 {
        %add3A_821 = arith.constant 1 : i32
        %add3A_822 = arith.addi %add3A_565, %add3A_821 : i32
        %mul3A_823 = arith.constant 20000 : i32
        %mul3A_824 = arith.muli %arg1, %mul3A_823 : i32
        %mul3A_825 = arith.constant 5 : i32
        %mul3A_826 = arith.muli %add3A_822, %mul3A_825 : i32
        %add3A_827 = arith.constant 1 : i32
        %add3A_828 = arith.addi %mul3A_826, %add3A_827 : i32
        %mul3A_829 = arith.constant 80 : i32
        %mul3A_830 = arith.muli %add3A_828, %mul3A_829 : i32
        %add3A_831 = arith.addi %mul3A_824, %mul3A_830 : i32
        %dma_wait3A_832 = tpu.memref_slice %arg3[%arg0, %add3A_831] : memref<3x320000xi32, #tpu.memory_space<hbm>> -> memref<1x80xi32, #tpu.memory_space<hbm>>
        %dma_wait3A_833 = tpu.memref_squeeze %dma_wait3A_832 : memref<1x80xi32, #tpu.memory_space<hbm>> -> memref<80xi32, #tpu.memory_space<hbm>>
        %dma_wait3A_834 = tpu.memref_slice %arg3[%arg0, %add3A_831] : memref<3x320000xi32, #tpu.memory_space<hbm>> -> memref<1x80xi32, #tpu.memory_space<hbm>>
        %dma_wait3A_835 = tpu.memref_squeeze %dma_wait3A_834 : memref<1x80xi32, #tpu.memory_space<hbm>> -> memref<80xi32, #tpu.memory_space<hbm>>
        tpu.wait_dma2 semaphore(%arg37 : memref<!tpu.dma_semaphore, #tpu.memory_space<semaphore_mem>>) src(%dma_wait3A_835 : memref<80xi32, #tpu.memory_space<hbm>>) dst(%arg7 : memref<80xi32, #tpu.memory_space<vmem>>)
        %mul3A_836 = arith.constant 20000 : i32
        %mul3A_837 = arith.muli %arg1, %mul3A_836 : i32
        %mul3A_838 = arith.constant 5 : i32
        %mul3A_839 = arith.muli %add3A_822, %mul3A_838 : i32
        %add3A_840 = arith.constant 1 : i32
        %add3A_841 = arith.addi %mul3A_839, %add3A_840 : i32
        %mul3A_842 = arith.constant 80 : i32
        %mul3A_843 = arith.muli %add3A_841, %mul3A_842 : i32
        %add3A_844 = arith.addi %mul3A_837, %mul3A_843 : i32
        %dma_wait3A_845 = arith.constant 2 : i32
        %dma_wait3A_846 = tpu.memref_slice %arg3[%dma_wait3A_845, %add3A_844] : memref<3x320000xi32, #tpu.memory_space<hbm>> -> memref<1x80xi32, #tpu.memory_space<hbm>>
        %dma_wait3A_847 = tpu.memref_squeeze %dma_wait3A_846 : memref<1x80xi32, #tpu.memory_space<hbm>> -> memref<80xi32, #tpu.memory_space<hbm>>
        %dma_wait3A_848 = tpu.memref_slice %arg3[%dma_wait3A_845, %add3A_844] : memref<3x320000xi32, #tpu.memory_space<hbm>> -> memref<1x80xi32, #tpu.memory_space<hbm>>
        %dma_wait3A_849 = tpu.memref_squeeze %dma_wait3A_848 : memref<1x80xi32, #tpu.memory_space<hbm>> -> memref<80xi32, #tpu.memory_space<hbm>>
        tpu.wait_dma2 semaphore(%arg37 : memref<!tpu.dma_semaphore, #tpu.memory_space<semaphore_mem>>) src(%dma_wait3A_849 : memref<80xi32, #tpu.memory_space<hbm>>) dst(%arg12 : memref<80xi32, #tpu.memory_space<vmem>>)
        %dma_start3A_850 = arith.constant 0 : i32
        %dma_start3A_851 = arith.constant 0 : i32
        %dma_start3A_852 = tpu.memref_slice %arg2[%dma_start3A_850, %dma_start3A_851] : memref<20000x64xf32, #tpu.memory_space<hbm>> -> memref<20000x64xf32, #tpu.memory_space<hbm>>
        tpu.enqueue_indirect_dma source(%dma_start3A_852 : memref<20000x64xf32, #tpu.memory_space<hbm>>) target(%arg27 : memref<80x64xf32, #tpu.memory_space<vmem>>) offsets(%arg7 : memref<80xi32, #tpu.memory_space<vmem>>) semaphore(%arg47 : memref<!tpu.dma_semaphore, #tpu.memory_space<semaphore_mem>>)
      } else {
      }
      %add3A_721 = arith.constant 2 : i32
      %add3A_722 = arith.addi %add3A_565, %add3A_721 : i32
      %lt3A_723 = arith.constant 50 : i32
      %lt3A_724 = arith.cmpi slt, %add3A_722, %lt3A_723 : i32
      %convert_element_type3A_725 = arith.extui %lt3A_724 : i1 to i32
      %cond3A_726 = arith.constant 0 : i32
      %cond3A_727 = arith.cmpi ne, %convert_element_type3A_725, %cond3A_726 : i32
      scf.if %cond3A_727 {
        %add3A_821 = arith.constant 2 : i32
        %add3A_822 = arith.addi %add3A_565, %add3A_821 : i32
        %mul3A_823 = arith.constant 20000 : i32
        %mul3A_824 = arith.muli %arg1, %mul3A_823 : i32
        %mul3A_825 = arith.constant 5 : i32
        %mul3A_826 = arith.muli %add3A_822, %mul3A_825 : i32
        %add3A_827 = arith.constant 1 : i32
        %add3A_828 = arith.addi %mul3A_826, %add3A_827 : i32
        %mul3A_829 = arith.constant 80 : i32
        %mul3A_830 = arith.muli %add3A_828, %mul3A_829 : i32
        %add3A_831 = arith.addi %mul3A_824, %mul3A_830 : i32
        %dma_start3A_832 = tpu.memref_slice %arg3[%arg0, %add3A_831] : memref<3x320000xi32, #tpu.memory_space<hbm>> -> memref<1x80xi32, #tpu.memory_space<hbm>>
        %dma_start3A_833 = tpu.memref_squeeze %dma_start3A_832 : memref<1x80xi32, #tpu.memory_space<hbm>> -> memref<80xi32, #tpu.memory_space<hbm>>
        %dma_start3A_834 = tpu.memref_slice %arg3[%arg0, %add3A_831] : memref<3x320000xi32, #tpu.memory_space<hbm>> -> memref<1x80xi32, #tpu.memory_space<hbm>>
        %dma_start3A_835 = tpu.memref_squeeze %dma_start3A_834 : memref<1x80xi32, #tpu.memory_space<hbm>> -> memref<80xi32, #tpu.memory_space<hbm>>
        tpu.enqueue_dma source(%dma_start3A_835 : memref<80xi32, #tpu.memory_space<hbm>>) target(%arg17 : memref<80xi32, #tpu.memory_space<vmem>>) target_semaphore(%arg42 : memref<!tpu.dma_semaphore, #tpu.memory_space<semaphore_mem>>)
        %mul3A_836 = arith.constant 20000 : i32
        %mul3A_837 = arith.muli %arg1, %mul3A_836 : i32
        %mul3A_838 = arith.constant 5 : i32
        %mul3A_839 = arith.muli %add3A_822, %mul3A_838 : i32
        %add3A_840 = arith.constant 1 : i32
        %add3A_841 = arith.addi %mul3A_839, %add3A_840 : i32
        %mul3A_842 = arith.constant 80 : i32
        %mul3A_843 = arith.muli %add3A_841, %mul3A_842 : i32
        %add3A_844 = arith.addi %mul3A_837, %mul3A_843 : i32
        %dma_start3A_845 = arith.constant 2 : i32
        %dma_start3A_846 = tpu.memref_slice %arg3[%dma_start3A_845, %add3A_844] : memref<3x320000xi32, #tpu.memory_space<hbm>> -> memref<1x80xi32, #tpu.memory_space<hbm>>
        %dma_start3A_847 = tpu.memref_squeeze %dma_start3A_846 : memref<1x80xi32, #tpu.memory_space<hbm>> -> memref<80xi32, #tpu.memory_space<hbm>>
        %dma_start3A_848 = tpu.memref_slice %arg3[%dma_start3A_845, %add3A_844] : memref<3x320000xi32, #tpu.memory_space<hbm>> -> memref<1x80xi32, #tpu.memory_space<hbm>>
        %dma_start3A_849 = tpu.memref_squeeze %dma_start3A_848 : memref<1x80xi32, #tpu.memory_space<hbm>> -> memref<80xi32, #tpu.memory_space<hbm>>
        tpu.enqueue_dma source(%dma_start3A_849 : memref<80xi32, #tpu.memory_space<hbm>>) target(%arg22 : memref<80xi32, #tpu.memory_space<vmem>>) target_semaphore(%arg42 : memref<!tpu.dma_semaphore, #tpu.memory_space<semaphore_mem>>)
      } else {
      }
      %dma_wait3A_728 = arith.constant 0 : i32
      %dma_wait3A_729 = arith.constant 0 : i32
      %dma_wait3A_730 = tpu.memref_slice %arg34[%dma_wait3A_728, %dma_wait3A_729] : memref<10240x64xf32, #tpu.memory_space<vmem_shared>> -> memref<10240x64xf32, #tpu.memory_space<vmem_shared>>
      tpu.wait_indirect_dma semaphore(%arg53 : memref<!tpu.dma_semaphore, #tpu.memory_space<semaphore_mem>>) src(%arg28 : memref<80x64xf32, #tpu.memory_space<vmem>>) dst(%dma_wait3A_730 : memref<10240x64xf32, #tpu.memory_space<vmem_shared>>)
      %mul3A_731 = arith.constant 5 : i32
      %mul3A_732 = arith.muli %add3A_565, %mul3A_731 : i32
      %add3A_733 = arith.constant 2 : i32
      %add3A_734 = arith.addi %mul3A_732, %add3A_733 : i32
      %eq3A_735 = arith.constant 0 : i32
      %eq3A_736 = arith.cmpi eq, %arg0, %eq3A_735 : i32
      %lt3A_737 = arith.constant 125 : i32
      %lt3A_738 = arith.cmpi slt, %add3A_734, %lt3A_737 : i32
      %ge3A_739 = arith.constant 125 : i32
      %ge3A_740 = arith.cmpi sge, %add3A_734, %ge3A_739 : i32
      %select_n3A_741 = arith.select %eq3A_736, %lt3A_738, %ge3A_740 : i1
      %convert_element_type3A_742 = arith.extui %select_n3A_741 : i1 to i32
      %cond3A_743 = arith.constant 0 : i32
      %cond3A_744 = arith.cmpi ne, %convert_element_type3A_742, %cond3A_743 : i32
      scf.if %cond3A_744 {
        %dma_wait3A_821 = arith.constant 0 : i32
        %dma_wait3A_822 = arith.constant 0 : i32
        %dma_wait3A_823 = tpu.memref_slice %arg35[%dma_wait3A_821, %dma_wait3A_822] : memref<10240x16xf32, #tpu.memory_space<vmem_shared>> -> memref<10240x16xf32, #tpu.memory_space<vmem_shared>>
        tpu.wait_indirect_dma semaphore(%arg58 : memref<!tpu.dma_semaphore, #tpu.memory_space<semaphore_mem>>) src(%arg31 : memref<80x16xf32, #tpu.memory_space<vmem>>) dst(%dma_wait3A_823 : memref<10240x16xf32, #tpu.memory_space<vmem_shared>>)
      } else {
      }
      %add3A_745 = arith.constant 1 : i32
      %add3A_746 = arith.addi %add3A_565, %add3A_745 : i32
      %lt3A_747 = arith.constant 50 : i32
      %lt3A_748 = arith.cmpi slt, %add3A_746, %lt3A_747 : i32
      %convert_element_type3A_749 = arith.extui %lt3A_748 : i1 to i32
      %cond3A_750 = arith.constant 0 : i32
      %cond3A_751 = arith.cmpi ne, %convert_element_type3A_749, %cond3A_750 : i32
      scf.if %cond3A_751 {
        %add3A_821 = arith.constant 1 : i32
        %add3A_822 = arith.addi %add3A_565, %add3A_821 : i32
        %mul3A_823 = arith.constant 20000 : i32
        %mul3A_824 = arith.muli %arg1, %mul3A_823 : i32
        %mul3A_825 = arith.constant 5 : i32
        %mul3A_826 = arith.muli %add3A_822, %mul3A_825 : i32
        %add3A_827 = arith.constant 2 : i32
        %add3A_828 = arith.addi %mul3A_826, %add3A_827 : i32
        %mul3A_829 = arith.constant 80 : i32
        %mul3A_830 = arith.muli %add3A_828, %mul3A_829 : i32
        %add3A_831 = arith.addi %mul3A_824, %mul3A_830 : i32
        %dma_wait3A_832 = tpu.memref_slice %arg3[%arg0, %add3A_831] : memref<3x320000xi32, #tpu.memory_space<hbm>> -> memref<1x80xi32, #tpu.memory_space<hbm>>
        %dma_wait3A_833 = tpu.memref_squeeze %dma_wait3A_832 : memref<1x80xi32, #tpu.memory_space<hbm>> -> memref<80xi32, #tpu.memory_space<hbm>>
        %dma_wait3A_834 = tpu.memref_slice %arg3[%arg0, %add3A_831] : memref<3x320000xi32, #tpu.memory_space<hbm>> -> memref<1x80xi32, #tpu.memory_space<hbm>>
        %dma_wait3A_835 = tpu.memref_squeeze %dma_wait3A_834 : memref<1x80xi32, #tpu.memory_space<hbm>> -> memref<80xi32, #tpu.memory_space<hbm>>
        tpu.wait_dma2 semaphore(%arg38 : memref<!tpu.dma_semaphore, #tpu.memory_space<semaphore_mem>>) src(%dma_wait3A_835 : memref<80xi32, #tpu.memory_space<hbm>>) dst(%arg8 : memref<80xi32, #tpu.memory_space<vmem>>)
        %mul3A_836 = arith.constant 20000 : i32
        %mul3A_837 = arith.muli %arg1, %mul3A_836 : i32
        %mul3A_838 = arith.constant 5 : i32
        %mul3A_839 = arith.muli %add3A_822, %mul3A_838 : i32
        %add3A_840 = arith.constant 2 : i32
        %add3A_841 = arith.addi %mul3A_839, %add3A_840 : i32
        %mul3A_842 = arith.constant 80 : i32
        %mul3A_843 = arith.muli %add3A_841, %mul3A_842 : i32
        %add3A_844 = arith.addi %mul3A_837, %mul3A_843 : i32
        %dma_wait3A_845 = arith.constant 2 : i32
        %dma_wait3A_846 = tpu.memref_slice %arg3[%dma_wait3A_845, %add3A_844] : memref<3x320000xi32, #tpu.memory_space<hbm>> -> memref<1x80xi32, #tpu.memory_space<hbm>>
        %dma_wait3A_847 = tpu.memref_squeeze %dma_wait3A_846 : memref<1x80xi32, #tpu.memory_space<hbm>> -> memref<80xi32, #tpu.memory_space<hbm>>
        %dma_wait3A_848 = tpu.memref_slice %arg3[%dma_wait3A_845, %add3A_844] : memref<3x320000xi32, #tpu.memory_space<hbm>> -> memref<1x80xi32, #tpu.memory_space<hbm>>
        %dma_wait3A_849 = tpu.memref_squeeze %dma_wait3A_848 : memref<1x80xi32, #tpu.memory_space<hbm>> -> memref<80xi32, #tpu.memory_space<hbm>>
        tpu.wait_dma2 semaphore(%arg38 : memref<!tpu.dma_semaphore, #tpu.memory_space<semaphore_mem>>) src(%dma_wait3A_849 : memref<80xi32, #tpu.memory_space<hbm>>) dst(%arg13 : memref<80xi32, #tpu.memory_space<vmem>>)
        %dma_start3A_850 = arith.constant 0 : i32
        %dma_start3A_851 = arith.constant 0 : i32
        %dma_start3A_852 = tpu.memref_slice %arg2[%dma_start3A_850, %dma_start3A_851] : memref<20000x64xf32, #tpu.memory_space<hbm>> -> memref<20000x64xf32, #tpu.memory_space<hbm>>
        tpu.enqueue_indirect_dma source(%dma_start3A_852 : memref<20000x64xf32, #tpu.memory_space<hbm>>) target(%arg28 : memref<80x64xf32, #tpu.memory_space<vmem>>) offsets(%arg8 : memref<80xi32, #tpu.memory_space<vmem>>) semaphore(%arg48 : memref<!tpu.dma_semaphore, #tpu.memory_space<semaphore_mem>>)
      } else {
      }
      %add3A_752 = arith.constant 2 : i32
      %add3A_753 = arith.addi %add3A_565, %add3A_752 : i32
      %lt3A_754 = arith.constant 50 : i32
      %lt3A_755 = arith.cmpi slt, %add3A_753, %lt3A_754 : i32
      %convert_element_type3A_756 = arith.extui %lt3A_755 : i1 to i32
      %cond3A_757 = arith.constant 0 : i32
      %cond3A_758 = arith.cmpi ne, %convert_element_type3A_756, %cond3A_757 : i32
      scf.if %cond3A_758 {
        %add3A_821 = arith.constant 2 : i32
        %add3A_822 = arith.addi %add3A_565, %add3A_821 : i32
        %mul3A_823 = arith.constant 20000 : i32
        %mul3A_824 = arith.muli %arg1, %mul3A_823 : i32
        %mul3A_825 = arith.constant 5 : i32
        %mul3A_826 = arith.muli %add3A_822, %mul3A_825 : i32
        %add3A_827 = arith.constant 2 : i32
        %add3A_828 = arith.addi %mul3A_826, %add3A_827 : i32
        %mul3A_829 = arith.constant 80 : i32
        %mul3A_830 = arith.muli %add3A_828, %mul3A_829 : i32
        %add3A_831 = arith.addi %mul3A_824, %mul3A_830 : i32
        %dma_start3A_832 = tpu.memref_slice %arg3[%arg0, %add3A_831] : memref<3x320000xi32, #tpu.memory_space<hbm>> -> memref<1x80xi32, #tpu.memory_space<hbm>>
        %dma_start3A_833 = tpu.memref_squeeze %dma_start3A_832 : memref<1x80xi32, #tpu.memory_space<hbm>> -> memref<80xi32, #tpu.memory_space<hbm>>
        %dma_start3A_834 = tpu.memref_slice %arg3[%arg0, %add3A_831] : memref<3x320000xi32, #tpu.memory_space<hbm>> -> memref<1x80xi32, #tpu.memory_space<hbm>>
        %dma_start3A_835 = tpu.memref_squeeze %dma_start3A_834 : memref<1x80xi32, #tpu.memory_space<hbm>> -> memref<80xi32, #tpu.memory_space<hbm>>
        tpu.enqueue_dma source(%dma_start3A_835 : memref<80xi32, #tpu.memory_space<hbm>>) target(%arg18 : memref<80xi32, #tpu.memory_space<vmem>>) target_semaphore(%arg43 : memref<!tpu.dma_semaphore, #tpu.memory_space<semaphore_mem>>)
        %mul3A_836 = arith.constant 20000 : i32
        %mul3A_837 = arith.muli %arg1, %mul3A_836 : i32
        %mul3A_838 = arith.constant 5 : i32
        %mul3A_839 = arith.muli %add3A_822, %mul3A_838 : i32
        %add3A_840 = arith.constant 2 : i32
        %add3A_841 = arith.addi %mul3A_839, %add3A_840 : i32
        %mul3A_842 = arith.constant 80 : i32
        %mul3A_843 = arith.muli %add3A_841, %mul3A_842 : i32
        %add3A_844 = arith.addi %mul3A_837, %mul3A_843 : i32
        %dma_start3A_845 = arith.constant 2 : i32
        %dma_start3A_846 = tpu.memref_slice %arg3[%dma_start3A_845, %add3A_844] : memref<3x320000xi32, #tpu.memory_space<hbm>> -> memref<1x80xi32, #tpu.memory_space<hbm>>
        %dma_start3A_847 = tpu.memref_squeeze %dma_start3A_846 : memref<1x80xi32, #tpu.memory_space<hbm>> -> memref<80xi32, #tpu.memory_space<hbm>>
        %dma_start3A_848 = tpu.memref_slice %arg3[%dma_start3A_845, %add3A_844] : memref<3x320000xi32, #tpu.memory_space<hbm>> -> memref<1x80xi32, #tpu.memory_space<hbm>>
        %dma_start3A_849 = tpu.memref_squeeze %dma_start3A_848 : memref<1x80xi32, #tpu.memory_space<hbm>> -> memref<80xi32, #tpu.memory_space<hbm>>
        tpu.enqueue_dma source(%dma_start3A_849 : memref<80xi32, #tpu.memory_space<hbm>>) target(%arg23 : memref<80xi32, #tpu.memory_space<vmem>>) target_semaphore(%arg43 : memref<!tpu.dma_semaphore, #tpu.memory_space<semaphore_mem>>)
      } else {
      }
      %dma_wait3A_759 = arith.constant 0 : i32
      %dma_wait3A_760 = arith.constant 0 : i32
      %dma_wait3A_761 = tpu.memref_slice %arg34[%dma_wait3A_759, %dma_wait3A_760] : memref<10240x64xf32, #tpu.memory_space<vmem_shared>> -> memref<10240x64xf32, #tpu.memory_space<vmem_shared>>
      tpu.wait_indirect_dma semaphore(%arg54 : memref<!tpu.dma_semaphore, #tpu.memory_space<semaphore_mem>>) src(%arg29 : memref<80x64xf32, #tpu.memory_space<vmem>>) dst(%dma_wait3A_761 : memref<10240x64xf32, #tpu.memory_space<vmem_shared>>)
      %mul3A_762 = arith.constant 5 : i32
      %mul3A_763 = arith.muli %add3A_565, %mul3A_762 : i32
      %add3A_764 = arith.constant 3 : i32
      %add3A_765 = arith.addi %mul3A_763, %add3A_764 : i32
      %eq3A_766 = arith.constant 0 : i32
      %eq3A_767 = arith.cmpi eq, %arg0, %eq3A_766 : i32
      %lt3A_768 = arith.constant 125 : i32
      %lt3A_769 = arith.cmpi slt, %add3A_765, %lt3A_768 : i32
      %ge3A_770 = arith.constant 125 : i32
      %ge3A_771 = arith.cmpi sge, %add3A_765, %ge3A_770 : i32
      %select_n3A_772 = arith.select %eq3A_767, %lt3A_769, %ge3A_771 : i1
      %convert_element_type3A_773 = arith.extui %select_n3A_772 : i1 to i32
      %cond3A_774 = arith.constant 0 : i32
      %cond3A_775 = arith.cmpi ne, %convert_element_type3A_773, %cond3A_774 : i32
      scf.if %cond3A_775 {
        %dma_wait3A_821 = arith.constant 0 : i32
        %dma_wait3A_822 = arith.constant 0 : i32
        %dma_wait3A_823 = tpu.memref_slice %arg35[%dma_wait3A_821, %dma_wait3A_822] : memref<10240x16xf32, #tpu.memory_space<vmem_shared>> -> memref<10240x16xf32, #tpu.memory_space<vmem_shared>>
        tpu.wait_indirect_dma semaphore(%arg59 : memref<!tpu.dma_semaphore, #tpu.memory_space<semaphore_mem>>) src(%arg31 : memref<80x16xf32, #tpu.memory_space<vmem>>) dst(%dma_wait3A_823 : memref<10240x16xf32, #tpu.memory_space<vmem_shared>>)
      } else {
      }
      %add3A_776 = arith.constant 1 : i32
      %add3A_777 = arith.addi %add3A_565, %add3A_776 : i32
      %lt3A_778 = arith.constant 50 : i32
      %lt3A_779 = arith.cmpi slt, %add3A_777, %lt3A_778 : i32
      %convert_element_type3A_780 = arith.extui %lt3A_779 : i1 to i32
      %cond3A_781 = arith.constant 0 : i32
      %cond3A_782 = arith.cmpi ne, %convert_element_type3A_780, %cond3A_781 : i32
      scf.if %cond3A_782 {
        %add3A_821 = arith.constant 1 : i32
        %add3A_822 = arith.addi %add3A_565, %add3A_821 : i32
        %mul3A_823 = arith.constant 20000 : i32
        %mul3A_824 = arith.muli %arg1, %mul3A_823 : i32
        %mul3A_825 = arith.constant 5 : i32
        %mul3A_826 = arith.muli %add3A_822, %mul3A_825 : i32
        %add3A_827 = arith.constant 3 : i32
        %add3A_828 = arith.addi %mul3A_826, %add3A_827 : i32
        %mul3A_829 = arith.constant 80 : i32
        %mul3A_830 = arith.muli %add3A_828, %mul3A_829 : i32
        %add3A_831 = arith.addi %mul3A_824, %mul3A_830 : i32
        %dma_wait3A_832 = tpu.memref_slice %arg3[%arg0, %add3A_831] : memref<3x320000xi32, #tpu.memory_space<hbm>> -> memref<1x80xi32, #tpu.memory_space<hbm>>
        %dma_wait3A_833 = tpu.memref_squeeze %dma_wait3A_832 : memref<1x80xi32, #tpu.memory_space<hbm>> -> memref<80xi32, #tpu.memory_space<hbm>>
        %dma_wait3A_834 = tpu.memref_slice %arg3[%arg0, %add3A_831] : memref<3x320000xi32, #tpu.memory_space<hbm>> -> memref<1x80xi32, #tpu.memory_space<hbm>>
        %dma_wait3A_835 = tpu.memref_squeeze %dma_wait3A_834 : memref<1x80xi32, #tpu.memory_space<hbm>> -> memref<80xi32, #tpu.memory_space<hbm>>
        tpu.wait_dma2 semaphore(%arg39 : memref<!tpu.dma_semaphore, #tpu.memory_space<semaphore_mem>>) src(%dma_wait3A_835 : memref<80xi32, #tpu.memory_space<hbm>>) dst(%arg9 : memref<80xi32, #tpu.memory_space<vmem>>)
        %mul3A_836 = arith.constant 20000 : i32
        %mul3A_837 = arith.muli %arg1, %mul3A_836 : i32
        %mul3A_838 = arith.constant 5 : i32
        %mul3A_839 = arith.muli %add3A_822, %mul3A_838 : i32
        %add3A_840 = arith.constant 3 : i32
        %add3A_841 = arith.addi %mul3A_839, %add3A_840 : i32
        %mul3A_842 = arith.constant 80 : i32
        %mul3A_843 = arith.muli %add3A_841, %mul3A_842 : i32
        %add3A_844 = arith.addi %mul3A_837, %mul3A_843 : i32
        %dma_wait3A_845 = arith.constant 2 : i32
        %dma_wait3A_846 = tpu.memref_slice %arg3[%dma_wait3A_845, %add3A_844] : memref<3x320000xi32, #tpu.memory_space<hbm>> -> memref<1x80xi32, #tpu.memory_space<hbm>>
        %dma_wait3A_847 = tpu.memref_squeeze %dma_wait3A_846 : memref<1x80xi32, #tpu.memory_space<hbm>> -> memref<80xi32, #tpu.memory_space<hbm>>
        %dma_wait3A_848 = tpu.memref_slice %arg3[%dma_wait3A_845, %add3A_844] : memref<3x320000xi32, #tpu.memory_space<hbm>> -> memref<1x80xi32, #tpu.memory_space<hbm>>
        %dma_wait3A_849 = tpu.memref_squeeze %dma_wait3A_848 : memref<1x80xi32, #tpu.memory_space<hbm>> -> memref<80xi32, #tpu.memory_space<hbm>>
        tpu.wait_dma2 semaphore(%arg39 : memref<!tpu.dma_semaphore, #tpu.memory_space<semaphore_mem>>) src(%dma_wait3A_849 : memref<80xi32, #tpu.memory_space<hbm>>) dst(%arg14 : memref<80xi32, #tpu.memory_space<vmem>>)
        %dma_start3A_850 = arith.constant 0 : i32
        %dma_start3A_851 = arith.constant 0 : i32
        %dma_start3A_852 = tpu.memref_slice %arg2[%dma_start3A_850, %dma_start3A_851] : memref<20000x64xf32, #tpu.memory_space<hbm>> -> memref<20000x64xf32, #tpu.memory_space<hbm>>
        tpu.enqueue_indirect_dma source(%dma_start3A_852 : memref<20000x64xf32, #tpu.memory_space<hbm>>) target(%arg29 : memref<80x64xf32, #tpu.memory_space<vmem>>) offsets(%arg9 : memref<80xi32, #tpu.memory_space<vmem>>) semaphore(%arg49 : memref<!tpu.dma_semaphore, #tpu.memory_space<semaphore_mem>>)
      } else {
      }
      %add3A_783 = arith.constant 2 : i32
      %add3A_784 = arith.addi %add3A_565, %add3A_783 : i32
      %lt3A_785 = arith.constant 50 : i32
      %lt3A_786 = arith.cmpi slt, %add3A_784, %lt3A_785 : i32
      %convert_element_type3A_787 = arith.extui %lt3A_786 : i1 to i32
      %cond3A_788 = arith.constant 0 : i32
      %cond3A_789 = arith.cmpi ne, %convert_element_type3A_787, %cond3A_788 : i32
      scf.if %cond3A_789 {
        %add3A_821 = arith.constant 2 : i32
        %add3A_822 = arith.addi %add3A_565, %add3A_821 : i32
        %mul3A_823 = arith.constant 20000 : i32
        %mul3A_824 = arith.muli %arg1, %mul3A_823 : i32
        %mul3A_825 = arith.constant 5 : i32
        %mul3A_826 = arith.muli %add3A_822, %mul3A_825 : i32
        %add3A_827 = arith.constant 3 : i32
        %add3A_828 = arith.addi %mul3A_826, %add3A_827 : i32
        %mul3A_829 = arith.constant 80 : i32
        %mul3A_830 = arith.muli %add3A_828, %mul3A_829 : i32
        %add3A_831 = arith.addi %mul3A_824, %mul3A_830 : i32
        %dma_start3A_832 = tpu.memref_slice %arg3[%arg0, %add3A_831] : memref<3x320000xi32, #tpu.memory_space<hbm>> -> memref<1x80xi32, #tpu.memory_space<hbm>>
        %dma_start3A_833 = tpu.memref_squeeze %dma_start3A_832 : memref<1x80xi32, #tpu.memory_space<hbm>> -> memref<80xi32, #tpu.memory_space<hbm>>
        %dma_start3A_834 = tpu.memref_slice %arg3[%arg0, %add3A_831] : memref<3x320000xi32, #tpu.memory_space<hbm>> -> memref<1x80xi32, #tpu.memory_space<hbm>>
        %dma_start3A_835 = tpu.memref_squeeze %dma_start3A_834 : memref<1x80xi32, #tpu.memory_space<hbm>> -> memref<80xi32, #tpu.memory_space<hbm>>
        tpu.enqueue_dma source(%dma_start3A_835 : memref<80xi32, #tpu.memory_space<hbm>>) target(%arg19 : memref<80xi32, #tpu.memory_space<vmem>>) target_semaphore(%arg44 : memref<!tpu.dma_semaphore, #tpu.memory_space<semaphore_mem>>)
        %mul3A_836 = arith.constant 20000 : i32
        %mul3A_837 = arith.muli %arg1, %mul3A_836 : i32
        %mul3A_838 = arith.constant 5 : i32
        %mul3A_839 = arith.muli %add3A_822, %mul3A_838 : i32
        %add3A_840 = arith.constant 3 : i32
        %add3A_841 = arith.addi %mul3A_839, %add3A_840 : i32
        %mul3A_842 = arith.constant 80 : i32
        %mul3A_843 = arith.muli %add3A_841, %mul3A_842 : i32
        %add3A_844 = arith.addi %mul3A_837, %mul3A_843 : i32
        %dma_start3A_845 = arith.constant 2 : i32
        %dma_start3A_846 = tpu.memref_slice %arg3[%dma_start3A_845, %add3A_844] : memref<3x320000xi32, #tpu.memory_space<hbm>> -> memref<1x80xi32, #tpu.memory_space<hbm>>
        %dma_start3A_847 = tpu.memref_squeeze %dma_start3A_846 : memref<1x80xi32, #tpu.memory_space<hbm>> -> memref<80xi32, #tpu.memory_space<hbm>>
        %dma_start3A_848 = tpu.memref_slice %arg3[%dma_start3A_845, %add3A_844] : memref<3x320000xi32, #tpu.memory_space<hbm>> -> memref<1x80xi32, #tpu.memory_space<hbm>>
        %dma_start3A_849 = tpu.memref_squeeze %dma_start3A_848 : memref<1x80xi32, #tpu.memory_space<hbm>> -> memref<80xi32, #tpu.memory_space<hbm>>
        tpu.enqueue_dma source(%dma_start3A_849 : memref<80xi32, #tpu.memory_space<hbm>>) target(%arg24 : memref<80xi32, #tpu.memory_space<vmem>>) target_semaphore(%arg44 : memref<!tpu.dma_semaphore, #tpu.memory_space<semaphore_mem>>)
      } else {
      }
      %dma_wait3A_790 = arith.constant 0 : i32
      %dma_wait3A_791 = arith.constant 0 : i32
      %dma_wait3A_792 = tpu.memref_slice %arg34[%dma_wait3A_790, %dma_wait3A_791] : memref<10240x64xf32, #tpu.memory_space<vmem_shared>> -> memref<10240x64xf32, #tpu.memory_space<vmem_shared>>
      tpu.wait_indirect_dma semaphore(%arg55 : memref<!tpu.dma_semaphore, #tpu.memory_space<semaphore_mem>>) src(%arg30 : memref<80x64xf32, #tpu.memory_space<vmem>>) dst(%dma_wait3A_792 : memref<10240x64xf32, #tpu.memory_space<vmem_shared>>)
      %mul3A_793 = arith.constant 5 : i32
      %mul3A_794 = arith.muli %add3A_565, %mul3A_793 : i32
      %add3A_795 = arith.constant 4 : i32
      %add3A_796 = arith.addi %mul3A_794, %add3A_795 : i32
      %eq3A_797 = arith.constant 0 : i32
      %eq3A_798 = arith.cmpi eq, %arg0, %eq3A_797 : i32
      %lt3A_799 = arith.constant 125 : i32
      %lt3A_800 = arith.cmpi slt, %add3A_796, %lt3A_799 : i32
      %ge3A_801 = arith.constant 125 : i32
      %ge3A_802 = arith.cmpi sge, %add3A_796, %ge3A_801 : i32
      %select_n3A_803 = arith.select %eq3A_798, %lt3A_800, %ge3A_802 : i1
      %convert_element_type3A_804 = arith.extui %select_n3A_803 : i1 to i32
      %cond3A_805 = arith.constant 0 : i32
      %cond3A_806 = arith.cmpi ne, %convert_element_type3A_804, %cond3A_805 : i32
      scf.if %cond3A_806 {
        %dma_wait3A_821 = arith.constant 0 : i32
        %dma_wait3A_822 = arith.constant 0 : i32
        %dma_wait3A_823 = tpu.memref_slice %arg35[%dma_wait3A_821, %dma_wait3A_822] : memref<10240x16xf32, #tpu.memory_space<vmem_shared>> -> memref<10240x16xf32, #tpu.memory_space<vmem_shared>>
        tpu.wait_indirect_dma semaphore(%arg60 : memref<!tpu.dma_semaphore, #tpu.memory_space<semaphore_mem>>) src(%arg31 : memref<80x16xf32, #tpu.memory_space<vmem>>) dst(%dma_wait3A_823 : memref<10240x16xf32, #tpu.memory_space<vmem_shared>>)
      } else {
      }
      %add3A_807 = arith.constant 1 : i32
      %add3A_808 = arith.addi %add3A_565, %add3A_807 : i32
      %lt3A_809 = arith.constant 50 : i32
      %lt3A_810 = arith.cmpi slt, %add3A_808, %lt3A_809 : i32
      %convert_element_type3A_811 = arith.extui %lt3A_810 : i1 to i32
      %cond3A_812 = arith.constant 0 : i32
      %cond3A_813 = arith.cmpi ne, %convert_element_type3A_811, %cond3A_812 : i32
      scf.if %cond3A_813 {
        %add3A_821 = arith.constant 1 : i32
        %add3A_822 = arith.addi %add3A_565, %add3A_821 : i32
        %mul3A_823 = arith.constant 20000 : i32
        %mul3A_824 = arith.muli %arg1, %mul3A_823 : i32
        %mul3A_825 = arith.constant 5 : i32
        %mul3A_826 = arith.muli %add3A_822, %mul3A_825 : i32
        %add3A_827 = arith.constant 4 : i32
        %add3A_828 = arith.addi %mul3A_826, %add3A_827 : i32
        %mul3A_829 = arith.constant 80 : i32
        %mul3A_830 = arith.muli %add3A_828, %mul3A_829 : i32
        %add3A_831 = arith.addi %mul3A_824, %mul3A_830 : i32
        %dma_wait3A_832 = tpu.memref_slice %arg3[%arg0, %add3A_831] : memref<3x320000xi32, #tpu.memory_space<hbm>> -> memref<1x80xi32, #tpu.memory_space<hbm>>
        %dma_wait3A_833 = tpu.memref_squeeze %dma_wait3A_832 : memref<1x80xi32, #tpu.memory_space<hbm>> -> memref<80xi32, #tpu.memory_space<hbm>>
        %dma_wait3A_834 = tpu.memref_slice %arg3[%arg0, %add3A_831] : memref<3x320000xi32, #tpu.memory_space<hbm>> -> memref<1x80xi32, #tpu.memory_space<hbm>>
        %dma_wait3A_835 = tpu.memref_squeeze %dma_wait3A_834 : memref<1x80xi32, #tpu.memory_space<hbm>> -> memref<80xi32, #tpu.memory_space<hbm>>
        tpu.wait_dma2 semaphore(%arg40 : memref<!tpu.dma_semaphore, #tpu.memory_space<semaphore_mem>>) src(%dma_wait3A_835 : memref<80xi32, #tpu.memory_space<hbm>>) dst(%arg10 : memref<80xi32, #tpu.memory_space<vmem>>)
        %mul3A_836 = arith.constant 20000 : i32
        %mul3A_837 = arith.muli %arg1, %mul3A_836 : i32
        %mul3A_838 = arith.constant 5 : i32
        %mul3A_839 = arith.muli %add3A_822, %mul3A_838 : i32
        %add3A_840 = arith.constant 4 : i32
        %add3A_841 = arith.addi %mul3A_839, %add3A_840 : i32
        %mul3A_842 = arith.constant 80 : i32
        %mul3A_843 = arith.muli %add3A_841, %mul3A_842 : i32
        %add3A_844 = arith.addi %mul3A_837, %mul3A_843 : i32
        %dma_wait3A_845 = arith.constant 2 : i32
        %dma_wait3A_846 = tpu.memref_slice %arg3[%dma_wait3A_845, %add3A_844] : memref<3x320000xi32, #tpu.memory_space<hbm>> -> memref<1x80xi32, #tpu.memory_space<hbm>>
        %dma_wait3A_847 = tpu.memref_squeeze %dma_wait3A_846 : memref<1x80xi32, #tpu.memory_space<hbm>> -> memref<80xi32, #tpu.memory_space<hbm>>
        %dma_wait3A_848 = tpu.memref_slice %arg3[%dma_wait3A_845, %add3A_844] : memref<3x320000xi32, #tpu.memory_space<hbm>> -> memref<1x80xi32, #tpu.memory_space<hbm>>
        %dma_wait3A_849 = tpu.memref_squeeze %dma_wait3A_848 : memref<1x80xi32, #tpu.memory_space<hbm>> -> memref<80xi32, #tpu.memory_space<hbm>>
        tpu.wait_dma2 semaphore(%arg40 : memref<!tpu.dma_semaphore, #tpu.memory_space<semaphore_mem>>) src(%dma_wait3A_849 : memref<80xi32, #tpu.memory_space<hbm>>) dst(%arg15 : memref<80xi32, #tpu.memory_space<vmem>>)
        %dma_start3A_850 = arith.constant 0 : i32
        %dma_start3A_851 = arith.constant 0 : i32
        %dma_start3A_852 = tpu.memref_slice %arg2[%dma_start3A_850, %dma_start3A_851] : memref<20000x64xf32, #tpu.memory_space<hbm>> -> memref<20000x64xf32, #tpu.memory_space<hbm>>
        tpu.enqueue_indirect_dma source(%dma_start3A_852 : memref<20000x64xf32, #tpu.memory_space<hbm>>) target(%arg30 : memref<80x64xf32, #tpu.memory_space<vmem>>) offsets(%arg10 : memref<80xi32, #tpu.memory_space<vmem>>) semaphore(%arg50 : memref<!tpu.dma_semaphore, #tpu.memory_space<semaphore_mem>>)
      } else {
      }
      %add3A_814 = arith.constant 2 : i32
      %add3A_815 = arith.addi %add3A_565, %add3A_814 : i32
      %lt3A_816 = arith.constant 50 : i32
      %lt3A_817 = arith.cmpi slt, %add3A_815, %lt3A_816 : i32
      %convert_element_type3A_818 = arith.extui %lt3A_817 : i1 to i32
      %cond3A_819 = arith.constant 0 : i32
      %cond3A_820 = arith.cmpi ne, %convert_element_type3A_818, %cond3A_819 : i32
      scf.if %cond3A_820 {
        %add3A_821 = arith.constant 2 : i32
        %add3A_822 = arith.addi %add3A_565, %add3A_821 : i32
        %mul3A_823 = arith.constant 20000 : i32
        %mul3A_824 = arith.muli %arg1, %mul3A_823 : i32
        %mul3A_825 = arith.constant 5 : i32
        %mul3A_826 = arith.muli %add3A_822, %mul3A_825 : i32
        %add3A_827 = arith.constant 4 : i32
        %add3A_828 = arith.addi %mul3A_826, %add3A_827 : i32
        %mul3A_829 = arith.constant 80 : i32
        %mul3A_830 = arith.muli %add3A_828, %mul3A_829 : i32
        %add3A_831 = arith.addi %mul3A_824, %mul3A_830 : i32
        %dma_start3A_832 = tpu.memref_slice %arg3[%arg0, %add3A_831] : memref<3x320000xi32, #tpu.memory_space<hbm>> -> memref<1x80xi32, #tpu.memory_space<hbm>>
        %dma_start3A_833 = tpu.memref_squeeze %dma_start3A_832 : memref<1x80xi32, #tpu.memory_space<hbm>> -> memref<80xi32, #tpu.memory_space<hbm>>
        %dma_start3A_834 = tpu.memref_slice %arg3[%arg0, %add3A_831] : memref<3x320000xi32, #tpu.memory_space<hbm>> -> memref<1x80xi32, #tpu.memory_space<hbm>>
        %dma_start3A_835 = tpu.memref_squeeze %dma_start3A_834 : memref<1x80xi32, #tpu.memory_space<hbm>> -> memref<80xi32, #tpu.memory_space<hbm>>
        tpu.enqueue_dma source(%dma_start3A_835 : memref<80xi32, #tpu.memory_space<hbm>>) target(%arg20 : memref<80xi32, #tpu.memory_space<vmem>>) target_semaphore(%arg45 : memref<!tpu.dma_semaphore, #tpu.memory_space<semaphore_mem>>)
        %mul3A_836 = arith.constant 20000 : i32
        %mul3A_837 = arith.muli %arg1, %mul3A_836 : i32
        %mul3A_838 = arith.constant 5 : i32
        %mul3A_839 = arith.muli %add3A_822, %mul3A_838 : i32
        %add3A_840 = arith.constant 4 : i32
        %add3A_841 = arith.addi %mul3A_839, %add3A_840 : i32
        %mul3A_842 = arith.constant 80 : i32
        %mul3A_843 = arith.muli %add3A_841, %mul3A_842 : i32
        %add3A_844 = arith.addi %mul3A_837, %mul3A_843 : i32
        %dma_start3A_845 = arith.constant 2 : i32
        %dma_start3A_846 = tpu.memref_slice %arg3[%dma_start3A_845, %add3A_844] : memref<3x320000xi32, #tpu.memory_space<hbm>> -> memref<1x80xi32, #tpu.memory_space<hbm>>
        %dma_start3A_847 = tpu.memref_squeeze %dma_start3A_846 : memref<1x80xi32, #tpu.memory_space<hbm>> -> memref<80xi32, #tpu.memory_space<hbm>>
        %dma_start3A_848 = tpu.memref_slice %arg3[%dma_start3A_845, %add3A_844] : memref<3x320000xi32, #tpu.memory_space<hbm>> -> memref<1x80xi32, #tpu.memory_space<hbm>>
        %dma_start3A_849 = tpu.memref_squeeze %dma_start3A_848 : memref<1x80xi32, #tpu.memory_space<hbm>> -> memref<80xi32, #tpu.memory_space<hbm>>
        tpu.enqueue_dma source(%dma_start3A_849 : memref<80xi32, #tpu.memory_space<hbm>>) target(%arg25 : memref<80xi32, #tpu.memory_space<vmem>>) target_semaphore(%arg45 : memref<!tpu.dma_semaphore, #tpu.memory_space<semaphore_mem>>)
      } else {
      }
    }
    %scan3A_294 = arith.constant 25 : i32
    %barrier3A_295 = arith.constant 0 : index
    tpu.barrier barrier_id(%barrier3A_295)
    %mul3A_296 = arith.constant 640 : i32
    %mul3A_297 = arith.muli %arg1, %mul3A_296 : i32
    %mul3A_298 = arith.constant 640 : i32
    %mul3A_299 = arith.muli %arg1, %mul3A_298 : i32
    %mul3A_300 = arith.constant 64 : i32
    %mul3A_301 = arith.muli %arg0, %mul3A_300 : i32
    "tpu.region"() ({
      %run_scoped3A = tpu.sem_alloc : memref<!tpu.dma_semaphore, #tpu.memory_space<semaphore_mem>>
      %dma_start3A_306 = tpu.memref_slice %arg4[%mul3A_299, %mul3A_301] : memref<10240x128xf32, #tpu.memory_space<hbm>> -> memref<640x64xf32, #tpu.memory_space<hbm>>
      %dma_start3A_307 = arith.constant 0 : i32
      %dma_start3A_308 = tpu.memref_slice %arg34[%mul3A_297, %dma_start3A_307] : memref<10240x64xf32, #tpu.memory_space<vmem_shared>> -> memref<640x64xf32, #tpu.memory_space<vmem_shared>>
      tpu.enqueue_dma source(%dma_start3A_308 : memref<640x64xf32, #tpu.memory_space<vmem_shared>>) target(%dma_start3A_306 : memref<640x64xf32, #tpu.memory_space<hbm>>) target_semaphore(%run_scoped3A : memref<!tpu.dma_semaphore, #tpu.memory_space<semaphore_mem>>)
      %dma_wait3A_309 = tpu.memref_slice %arg4[%mul3A_299, %mul3A_301] : memref<10240x128xf32, #tpu.memory_space<hbm>> -> memref<640x64xf32, #tpu.memory_space<hbm>>
      %dma_wait3A_310 = arith.constant 0 : i32
      %dma_wait3A_311 = tpu.memref_slice %arg34[%mul3A_297, %dma_wait3A_310] : memref<10240x64xf32, #tpu.memory_space<vmem_shared>> -> memref<640x64xf32, #tpu.memory_space<vmem_shared>>
      tpu.wait_dma2 semaphore(%run_scoped3A : memref<!tpu.dma_semaphore, #tpu.memory_space<semaphore_mem>>) src(%dma_wait3A_311 : memref<640x64xf32, #tpu.memory_space<vmem_shared>>) dst(%dma_wait3A_309 : memref<640x64xf32, #tpu.memory_space<hbm>>)
      tpu.yield
    }) : () -> ()
    %mul3A_302 = arith.constant 640 : i32
    %mul3A_303 = arith.muli %arg1, %mul3A_302 : i32
    %mul3A_304 = arith.constant 640 : i32
    %mul3A_305 = arith.muli %arg1, %mul3A_304 : i32
    "tpu.region"() ({
      %run_scoped3A = tpu.sem_alloc : memref<!tpu.dma_semaphore, #tpu.memory_space<semaphore_mem>>
      %dma_start3A_306 = arith.constant 0 : i32
      %dma_start3A_307 = tpu.memref_slice %arg5[%arg0, %mul3A_305, %dma_start3A_306] : memref<2x10240x16xf32, #tpu.memory_space<hbm>> -> memref<1x640x16xf32, #tpu.memory_space<hbm>>
      %dma_start3A_308 = tpu.memref_squeeze %dma_start3A_307 : memref<1x640x16xf32, #tpu.memory_space<hbm>> -> memref<640x16xf32, #tpu.memory_space<hbm>>
      %dma_start3A_309 = arith.constant 0 : i32
      %dma_start3A_310 = tpu.memref_slice %arg35[%mul3A_303, %dma_start3A_309] : memref<10240x16xf32, #tpu.memory_space<vmem_shared>> -> memref<640x16xf32, #tpu.memory_space<vmem_shared>>
      tpu.enqueue_dma source(%dma_start3A_310 : memref<640x16xf32, #tpu.memory_space<vmem_shared>>) target(%dma_start3A_308 : memref<640x16xf32, #tpu.memory_space<hbm>>) target_semaphore(%run_scoped3A : memref<!tpu.dma_semaphore, #tpu.memory_space<semaphore_mem>>)
      %dma_wait3A_311 = arith.constant 0 : i32
      %dma_wait3A_312 = tpu.memref_slice %arg5[%arg0, %mul3A_305, %dma_wait3A_311] : memref<2x10240x16xf32, #tpu.memory_space<hbm>> -> memref<1x640x16xf32, #tpu.memory_space<hbm>>
      %dma_wait3A_313 = tpu.memref_squeeze %dma_wait3A_312 : memref<1x640x16xf32, #tpu.memory_space<hbm>> -> memref<640x16xf32, #tpu.memory_space<hbm>>
      %dma_wait3A_314 = arith.constant 0 : i32
      %dma_wait3A_315 = tpu.memref_slice %arg35[%mul3A_303, %dma_wait3A_314] : memref<10240x16xf32, #tpu.memory_space<vmem_shared>> -> memref<640x16xf32, #tpu.memory_space<vmem_shared>>
      tpu.wait_dma2 semaphore(%run_scoped3A : memref<!tpu.dma_semaphore, #tpu.memory_space<semaphore_mem>>) src(%dma_wait3A_315 : memref<640x16xf32, #tpu.memory_space<vmem_shared>>) dst(%dma_wait3A_313 : memref<640x16xf32, #tpu.memory_space<hbm>>)
      tpu.yield
    }) : () -> ()
    return
  }
}

module attributes {stable_mosaic.version = 14 : i64} {
  func.func @body(%arg0: i32, %arg1: memref<5000x128xf32, #tpu.memory_space<vmem>>, %arg2: memref<128x128xf32, #tpu.memory_space<vmem>>, %arg3: memref<1x128xf32, #tpu.memory_space<vmem>>, %arg4: memref<5000x128xf32, #tpu.memory_space<vmem>>) attributes {dimension_semantics = [#tpu.dimension_semantics<arbitrary>], iteration_bounds = array<i64: 2>, scalar_prefetch = 0 : i64, scratch_operands = 0 : i64, tpu.core_type = #tpu.core_type<tc>, window_params = [{transform_indices = @transform_0, window_bounds = array<i64: 5000, 128>}, {pipeline_mode = #tpu.pipeline_mode<synchronous>, transform_indices = @transform_1, window_bounds = array<i64: 128, 128>}, {pipeline_mode = #tpu.pipeline_mode<synchronous>, transform_indices = @transform_2, window_bounds = array<i64: 1, 128>}, {transform_indices = @transform_3, window_bounds = array<i64: 5000, 128>}]} {
    %get3A = arith.constant 0 : index
    %get3A_0 = arith.constant 0 : index
    %get3A_1 = vector.load %arg1[%get3A, %get3A_0] : memref<5000x128xf32, #tpu.memory_space<vmem>>, vector<5000x128xf32>
    %get3A_2 = arith.constant 0 : index
    %get3A_3 = arith.constant 0 : index
    %get3A_4 = vector.load %arg2[%get3A_2, %get3A_3] : memref<128x128xf32, #tpu.memory_space<vmem>>, vector<128x128xf32>
    %dot_general3A = arith.constant dense<0.000000e+00> : vector<5000x128xf32>
    %dot_general3A_5 = tpu.matmul %get3A_1, %get3A_4, %dot_general3A {dimension_numbers = #tpu.dot_dimension_numbers<[1], [0], [0], [1], [0, 0, 1, 1], [], []>, transpose_lhs_hint = false} : vector<5000x128xf32>, vector<128x128xf32>, vector<5000x128xf32> -> vector<5000x128xf32>
    %get3A_6 = arith.constant 0 : index
    %get3A_7 = arith.constant 0 : index
    %get3A_8 = vector.load %arg3[%get3A_6, %get3A_7] : memref<1x128xf32, #tpu.memory_space<vmem>>, vector<1x128xf32>
    %add3A = vector.broadcast %get3A_8 : vector<1x128xf32> to vector<5000x128xf32>
    %add3A_9 = arith.addf %dot_general3A_5, %add3A : vector<5000x128xf32>
    %tanh3A = math.tanh %add3A_9 : vector<5000x128xf32>
    %logistic3A = arith.negf %tanh3A : vector<5000x128xf32>
    %logistic3A_10 = math.exp %logistic3A : vector<5000x128xf32>
    %logistic3A_11 = arith.constant 1.000000e+00 : f32
    %logistic3A_12 = vector.broadcast %logistic3A_11 : f32 to vector<5000x128xf32>
    %logistic3A_13 = arith.addf %logistic3A_12, %logistic3A_10 : vector<5000x128xf32>
    %logistic3A_14 = arith.divf %logistic3A_12, %logistic3A_13 : vector<5000x128xf32>
    %swap3A = arith.constant 0 : index
    %swap3A_15 = arith.constant 0 : index
    %swap3A_16 = vector.load %arg4[%swap3A, %swap3A_15] : memref<5000x128xf32, #tpu.memory_space<vmem>>, vector<5000x128xf32>
    tpu.vector_store %arg4[%swap3A, %swap3A_15], %logistic3A_14 {strides = array<i32>} : memref<5000x128xf32, #tpu.memory_space<vmem>>, vector<5000x128xf32>,
    return
  }
  func.func @transform_0(%arg0: i32) -> (i32, i32) {
    %c0_i32 = arith.constant 0 : i32
    %c0_i32_0 = arith.constant 0 : i32
    return %arg0, %c0_i32 : i32, i32
  }
  func.func @transform_1(%arg0: i32) -> (i32, i32) {
    %c0_i32 = arith.constant 0 : i32
    %c0_i32_0 = arith.constant 0 : i32
    %c0_i32_1 = arith.constant 0 : i32
    return %c0_i32, %c0_i32_0 : i32, i32
  }
  func.func @transform_2(%arg0: i32) -> (i32, i32) {
    %c0_i32 = arith.constant 0 : i32
    %c0_i32_0 = arith.constant 0 : i32
    %c0_i32_1 = arith.constant 0 : i32
    return %c0_i32, %c0_i32_0 : i32, i32
  }
  func.func @transform_3(%arg0: i32) -> (i32, i32) {
    %c0_i32 = arith.constant 0 : i32
    %c0_i32_0 = arith.constant 0 : i32
    return %arg0, %c0_i32 : i32, i32
  }
}

module attributes {stable_mosaic.version = 14 : i64} {
  func.func @body(%arg0: i32, %arg1: memref<5000x128xf32, #tpu.memory_space<vmem>>, %arg2: memref<2x5000x16xf32, #tpu.memory_space<vmem>>, %arg3: memref<128x128xf32, #tpu.memory_space<vmem>>, %arg4: memref<1x128xf32, #tpu.memory_space<vmem>>, %arg5: memref<5000x128xf32, #tpu.memory_space<vmem>>) attributes {dimension_semantics = [#tpu.dimension_semantics<arbitrary>], iteration_bounds = array<i64: 2>, scalar_prefetch = 0 : i64, scratch_operands = 0 : i64, tpu.core_type = #tpu.core_type<tc>, window_params = [{transform_indices = @transform_0, window_bounds = array<i64: 5000, 128>}, {transform_indices = @transform_1, window_bounds = array<i64: 2, 5000, 16>}, {pipeline_mode = #tpu.pipeline_mode<synchronous>, transform_indices = @transform_2, window_bounds = array<i64: 128, 128>}, {pipeline_mode = #tpu.pipeline_mode<synchronous>, transform_indices = @transform_3, window_bounds = array<i64: 1, 128>}, {transform_indices = @transform_4, window_bounds = array<i64: 5000, 128>}]} {
    %get3A = arith.constant 0 : index
    %get3A_0 = arith.constant 0 : index
    %get3A_1 = arith.constant 0 : index
    %get3A_2 = vector.load %arg2[%get3A, %get3A_0, %get3A_1] : memref<2x5000x16xf32, #tpu.memory_space<vmem>>, vector<1x5000x16xf32>
    %get3A_3 = vector.shape_cast %get3A_2 : vector<1x5000x16xf32> to vector<5000x16xf32>
    %slice3A = vector.extract_strided_slice %get3A_3 {offsets = [0, 0], sizes = [5000, 1], strides = [1, 1]} : vector<5000x16xf32> to vector<5000x1xf32>
    %get3A_4 = arith.constant 1 : index
    %get3A_5 = arith.constant 0 : index
    %get3A_6 = arith.constant 0 : index
    %get3A_7 = vector.load %arg2[%get3A_4, %get3A_5, %get3A_6] : memref<2x5000x16xf32, #tpu.memory_space<vmem>>, vector<1x5000x16xf32>
    %get3A_8 = vector.shape_cast %get3A_7 : vector<1x5000x16xf32> to vector<5000x16xf32>
    %slice3A_9 = vector.extract_strided_slice %get3A_8 {offsets = [0, 0], sizes = [5000, 1], strides = [1, 1]} : vector<5000x16xf32> to vector<5000x1xf32>
    %add3A = arith.addf %slice3A, %slice3A_9 : vector<5000x1xf32>
    %get3A_10 = arith.constant 0 : index
    %get3A_11 = arith.constant 0 : index
    %get3A_12 = vector.load %arg1[%get3A_10, %get3A_11] : memref<5000x128xf32, #tpu.memory_space<vmem>>, vector<5000x128xf32>
    %max3A = arith.constant 1.000000e+00 : f32
    %max3A_13 = vector.broadcast %max3A : f32 to vector<5000x1xf32>
    %max3A_14 = arith.maximumf %add3A, %max3A_13 : vector<5000x1xf32>
    %div3A = vector.broadcast %max3A_14 : vector<5000x1xf32> to vector<5000x128xf32>
    %div3A_15 = arith.divf %get3A_12, %div3A : vector<5000x128xf32>
    %get3A_16 = arith.constant 0 : index
    %get3A_17 = arith.constant 0 : index
    %get3A_18 = vector.load %arg3[%get3A_16, %get3A_17] : memref<128x128xf32, #tpu.memory_space<vmem>>, vector<128x128xf32>
    %dot_general3A = arith.constant dense<0.000000e+00> : vector<5000x128xf32>
    %dot_general3A_19 = tpu.matmul %div3A_15, %get3A_18, %dot_general3A {dimension_numbers = #tpu.dot_dimension_numbers<[1], [0], [0], [1], [0, 0, 1, 1], [], []>, transpose_lhs_hint = false} : vector<5000x128xf32>, vector<128x128xf32>, vector<5000x128xf32> -> vector<5000x128xf32>
    %get3A_20 = arith.constant 0 : index
    %get3A_21 = arith.constant 0 : index
    %get3A_22 = vector.load %arg4[%get3A_20, %get3A_21] : memref<1x128xf32, #tpu.memory_space<vmem>>, vector<1x128xf32>
    %add3A_23 = vector.broadcast %get3A_22 : vector<1x128xf32> to vector<5000x128xf32>
    %add3A_24 = arith.addf %dot_general3A_19, %add3A_23 : vector<5000x128xf32>
    %swap3A = arith.constant 0 : index
    %swap3A_25 = arith.constant 0 : index
    %swap3A_26 = vector.load %arg5[%swap3A, %swap3A_25] : memref<5000x128xf32, #tpu.memory_space<vmem>>, vector<5000x128xf32>
    tpu.vector_store %arg5[%swap3A, %swap3A_25], %add3A_24 {strides = array<i32>} : memref<5000x128xf32, #tpu.memory_space<vmem>>, vector<5000x128xf32>,
    return
  }
  func.func @transform_0(%arg0: i32) -> (i32, i32) {
    %c0_i32 = arith.constant 0 : i32
    %c0_i32_0 = arith.constant 0 : i32
    return %arg0, %c0_i32 : i32, i32
  }
  func.func @transform_1(%arg0: i32) -> (i32, i32, i32) {
    %c0_i32 = arith.constant 0 : i32
    %c0_i32_0 = arith.constant 0 : i32
    %c0_i32_1 = arith.constant 0 : i32
    return %c0_i32, %arg0, %c0_i32_0 : i32, i32, i32
  }
  func.func @transform_2(%arg0: i32) -> (i32, i32) {
    %c0_i32 = arith.constant 0 : i32
    %c0_i32_0 = arith.constant 0 : i32
    %c0_i32_1 = arith.constant 0 : i32
    return %c0_i32, %c0_i32_0 : i32, i32
  }
  func.func @transform_3(%arg0: i32) -> (i32, i32) {
    %c0_i32 = arith.constant 0 : i32
    %c0_i32_0 = arith.constant 0 : i32
    %c0_i32_1 = arith.constant 0 : i32
    return %c0_i32, %c0_i32_0 : i32, i32
  }
  func.func @transform_4(%arg0: i32) -> (i32, i32) {
    %c0_i32 = arith.constant 0 : i32
    %c0_i32_0 = arith.constant 0 : i32
    return %arg0, %c0_i32 : i32, i32
  }
}

</mosaic_0001>

<sc_bundles>
// kernel: kernel.5.cloned.1.call-start
scs
__scs_entry_jumppad:
0x0: {  	(pc) =	sbr.rel $0x88, $3  }
0x1: {  	(tag) =	ssettag $0x0;
	lr =	simm.s32 $0x1  }
0x2: {  	[smem:$0x3F9B] =	sst lr;
	_ =	strace $0xD0000000  }
0x3: {  	_ = 	snop  }
0x4: {  	_ = 	snop  }
0x5: {  	_ = 	snop  }
0x6: {  	_ = 	snop  }
0x7: {  	_ = 	snop  }
__scs_overlays_trampoline_lowered:
0x8: {  	[smem:$0x3FAA] =	sst s0  }
0x9: {  	[smem:$0x3FAB] =	sst s1  }
0xa: {  	[smem:$0x3FAC] =	sst s2  }
0xb: {  	[smem:$0x3FAD] =	sst s3  }
0xc: {  	[smem:$0x3FAE] =	sst s4  }
0xd: {  	[smem:$0x3FAF] =	sst s5  }
0xe: {  	[smem:$0x3FB0] =	sst s6  }
0xf: {  	[smem:$0x3FB1] =	sst s7  }
0x10: {  	[smem:$0x3FB2] =	sst s8  }
0x11: {  	[smem:$0x3FB3] =	sst s9;
	s0 =	simm.s32 @!p0 $0x0  }
0x12: {  	s1 =	sld [smem:$0x3F99];
	s0 =	simm.s32 @p0 $0x1  }
0x13: {  	[smem:$0x3FB4] =	sst s0;
	s0 =	simm.s32 @!p1 $0x0  }
0x14: {  	s2 =	sld [smem:$0x3F98];
	s0 =	simm.s32 @p1 $0x1  }
0x15: {  	[smem:$0x3FB5] =	sst s0;
	s0 =	simm.s32 @!p2 $0x0  }
0x16: {  	s3 =	sld [smem:$0x3FDB];
	s0 =	simm.s32 @p2 $0x1  }
0x17: {  	s4 =	simm.s32 $0x1BF5;
	[smem:$0x3FB7] =	sst s0  }
0x18: {  	s0 =	sld [smem:$0x3F9A];
	_ =	swait.ge [sflag:s4], $0x0  }
0x19: {  	s7 =	sld [smem:$0x3F9B]  }
0x1a: {  	s8 =	sadd.s32 $0xFFFFE003, lr  }
0x1b: {  	s9 =	sadd.s32 $0xFFFFFEF7, lr;
	s5 =	simm.s32 $0xFFFFFFFF;
	p2 =	slt.u32 s8, $0xFFFFF086  }
0x1c: {  	p1 =	slt.u32 s9, $0xF7A;
	s5 =	simm.s32 @!p2 $0x0  }
0x1d: {  	s5 =	simm.s32 @p1 $0x1;
	p0 =	seq.s32 s7, s2  }
0x1e: {  	s7 =	smul.u32 @!p0 $0xF7A, s2;
	p2 =	seq.s32 @!p0 s5, $0x0  }
0x1f: {  	s9 =	smul.u32 $0xF7A, s1;
	s8 =	simm.s32 @!p0 $0x1BF5;
	p2 =	por !p2, p0  }
0x20: {  	[sflag:s8] =	ssyncset.s32 @!p0 $0xFFFFF086;
	s6 =	sadd.s32 @!p0 s3, s7;
	s7 =	simm.s32 @!p0 $0x108  }
0x21: {  	s3 =	sadd.s32 s3, s9;
	s6 =	sadd.s32 @!p0 $0x88, s6;
	s7 =	simm.s32 @p2 $0x1082  }
0x22: {  	[simem:s7], [sflag:s8] =	dma.local @!p0 [hbm:s6], $0xF7A  }
0x23: {  	s9 =	sor.u32 $0xD0000000, s2;
	s6 =	simm.s32 $0x108;
	_ =	swait.ge @!p0 [sflag:s8], $0x0  }
0x24: {  	s3 =	sadd.s32 $0x88, s3;
	s6 =	simm.s32 @!p1 $0x1082;
	[sflag:s4] =	ssyncset.s32 $0xFFFFF086  }
0x25: {  	[simem:s6], [sflag:s4] =	dma.local [hbm:s3], $0xF7A  }
0x26: {  	[smem:$0x3F9B] =	sst s1;
	(tag) =	ssettag s2;
	_ =	strace s9  }
0x27: {  	s1 =	sld [smem:$0x3FAB]  }
0x28: {  	s2 =	sld [smem:$0x3FAC]  }
0x29: {  	s4 =	sld [smem:$0x3FAE]  }
0x2a: {  	p0 =	seq.s32 s5, $0x0;
	s5 =	sld [smem:$0x3FAF]  }
0x2b: {  	s6 =	sld [smem:$0x3FB0]  }
0x2c: {  	s7 =	sld [smem:$0x3FB1]  }
0x2d: {  	s3 =	simm.s32 $0x108;
	s8 =	sld [smem:$0x3FB2]  }
0x2e: {  	s3 =	simm.s32 @!p0 $0x1082;
	s9 =	sld [smem:$0x3FB3]  }
0x2f: {  	lr =	sadd.s32 s0, s3;
	s0 =	sld [smem:$0x3FAA]  }
0x30: {  	s3 =	sld [smem:$0x3FAD]  }
0x31: {  	[smem:$0x3FB6] =	sst s10  }
0x32: {  	s10 =	sld [smem:$0x3FB4];
	_ =	sdelay $0x3  }
0x33: {  	p0 =	seq.s32 s10, $0x1;
	s10 =	sld [smem:$0x3FB6];
	_ =	sdelay $0x3  }
0x34: {  	[smem:$0x3FB6] =	sst s10  }
0x35: {  	s10 =	sld [smem:$0x3FB5];
	_ =	sdelay $0x3  }
0x36: {  	p1 =	seq.s32 s10, $0x1;
	s10 =	sld [smem:$0x3FB6];
	_ =	sdelay $0x3  }
0x37: {  	[smem:$0x3FB6] =	sst s10  }
0x38: {  	s10 =	sld [smem:$0x3FB7]  }
0x39: {  	_ = 	snop;
	(pc) =	sbr.ind lr, $3  }
0x3a: {  	_ = 	snop  }
0x3b: {  	_ = 	snop  }
0x3c: {  	p2 =	seq.s32 s10, $0x1;
	s10 =	sld [smem:$0x3FB6]  }
0x3d: {  	_ =	shalt  }
0x3e: {  	_ =	shalt  }
0x3f: {  	_ =	shalt  }
0x40: {  	_ =	shalt  }
0x41: {  	_ =	shalt  }
0x42: {  	_ =	shalt  }
0x43: {  	_ =	shalt  }
0x44: {  	_ =	shalt  }
0x45: {  	_ =	shalt  }
0x46: {  	_ =	shalt  }
0x47: {  	_ =	shalt  }
0x48: {  	_ =	shalt  }
0x49: {  	_ =	shalt  }
0x4a: {  	_ =	shalt  }
0x4b: {  	_ =	shalt  }
0x4c: {  	_ =	shalt  }
0x4d: {  	_ =	shalt  }
0x4e: {  	_ =	shalt  }
0x4f: {  	_ =	shalt  }
0x50: {  	_ =	shalt  }
0x51: {  	_ =	shalt  }
0x52: {  	_ =	shalt  }
0x53: {  	_ =	shalt  }
0x54: {  	_ =	shalt  }
0x55: {  	_ =	shalt  }
0x56: {  	_ =	shalt  }
0x57: {  	_ =	shalt  }
0x58: {  	_ =	shalt  }
0x59: {  	_ =	shalt  }
0x5a: {  	_ =	shalt  }
0x5b: {  	_ =	shalt  }
0x5c: {  	_ =	shalt  }
0x5d: {  	_ =	shalt  }
0x5e: {  	_ =	shalt  }
0x5f: {  	_ =	shalt  }
0x60: {  	_ =	shalt  }
0x61: {  	_ =	shalt  }
0x62: {  	_ =	shalt  }
0x63: {  	_ =	shalt  }
0x64: {  	_ =	shalt  }
0x65: {  	_ =	shalt  }
0x66: {  	_ =	shalt  }
0x67: {  	_ =	shalt  }
0x68: {  	_ =	shalt  }
0x69: {  	_ =	shalt  }
0x6a: {  	_ =	shalt  }
0x6b: {  	_ =	shalt  }
0x6c: {  	_ =	shalt  }
0x6d: {  	_ =	shalt  }
0x6e: {  	_ =	shalt  }
0x6f: {  	_ =	shalt  }
0x70: {  	_ =	shalt  }
0x71: {  	_ =	shalt  }
0x72: {  	_ =	shalt  }
0x73: {  	_ =	shalt  }
0x74: {  	_ =	shalt  }
0x75: {  	_ =	shalt  }
0x76: {  	_ =	shalt  }
0x77: {  	_ =	shalt  }
0x78: {  	_ =	shalt  }
0x79: {  	_ =	shalt  }
0x7a: {  	_ =	shalt  }
0x7b: {  	_ =	shalt  }
0x7c: {  	_ =	shalt  }
0x7d: {  	_ =	shalt  }
0x7e: {  	_ =	shalt  }
0x7f: {  	_ =	shalt  }
0x80: {  	_ =	shalt  }
0x81: {  	_ =	shalt  }
0x82: {  	_ =	shalt  }
0x83: {  	_ =	shalt  }
0x84: {  	_ =	shalt  }
0x85: {  	_ =	shalt  }
0x86: {  	_ =	shalt  }
0x87: {  	_ =	shalt  }
.Lfunc_end0:
.L_simem_size_0:
called_computation_lowered:
.L_overlay_start_0:
0x88: {  	s2 =	sld [smem:$0x3FD9]  }
0x89: {  	s3 =	sld [smem:$0x3FFE];
	_ =	sdelay $0x1  }
0x8a: {  	s1 =	srdreg.scid  }
0x8b: {  	s0 =	sand.u32 $0x1, s1  }
0x8c: {  	s17 =	sshll.u32 s0, $0xA;
	s2 =	sadd.s32 s3, s2  }
0x8d: {  	s2 =	sadd.s32 s2, s17  }
0x8e: {  	[smem:$0x3FC2] =	sst s2  }
0x8f: {  	_ = 	snop  }
0x90: {  	s2 =	sld [smem:$0x3FD0];
	(tm) =	ssettm $0x1  }
0x91: {  	s18 =	sld [smem:$0x3FFB];
	_ =	sdelay $0x3  }
0x92: {  	_ =	strace s18  }
0x93: {  	s3 =	sld [smem:$0x3FFC];
	_ =	sdelay $0x3  }
0x94: {  	_ =	strace s3  }
0x95: {  	s3 =	sld [smem:$0x3FFD];
	_ =	sdelay $0x3  }
0x96: {  	_ =	strace s3  }
0x97: {  	_ =	strace $0x8FFFFFFF  }
0x98: {  	s19 =	sld [smem:$0x3FDB];
	_ =	sdelay $0x1  }
0x99: {  	s4 =	simm.s32 $_scs_section_size  }
0x9a: {  	s5 =	simm.s32 $_size__tile_overlayer_lowered;
	s6 =	simm.s32 $_tile_overlayer_lowered  }
0x9b: {  	s22 =	simm.s32 $0x1BFF;
	s21 =	sshll.u32 s6, $0x1;
	s3 =	sadd.s32 s4, s19  }
0x9c: {  	s7 =	simm.s32 $0x0;
	s20 =	sshll.u32 s5, $0x1;
	s5 =	sadd.s32 s21, s3  }
0x9d: {  	[timem:s7], [sflag:s22] =	dma.local [hbm:s5], s20  }
0x9e: {  	_ =	swait.ge [sflag:s22], s20  }
0x9f: {  	s4 =	ssub.s32 $0x0, s20;
	[sflag:s22] =	ssyncset.done $0x0  }
0xa0: {  	[sflag:s22] =	ssyncadd.s32 s4;
	_ =	sdelay $0x1  }
0xa1: {  	s23 =	simm.s32 $0x1B8B  }
0xa2: {  	_ =	swait.ge [sflag:s23], $0x1  }
0xa3: {  	[sflag:s23] =	ssyncset.done $0x0  }
0xa4: {  	s25 =	simm.s32 $0x1B8E;
	s24 =	sld [smem:$0x3FFE];
	[sflag:s23] =	ssyncadd.s32 $0xFFFFFFFF  }
0xa5: {  	s26 =	simm.s32 $execute0_lowered;
	[smem:$0x3FD2] =	sst s25  }
0xa6: {  	s5 =	sshll.u32 s26, $0x1;
	_ =	strace $0x80000046;
	[dreg:$0x1] =	wrdreg $0xFFFFFFFF  }
0xa7: {  	s28 =	simm.s32 $_size_execute0_lowered;
	s3 =	sadd.s32 s3, s5;
	[dreg:$0x0] =	wrdreg $0x0  }
0xa8: {  	s5 =	sshll.u32 s28, $0x1;
	[dreg:$0x2] =	wrdreg s3  }
0xa9: {  	[dreg:$0x3] =	wrdreg s5  }
0xaa: {  	[dreg:$0x4] =	wrdreg $0xC0  }
0xab: {  	_ =	task [dreg:s7], $0x5FFFF  }
0xac: {  	[dreg:$0x1] =	wrdreg $0xFFFFFFFF  }
0xad: {  	[dreg:$0x0] =	wrdreg $0x60  }
0xae: {  	[dreg:$0x2] =	wrdreg s2  }
0xaf: {  	[dreg:$0x3] =	wrdreg s24  }
0xb0: {  	[dreg:$0x4] =	wrdreg $0xB7400  }
0xb1: {  	[dreg:$0x5] =	wrdreg $0x157400  }
0xb2: {  	[dreg:$0x6] =	wrdreg $0x9  }
0xb3: {  	_ =	task.clear_ibuf [dreg:s7], $0x7FFFF;
	_ =	strace $0x90000046  }
0xb4: {  	s29 =	simm.s32 $0x9;
	_ =	strace $0x80000048  }
0xb5: {  	_ =	swait.ge [sflag:s29], $0x1  }
0xb6: {  	[sflag:s29] =	ssyncadd.s32 $0xFFFFFFFF  }
0xb7: {  	_ =	strace $0x90000048  }
0xb8: {  	_ =	sfence  }
0xb9: {  	s30 =	sld [smem:$0x0];
	_ =	sdelay $0x2  }
0xba: {  	s31 =	sshll.u32 s1, $0xD;
	s1 =	sshrl.u32 s1, $0x2  }
0xbb: {  	s3 =	sand.u32 $0x4000, s31;
	s1 =	sadd.s32 s1, s30  }
0xbc: {  	s0 =	sor.u32 s3, s0;
	s1 =	sshll.u32 s1, $0x11  }
0xbd: {  	s0 =	sor.u32 s1, s0  }
0xbe: {  	s0 =	sadd.s32 $0x8F2B, s0  }
0xbf: {  	[sflag:s0] =	ssyncadd.remote.s32 $0x1  }
0xc0: {  	_ =	sfence.sel $0xFFFF  }
0xc1: {  	[dreg:$0x0] =	wrdreg $0xFFFFFFFF;
	(pc) =	sbr.abs _section_cstart, $3  }
0xc2: {  	[dreg:$0x1] =	wrdreg $0xFFFFFFFF  }
0xc3: {  	_ =	task.clear_ibuf [dreg:s7], $0x2FFFF;
	_ =	strace $0x9FFFFFFF  }
0xc4: {  	(tm) =	ssettm $0x7FFFFFFF  }
0xc5: {  	_ =	shalt  }
tec
execute0_lowered:
.L_overlay_start_1:
0x0: {  	(tag) =	ssettag $0x1  }
0x1: {  	s1 =	rddreg [dreg:$0x0]  }
0x2: {  	s0 =	rddreg [dreg:$0x1];
	s14 =	stileid.u32  }
0x3: {  	s3 =	rddreg [dreg:$0x2];
	s5 =	smul.u32 $0x14000, s14  }
0x4: {  	s2 =	srdreg.scid;
	s8 =	smul.u32 $0x2800, s14  }
0x5: {  	s4 =	rddreg [dreg:$0x3];
	s7 =	simm.s32 $0x0;
	s9 =	smul.u32 $0x28000, s14  }
0x6: {  	s2 =	sand.u32 $0x1, s2;
	[smem:$0x7FF] =	sst s7;
	s11 =	smul.u32 $0x4E20, s14  }
0x7: {  	s6 =	sshll.u32 s2, $0x6;
	_ =	strace $0x80000047;
	s24 =	smul.u32 $0x28000, s2  }
0x8: {  	s10 =	ssub.s32 $0x2, s2;
	s5 =	sor.u32 s6, s5;
	s6 =	sadd.s32 $0x1E00, s0  }
0x9: {  	s13 =	sshrl.u32 s10, $0x1;
	s9 =	sshrl.u32 s9, $0x2;
	s25 =	sshrl.u32 s11, $0x3  }
0xa: {  	s17 =	sadd.s32 s8, s4;
	s23 =	sadd.s32 $0x50, s11;
	s5 =	sshrl.u32 s5, $0x3  }
0xb: {  	s7 =	sadd.s32 s8, s24;
	s10 =	ssub.s32 s10, s13;
	[dreg:$0x12] =	wrdreg s23  }
0xc: {  	s15 =	sadd.s32 s9, s3;
	s24 =	sadd.s32 $0xA0, s11;
	[dreg:$0x6] =	wrdreg s17  }
0xd: {  	s5 =	sadd.s32 s5, s0;
	s12 =	sshrl.u32 s7, $0x3;
	[dreg:$0x13] =	wrdreg s24  }
0xe: {  	s10 =	smax.u32 s10, $0x1;
	[dreg:$0x5] =	wrdreg s15;
	s0 =	sadd.s32 s12, s0  }
0xf: {  	s12 =	sadd.s32 s6, s25;
	s25 =	sadd.s32 $0xF0, s11;
	[dreg:$0x18] =	wrdreg s10  }
0x10: {  	s28 =	sadd.s32 $0x13880, s12;
	[dreg:$0x14] =	wrdreg s25  }
0x11: {  	s29 =	sadd.s32 $0x138B2, s12;
	[dreg:$0x8] =	wrdreg s28  }
0x12: {  	s30 =	sadd.s32 $0x1388A, s12;
	[dreg:$0x9] =	wrdreg s29  }
0x13: {  	s31 =	sadd.s32 $0x138BC, s12;
	[dreg:$0xa] =	wrdreg s30  }
0x14: {  	s16 =	sadd.s32 $0x13894, s12;
	[dreg:$0xb] =	wrdreg s31  }
0x15: {  	s18 =	sadd.s32 $0x138C6, s12;
	[dreg:$0xc] =	wrdreg s16  }
0x16: {  	s19 =	sadd.s32 $0x1389E, s12;
	[dreg:$0xd] =	wrdreg s18  }
0x17: {  	s20 =	sadd.s32 $0x138D0, s12;
	[dreg:$0xe] =	wrdreg s19  }
0x18: {  	s21 =	sadd.s32 $0x138A8, s12;
	[dreg:$0xf] =	wrdreg s20  }
0x19: {  	s7 =	smul.u32 $0x4E200, s2;
	s22 =	sadd.s32 $0x138DA, s12;
	[dreg:$0x10] =	wrdreg s21  }
0x1a: {  	p0 =	seq.s32 s2, $0x0;
	s0 =	sadd.s32 $0x1F400, s0;
	[dreg:$0x11] =	wrdreg s22  }
0x1b: {  	s9 =	sadd.s32 s11, s7;
	s28 =	sadd.s32 $0x29400, s5;
	[dreg:$0x17] =	wrdreg s0  }
0x1c: {  	s26 =	sshrl.u32 s9, $0x3;
	s16 =	sadd.s32 $0x320, s9;
	[dreg:$0x16] =	wrdreg s28  }
0x1d: {  	s8 =	sadd.s32 s6, s26;
	s26 =	sadd.s32 $0x140, s11;
	[dreg:$0x1f] =	wrdreg s16  }
0x1e: {  	s29 =	smul.u32 $0x9C4, s14;
	s30 =	sadd.s32 $0x4B0, s9;
	[dreg:$0x15] =	wrdreg s26  }
0x1f: {  	s31 =	sadd.s32 $0x460, s9;
	s28 =	sadd.s32 $0x2000, s15;
	[dreg:$0x7] =	wrdreg s8  }
0x20: {  	s2 =	sshrl.u32 s30, $0x3;
	s30 =	sadd.s32 $0x6000, s15;
	[smem:$0x7FA] =	sst s28  }
0x21: {  	s5 =	sshrl.u32 s31, $0x3;
	s31 =	sadd.s32 $0x8000, s15;
	[smem:$0x7FC] =	sst s30  }
0x22: {  	s0 =	sadd.s32 s29, s6;
	[smem:$0x7FD] =	sst s31  }
0x23: {  	s2 =	sadd.s32 s2, s6;
	[dreg:$0x19] =	wrdreg s0  }
0x24: {  	s5 =	sadd.s32 s5, s6;
	[dreg:$0x1a] =	wrdreg s2  }
0x25: {  	s18 =	sadd.s32 $0x32, s8;
	[dreg:$0x1b] =	wrdreg s5  }
0x26: {  	s19 =	sadd.s32 $0xA, s8;
	[smem:$0x7F1] =	sst s18  }
0x27: {  	s10 =	sadd.s32 $0x410, s9;
	s20 =	sadd.s32 $0x3C, s8;
	[smem:$0x7F2] =	sst s19  }
0x28: {  	s12 =	sadd.s32 $0x370, s9;
	s21 =	sadd.s32 $0x14, s8;
	[smem:$0x7F3] =	sst s20  }
0x29: {  	s11 =	sadd.s32 $0x3C0, s9;
	s22 =	sadd.s32 $0x46, s8;
	[smem:$0x7F4] =	sst s21  }
0x2a: {  	s9 =	simm.s32 $0x1A;
	s23 =	sadd.s32 $0x1E, s8;
	[smem:$0x7F5] =	sst s22  }
0x2b: {  	s16 =	simm.s32 $0xD;
	s24 =	sadd.s32 $0x50, s8;
	[smem:$0x7F6] =	sst s23  }
0x2c: {  	s25 =	sadd.s32 $0x28, s8;
	s26 =	sadd.s32 $0x5A, s8;
	[smem:$0x7F7] =	sst s24  }
0x2d: {  	s29 =	sadd.s32 $0x4000, s15;
	s0 =	sshrl.u32 s10, $0x3;
	[smem:$0x7F8] =	sst s25  }
0x2e: {  	s2 =	sshrl.u32 s11, $0x3;
	s5 =	sshrl.u32 s12, $0x3;
	[smem:$0x7F9] =	sst s26  }
0x2f: {  	[smem:$0x7FB] =	sst s29;
	s19 =	simm.s32 $0x50;
	s26 =	simm.s32 $0x460  }
0x30: {  	s12 =	simm.s32 $0x1;
	s25 =	simm.s32 $0x2E40;
	s10 =	simm.s32 $0x5640  }
.Ltmp0:
0x31: {  	s18 =	simm.s32 $0xF;
	s24 =	simm.s32 $0x11;
	(pc) =	sbr.rel .LBB2_1-.Ltmp0, $4  }
0x32: {  	s21 =	simm.s32 $0x12;
	s22 =	simm.s32 $0x8;
	s0 =	sadd.s32 s0, s6  }
0x33: {  	s23 =	simm.s32 $0x14;
	s13 =	sadd.s32 s2, s6;
	[dreg:$0x1c] =	wrdreg s0  }
0x34: {  	s14 =	sadd.s32 s5, s6;
	s2 =	simm.s32 $0x0;
	[dreg:$0x1d] =	wrdreg s13  }
0x35: {  	v0 =	vimm.f32 $0.0e+00;
	v1 =	vimm.f32 $1.000000000e+00;
	[dreg:$0x1e] =	wrdreg s14;
	s13 =	simm.s32 $0x640;
	s14 =	simm.s32 $0x2E40  }
.LBB2_10:
0x36: {  	s0 =	stileid.u32  }
0x37: {  	[bflag:$0x0] =	sbarrier.arrive $0xFFFF;
	s12 =	simm.s32 $0x1;
	s5 =	simm.s32 $0x10  }
0x38: {  	s9 =	simm.s32 $0x1A;
	s0 =	sshll.u32 s0, $0x6;
	s15 =	rddreg [dreg:$0x5]  }
0x39: {  	s8 =	rddreg [dreg:$0x16];
	s0 =	sor.u32 $0x1C1A, s0;
	s2 =	sshrl.u32 s15, $0x3  }
0x3a: {  	[hbm:s8@s5], [sflag:s0] =	dma.strided [spmem:s2@s22], $0x1400, s12, $0x8   }
0x3b: {  	_ =	swait.ge [sflag:s9], $0x1400  }
0x3c: {  	[sflag:s9] =	ssyncset.done $0x0;
	s17 =	rddreg [dreg:$0x6]  }
0x3d: {  	s29 =	rddreg [dreg:$0x17];
	[sflag:s9] =	ssyncadd.s32 $0xFFFFEC00;
	s28 =	sshrl.u32 s17, $0x3  }
0x3e: {  	[hbm:s29], [sflag:s0] =	dma.local [spmem:s28], $0x500  }
0x3f: {  	_ =	swait.ge [sflag:s9], $0x500  }
0x40: {  	s30 =	sld [smem:$0x7F0];
	_ =	sdelay $0x2  }
0x41: {  	s31 =	rddreg [dreg:$0x18];
	s2 =	sadd.s32 $0x1, s30  }
0x42: {  	p1 =	sne.s32 s2, s31  }
.Ltmp1:
0x43: {  	_ = 	snop;
	(pc) =	sbr.rel @!p1 .LBB2_11-.Ltmp1, $3  }
0x44: {  	_ =	sdelay $0x1  }
0x45: {  	[sflag:s9] =	ssyncset.done $0x0  }
0x46: {  	s26 =	simm.s32 $0x460;
	[sflag:s9] =	ssyncadd.s32 $0xFFFFFB00  }
.LBB2_1:
0x47: {  	[smem:$0x7F0] =	sst s2;
	s2 =	simm.s32 $0x100;
	s0 =	simm.s32 $0x0  }
.LBB2_2:
0x48: {  	p1 =	sne.s32 s2, $0x7F00;
	[tilespmem:s0+$0x6F70] =	vst v0;
	s8 =	smov.u32 s2;
	s2 =	sadd.s32 $0x100, s2  }
.Ltmp2:
0x49: {  	[tilespmem:s0+$0x6F60] =	vst v0;
	(pc) =	sbr.rel @p1 .LBB2_2-.Ltmp2, $3  }
0x4a: {  	[tilespmem:s0+$0x6F40] =	vst v0  }
0x4b: {  	[tilespmem:s0+$0x6F50] =	vst v0;
	_ =	sdelay $0x1  }
0x4c: {  	s0 =	sshra.s32 s8, $0x2  }
0x4d: {  	[tilespmem:s0+$0x6F70] =	vst v0  }
0x4e: {  	[tilespmem:s0+$0x6F60] =	vst v0  }
0x4f: {  	[tilespmem:s0+$0x6F40] =	vst v0  }
0x50: {  	[tilespmem:s0+$0x6F50] =	vst v0;
	s0 =	simm.s32 $0x40;
	s2 =	simm.s32 $0x0  }
.LBB2_4:
0x51: {  	p1 =	sne.s32 s0, $0x9FC0;
	[tilespmem:s2+$0x8F40] =	vst v0;
	s2 =	smov.u32 s0;
	s0 =	sadd.s32 $0x40, s0  }
.Ltmp3:
0x52: {  	(pc) =	sbr.rel @p1 .LBB2_4-.Ltmp3, $2  }
0x53: {  	_ =	sdelay $0x2  }
0x54: {  	s2 =	sshra.s32 s2, $0x2  }
0x55: {  	[tilespmem:s2+$0x8F40] =	vst v0;
	s0 =	simm.s32 $0x40;
	s2 =	simm.s32 $0x0  }
.LBB2_6:
0x56: {  	p1 =	sne.s32 s0, $0x13C0;
	[tilespmem:s2+$0x6A40] =	vst v1;
	s2 =	smov.u32 s0;
	s0 =	sadd.s32 $0x40, s0  }
.Ltmp4:
0x57: {  	(pc) =	sbr.rel @p1 .LBB2_6-.Ltmp4, $2  }
0x58: {  	_ =	sdelay $0x2  }
0x59: {  	s2 =	sshra.s32 s2, $0x2  }
0x5a: {  	[tilespmem:s2+$0x6A40] =	vst v1;
	s20 =	simm.s32 $0x6F40  }
0x5b: {  	[spmem:s15] =	stream.linear.scatter [tilespmem:s20], [sflag:$0x1A], $0x2000, $0x38;
	[tilespmem:$0x17F40] =	vst v63  }
0x5c: {  	_ =	swait.ge [sflag:s9], $0x2000  }
0x5d: {  	s0 =	sld [smem:$0x7FA]  }
0x5e: {  	[sflag:s9] =	ssyncset.done $0x0  }
0x5f: {  	[sflag:s9] =	ssyncadd.s32 $0xFFFFE000  }
0x60: {  	[spmem:s0] =	stream.linear.scatter [tilespmem:s20], [sflag:$0x1A], $0x2000, $0x38;
	[tilespmem:$0x17F40] =	vst v63  }
0x61: {  	_ =	swait.ge [sflag:s9], $0x2000  }
0x62: {  	s5 =	sld [smem:$0x7FB]  }
0x63: {  	[sflag:s9] =	ssyncset.done $0x0  }
0x64: {  	[sflag:s9] =	ssyncadd.s32 $0xFFFFE000  }
0x65: {  	[spmem:s5] =	stream.linear.scatter [tilespmem:s20], [sflag:$0x1A], $0x2000, $0x38;
	[tilespmem:$0x17F40] =	vst v63  }
0x66: {  	_ =	swait.ge [sflag:s9], $0x2000  }
0x67: {  	s8 =	sld [smem:$0x7FC]  }
0x68: {  	[sflag:s9] =	ssyncset.done $0x0  }
0x69: {  	[sflag:s9] =	ssyncadd.s32 $0xFFFFE000  }
0x6a: {  	[spmem:s8] =	stream.linear.scatter [tilespmem:s20], [sflag:$0x1A], $0x2000, $0x38;
	[tilespmem:$0x17F40] =	vst v63  }
0x6b: {  	_ =	swait.ge [sflag:s9], $0x2000  }
0x6c: {  	s11 =	sld [smem:$0x7FD]  }
0x6d: {  	[sflag:s9] =	ssyncset.done $0x0  }
0x6e: {  	[sflag:s9] =	ssyncadd.s32 $0xFFFFE000  }
0x6f: {  	[spmem:s11] =	stream.linear.scatter [tilespmem:s20], [sflag:$0x1A], $0x2000, $0x38;
	[tilespmem:$0x17F40] =	vst v63  }
0x70: {  	_ =	swait.ge [sflag:s9], $0x2000  }
0x71: {  	[sflag:s9] =	ssyncset.done $0x0  }
0x72: {  	s15 =	simm.s32 $0x8F40;
	[sflag:s9] =	ssyncadd.s32 $0xFFFFE000  }
0x73: {  	[spmem:s17] =	stream.linear.scatter [tilespmem:s15], [sflag:$0x1A], $0x2800, $0x38;
	[tilespmem:$0x17F40] =	vst v63  }
0x74: {  	_ =	swait.ge [sflag:s9], $0x2800  }
0x75: {  	[sflag:s9] =	ssyncset.done $0x0  }
0x76: {  	[sflag:s9] =	ssyncadd.s32 $0xFFFFD800  }
0x77: {  	[bflag:$0x0] =	sbarrier.arrive $0xFFFF  }
0x78: {  	s20 =	rddreg [dreg:$0x7]  }
0x79: {  	s29 =	simm.s32 $0x0;
	s2 =	rddreg [dreg:$0x8]  }
0x7a: {  	[tilespmem:s29], [sflag:$0x1] =	stream.linear.gather [hbm4b:s20+s29], $0x50, $0x38;
	[tilespmem:$0x17F40] =	vst v63  }
0x7b: {  	s5 =	simm.s32 $0x190;
	s8 =	sld [smem:$0x7F1]  }
0x7c: {  	[tilespmem:s5], [sflag:$0x1] =	stream.linear.gather [hbm4b:s2+s29], $0x50, $0x38;
	[tilespmem:$0x17F40] =	vst v63  }
0x7d: {  	s9 =	simm.s32 $0x320;
	s11 =	rddreg [dreg:$0x9]  }
0x7e: {  	[tilespmem:s9], [sflag:$0x6] =	stream.linear.gather [hbm4b:s8+s29], $0x50, $0x38;
	[tilespmem:$0x17F40] =	vst v63  }
0x7f: {  	s30 =	simm.s32 $0x4B0;
	s15 =	sld [smem:$0x7F2]  }
0x80: {  	[tilespmem:s30], [sflag:$0x6] =	stream.linear.gather [hbm4b:s11+s29], $0x50, $0x38;
	[tilespmem:$0x17F40] =	vst v63  }
0x81: {  	s17 =	rddreg [dreg:$0xa]  }
0x82: {  	[tilespmem:s19], [sflag:$0x2] =	stream.linear.gather [hbm4b:s15+s29], $0x50, $0x38;
	[tilespmem:$0x17F40] =	vst v63  }
0x83: {  	s20 =	simm.s32 $0x1E0;
	s5 =	sld [smem:$0x7F3]  }
0x84: {  	[tilespmem:s20], [sflag:$0x2] =	stream.linear.gather [hbm4b:s17+s29], $0x50, $0x38;
	[tilespmem:$0x17F40] =	vst v63  }
0x85: {  	s8 =	simm.s32 $0x370;
	s9 =	rddreg [dreg:$0xb]  }
0x86: {  	[tilespmem:s8], [sflag:$0x7] =	stream.linear.gather [hbm4b:s5+s29], $0x50, $0x38;
	[tilespmem:$0x17F40] =	vst v63  }
0x87: {  	s11 =	simm.s32 $0x500;
	s15 =	sld [smem:$0x7F4]  }
0x88: {  	[tilespmem:s11], [sflag:$0x7] =	stream.linear.gather [hbm4b:s9+s29], $0x50, $0x38;
	[tilespmem:$0x17F40] =	vst v63  }
0x89: {  	s2 =	simm.s32 $0xA0;
	s17 =	rddreg [dreg:$0xc]  }
0x8a: {  	[tilespmem:s2], [sflag:$0x3] =	stream.linear.gather [hbm4b:s15+s29], $0x50, $0x38;
	[tilespmem:$0x17F40] =	vst v63  }
0x8b: {  	s20 =	sld [smem:$0x7F5];
	s8 =	simm.s32 $0x230  }
0x8c: {  	[tilespmem:s8], [sflag:$0x3] =	stream.linear.gather [hbm4b:s17+s29], $0x50, $0x38;
	[tilespmem:$0x17F40] =	vst v63  }
0x8d: {  	s5 =	simm.s32 $0x3C0;
	s11 =	sld [smem:$0x7F6]  }
0x8e: {  	[tilespmem:s5], [sflag:$0x8] =	stream.linear.gather [hbm4b:s20+s29], $0x50, $0x38;
	[tilespmem:$0x17F40] =	vst v63  }
0x8f: {  	s9 =	simm.s32 $0x550;
	s8 =	rddreg [dreg:$0xd]  }
0x90: {  	[tilespmem:s9], [sflag:$0x8] =	stream.linear.gather [hbm4b:s8+s29], $0x50, $0x38;
	[tilespmem:$0x17F40] =	vst v63  }
0x91: {  	s15 =	rddreg [dreg:$0xe];
	s8 =	simm.s32 $0xF0  }
0x92: {  	[tilespmem:s8], [sflag:$0x4] =	stream.linear.gather [hbm4b:s11+s29], $0x50, $0x38;
	[tilespmem:$0x17F40] =	vst v63  }
0x93: {  	s17 =	simm.s32 $0x280;
	s20 =	sld [smem:$0x7F7]  }
0x94: {  	[tilespmem:s17], [sflag:$0x4] =	stream.linear.gather [hbm4b:s15+s29], $0x50, $0x38;
	[tilespmem:$0x17F40] =	vst v63  }
0x95: {  	s5 =	simm.s32 $0x410;
	s11 =	rddreg [dreg:$0xf]  }
0x96: {  	[tilespmem:s5], [sflag:$0x9] =	stream.linear.gather [hbm4b:s20+s29], $0x50, $0x38;
	[tilespmem:$0x17F40] =	vst v63  }
0x97: {  	s15 =	simm.s32 $0x5A0;
	s17 =	sld [smem:$0x7F8]  }
0x98: {  	[tilespmem:s15], [sflag:$0x9] =	stream.linear.gather [hbm4b:s11+s29], $0x50, $0x38;
	[tilespmem:$0x17F40] =	vst v63  }
0x99: {  	s9 =	simm.s32 $0x140;
	s20 =	rddreg [dreg:$0x10]  }
0x9a: {  	[tilespmem:s9], [sflag:$0x5] =	stream.linear.gather [hbm4b:s17+s29], $0x50, $0x38;
	[tilespmem:$0x17F40] =	vst v63  }
0x9b: {  	s5 =	sld [smem:$0x7F9];
	s11 =	simm.s32 $0x2D0  }
0x9c: {  	[tilespmem:s11], [sflag:$0x5] =	stream.linear.gather [hbm4b:s20+s29], $0x50, $0x38;
	[tilespmem:$0x17F40] =	vst v63  }
0x9d: {  	_ = 	snop  }
0x9e: {  	[tilespmem:s26], [sflag:$0xA] =	stream.linear.gather [hbm4b:s5+s29], $0x50, $0x38;
	[tilespmem:$0x17F40] =	vst v63  }
0x9f: {  	s28 =	simm.s32 $0x5F0;
	s11 =	rddreg [dreg:$0x11]  }
0xa0: {  	[tilespmem:s28], [sflag:$0xA] =	stream.linear.gather [hbm4b:s11+s29], $0x50, $0x38;
	[tilespmem:$0x17F40] =	vst v63  }
0xa1: {  	_ =	swait.ge [sflag:s12], $0x50  }
0xa2: {  	[sflag:s12] =	ssyncset.done $0x0  }
0xa3: {  	[sflag:s12] =	ssyncadd.s32 $0xFFFFFFB0  }
0xa4: {  	_ =	swait.ge [sflag:s12], $0x50  }
0xa5: {  	[sflag:s12] =	ssyncset.done $0x0  }
0xa6: {  	[sflag:s12] =	ssyncadd.s32 $0xFFFFFFB0;
	s12 =	simm.s32 $0x2  }
0xa7: {  	[tilespmem:s13], [sflag:$0xB] =	stream.indirect.gather [hbm4b:s1+s19], $0x40, s29, s19, $0xb8;
	[tilespmem:$0x17F40] =	vst v63  }
0xa8: {  	_ =	swait.ge [sflag:s12], $0x50  }
0xa9: {  	[sflag:s12] =	ssyncset.done $0x0  }
0xaa: {  	[sflag:s12] =	ssyncadd.s32 $0xFFFFFFB0  }
0xab: {  	_ =	swait.ge [sflag:s12], $0x50  }
0xac: {  	[sflag:s12] =	ssyncset.done $0x0  }
0xad: {  	s15 =	simm.s32 $0x3;
	s13 =	simm.s32 $0x1A40;
	[sflag:s12] =	ssyncadd.s32 $0xFFFFFFB0  }
0xae: {  	[tilespmem:s13], [sflag:$0xC] =	stream.indirect.gather [hbm4b:s1+s19], $0x40, s19, s19, $0xb8;
	[tilespmem:$0x17F40] =	vst v63  }
0xaf: {  	_ =	swait.ge [sflag:s15], $0x50  }
0xb0: {  	[sflag:s15] =	ssyncset.done $0x0  }
0xb1: {  	[sflag:s15] =	ssyncadd.s32 $0xFFFFFFB0  }
0xb2: {  	_ =	swait.ge [sflag:s15], $0x50  }
0xb3: {  	[sflag:s15] =	ssyncset.done $0x0  }
0xb4: {  	s17 =	simm.s32 $0x4;
	[sflag:s15] =	ssyncadd.s32 $0xFFFFFFB0  }
0xb5: {  	[tilespmem:s25], [sflag:$0xD] =	stream.indirect.gather [hbm4b:s1+s19], $0x40, s2, s19, $0xb8;
	[tilespmem:$0x17F40] =	vst v63  }
0xb6: {  	_ =	swait.ge [sflag:s17], $0x50  }
0xb7: {  	[sflag:s17] =	ssyncset.done $0x0  }
0xb8: {  	[sflag:s17] =	ssyncadd.s32 $0xFFFFFFB0  }
0xb9: {  	_ =	swait.ge [sflag:s17], $0x50  }
0xba: {  	[sflag:s17] =	ssyncset.done $0x0  }
0xbb: {  	s20 =	simm.s32 $0x4240;
	s25 =	simm.s32 $0x5;
	[sflag:s17] =	ssyncadd.s32 $0xFFFFFFB0  }
0xbc: {  	[tilespmem:s20], [sflag:$0xE] =	stream.indirect.gather [hbm4b:s1+s19], $0x40, s8, s19, $0xb8;
	[tilespmem:$0x17F40] =	vst v63  }
0xbd: {  	_ =	swait.ge [sflag:s25], $0x50  }
0xbe: {  	[sflag:s25] =	ssyncset.done $0x0  }
0xbf: {  	[sflag:s25] =	ssyncadd.s32 $0xFFFFFFB0  }
0xc0: {  	_ =	swait.ge [sflag:s25], $0x50  }
0xc1: {  	[sflag:s25] =	ssyncset.done $0x0  }
0xc2: {  	[sflag:s25] =	ssyncadd.s32 $0xFFFFFFB0  }
0xc3: {  	[tilespmem:s10], [sflag:$0xF] =	stream.indirect.gather [hbm4b:s1+s19], $0x40, s9, s19, $0xb8;
	[tilespmem:$0x17F40] =	vst v63  }
0xc4: {  	s31 =	simm.s32 $0x0;
	s10 =	simm.s32 $0x5640  }
.LBB2_8:
0xc5: {  	s25 =	simm.s32 $0xB  }
0xc6: {  	_ =	swait.ge [sflag:s25], $0x1400  }
0xc7: {  	[sflag:s25] =	ssyncset.done $0x0  }
0xc8: {  	s0 =	simm.s32 $0x190;
	s20 =	simm.s32 $0x640;
	[sflag:s25] =	ssyncadd.s32 $0xFFFFEC00  }
0xc9: {  	[spmem:s3] =	stream.indirect.scatter.add.f32 [tilespmem:s20], [sflag:$0x10], $0x40, s0, s19, $0xb8;
	[tilespmem:$0x17F40] =	vst v63  }
0xca: {  	p1 =	sgt.u32 s31, $0xC;
	s9 =	simm.s32 $0x1;
	s0 =	simm.s32 $0x1  }
0xcb: {  	s9 =	simm.s32 @!p0 $0x0;
	s0 =	simm.s32 @!p1 $0x0  }
0xcc: {  	p2 =	seq.s32 s9, s0  }
0xcd: {  	s0 =	simm.s32 @p2 $0xC  }
0xce: {  	_ =	swait.ge @p2 [sflag:s0], $0x1400  }
0xcf: {  	s2 =	simm.s32 @p2 $0x1E0;
	[sflag:s0] =	ssyncset.done @p2 $0x0  }
0xd0: {  	s8 =	simm.s32 @p2 $0x1A40;
	[sflag:s0] =	ssyncadd.s32 @p2 $0xFFFFEC00;
	s0 =	simm.s32 @p2 $0x50  }
0xd1: {  	[spmem:s3] =	stream.indirect.scatter.add.f32 @p2 [tilespmem:s8], [sflag:$0x11], $0x40, s2, s0, $0xb8;
	[tilespmem:$0x17F40] =	vst v63  }
0xd2: {  	s0 =	simm.s32 @!p2 $0x50;
	s2 =	simm.s32 @!p2 $0x190;
	s8 =	simm.s32 @!p2 $0x6A40  }
0xd3: {  	[spmem:s4] =	stream.indirect.scatter.add.f32 @!p2 [tilespmem:s8], [sflag:$0x15], $0x10, s2, s0, $0xb8;
	[tilespmem:$0x17F40] =	vst v63  }
0xd4: {  	s2 =	simm.s32 @!p2 $0xC  }
0xd5: {  	_ =	swait.ge @!p2 [sflag:s2], $0x1400  }
0xd6: {  	[sflag:s2] =	ssyncset.done @!p2 $0x0  }
0xd7: {  	s11 =	simm.s32 @!p2 $0x1A40;
	[sflag:s2] =	ssyncadd.s32 @!p2 $0xFFFFEC00;
	s2 =	simm.s32 @!p2 $0x1E0  }
0xd8: {  	[spmem:s3] =	stream.indirect.scatter.add.f32 @!p2 [tilespmem:s11], [sflag:$0x11], $0x40, s2, s0, $0xb8;
	[tilespmem:$0x17F40] =	vst v63  }
0xd9: {  	_ = 	snop  }
0xda: {  	[spmem:s4] =	stream.indirect.scatter.add.f32 @!p2 [tilespmem:s8], [sflag:$0x16], $0x10, s2, s0, $0xb8;
	[tilespmem:$0x17F40] =	vst v63  }
0xdb: {  	p2 =	por !p1, !p1;
	_ =	swait.ge [sflag:s16], $0x1400  }
0xdc: {  	p2 =	por @!p0 p1, p1;
	[sflag:s16] =	ssyncset.done $0x0  }
0xdd: {  	s8 =	simm.s32 $0x230;
	s0 =	simm.s32 @!p2 $0xE;
	[sflag:s16] =	ssyncadd.s32 $0xFFFFEC00  }
0xde: {  	[spmem:s3] =	stream.indirect.scatter.add.f32 [tilespmem:s14], [sflag:$0x12], $0x40, s8, s19, $0xb8;
	[tilespmem:$0x17F40] =	vst v63  }
0xdf: {  	_ =	swait.ge @!p2 [sflag:s0], $0x1400  }
0xe0: {  	s2 =	simm.s32 @!p2 $0x280;
	[sflag:s0] =	ssyncset.done @!p2 $0x0  }
0xe1: {  	s8 =	simm.s32 @!p2 $0x4240;
	[sflag:s0] =	ssyncadd.s32 @!p2 $0xFFFFEC00;
	s0 =	simm.s32 @!p2 $0x50  }
0xe2: {  	[spmem:s3] =	stream.indirect.scatter.add.f32 @!p2 [tilespmem:s8], [sflag:$0x13], $0x40, s2, s0, $0xb8;
	[tilespmem:$0x17F40] =	vst v63  }
0xe3: {  	s0 =	simm.s32 @p2 $0x50;
	s2 =	simm.s32 @p2 $0x230;
	s8 =	simm.s32 @p2 $0x6A40  }
0xe4: {  	[spmem:s4] =	stream.indirect.scatter.add.f32 @p2 [tilespmem:s8], [sflag:$0x17], $0x10, s2, s0, $0xb8;
	[tilespmem:$0x17F40] =	vst v63  }
0xe5: {  	s2 =	simm.s32 @p2 $0xE  }
0xe6: {  	_ =	swait.ge @p2 [sflag:s2], $0x1400  }
0xe7: {  	[sflag:s2] =	ssyncset.done @p2 $0x0  }
0xe8: {  	s11 =	simm.s32 @p2 $0x4240;
	[sflag:s2] =	ssyncadd.s32 @p2 $0xFFFFEC00;
	s2 =	simm.s32 @p2 $0x280  }
0xe9: {  	[spmem:s3] =	stream.indirect.scatter.add.f32 @p2 [tilespmem:s11], [sflag:$0x13], $0x40, s2, s0, $0xb8;
	[tilespmem:$0x17F40] =	vst v63  }
0xea: {  	_ = 	snop  }
0xeb: {  	[spmem:s4] =	stream.indirect.scatter.add.f32 @p2 [tilespmem:s8], [sflag:$0x18], $0x10, s2, s0, $0xb8;
	[tilespmem:$0x17F40] =	vst v63  }
0xec: {  	_ =	swait.ge [sflag:s18], $0x1400  }
0xed: {  	[sflag:s18] =	ssyncset.done $0x0  }
0xee: {  	s11 =	simm.s32 $0x2D0;
	[sflag:s18] =	ssyncadd.s32 $0xFFFFEC00  }
0xef: {  	[spmem:s3] =	stream.indirect.scatter.add.f32 [tilespmem:s10], [sflag:$0x14], $0x40, s11, s19, $0xb8;
	[tilespmem:$0x17F40] =	vst v63  }
0xf0: {  	s2 =	simm.s32 @p2 $0x2D0  }
0xf1: {  	[spmem:s4] =	stream.indirect.scatter.add.f32 @p2 [tilespmem:s8], [sflag:$0x19], $0x10, s2, s0, $0xb8;
	[tilespmem:$0x17F40] =	vst v63  }
0xf2: {  	s0 =	simm.s32 @p2 $0x10  }
0xf3: {  	_ =	swait.ge @p2 [sflag:s0], $0x1400  }
0xf4: {  	[sflag:s0] =	ssyncset.done @p2 $0x0  }
0xf5: {  	[sflag:s0] =	ssyncadd.s32 @p2 $0xFFFFEC00;
	s0 =	simm.s32 @p2 $0x15  }
0xf6: {  	_ =	swait.ge @p2 [sflag:s0], $0x500  }
0xf7: {  	[sflag:s0] =	ssyncset.done @p2 $0x0  }
0xf8: {  	[sflag:s0] =	ssyncadd.s32 @p2 $0xFFFFFB00;
	s0 =	simm.s32 @!p2 $0x10  }
0xf9: {  	_ =	swait.ge @!p2 [sflag:s0], $0x1400  }
0xfa: {  	[sflag:s0] =	ssyncset.done @!p2 $0x0  }
0xfb: {  	s12 =	simm.s32 $0x6;
	[sflag:s0] =	ssyncadd.s32 @!p2 $0xFFFFEC00  }
0xfc: {  	_ =	swait.ge [sflag:s12], $0x50  }
0xfd: {  	[sflag:s12] =	ssyncset.done $0x0  }
0xfe: {  	[sflag:s12] =	ssyncadd.s32 $0xFFFFFFB0  }
0xff: {  	_ =	swait.ge [sflag:s12], $0x50  }
0x100: {  	p1 =	seq.s32 s29, $0x960;
	[sflag:s12] =	ssyncset.done $0x0;
	s0 =	rddreg [dreg:$0x1f]  }
0x101: {  	s13 =	simm.s32 $0x320;
	[sflag:s12] =	ssyncadd.s32 $0xFFFFFFB0;
	s0 =	sadd.s32 @!p1 s30, s0  }
0x102: {  	[tilespmem:s20], [sflag:$0xB] =	stream.indirect.gather [hbm4b:s1+s19], $0x40, s13, s19, $0xb8;
	[tilespmem:$0x17F40] =	vst v63  }
0x103: {  	s0 =	sadd.s32 @!p1 $0xFFFFFB50, s0  }
0x104: {  	s0 =	sshrl.u32 @!p1 s0, $0x3  }
0x105: {  	s2 =	simm.s32 @!p1 $0x0;
	s0 =	sadd.s32 @!p1 s6, s0  }
0x106: {  	[tilespmem:s2], [sflag:$0x1] =	stream.linear.gather @!p1 [hbm4b:s0+s2], $0x50, $0x38;
	[tilespmem:$0x17F40] =	vst v63  }
0x107: {  	s0 =	rddreg [dreg:$0x19]  }
0x108: {  	s8 =	sadd.s32 @!p1 s29, s0  }
0x109: {  	s11 =	simm.s32 @!p1 $0x190;
	s0 =	sadd.s32 @!p1 $0x138E4, s8  }
0x10a: {  	[tilespmem:s11], [sflag:$0x1] =	stream.linear.gather @!p1 [hbm4b:s0+s2], $0x50, $0x38;
	[tilespmem:$0x17F40] =	vst v63  }
0x10b: {  	_ =	swait.ge [sflag:s24], $0x1400  }
0x10c: {  	[sflag:s24] =	ssyncset.done $0x0  }
0x10d: {  	s0 =	simm.s32 @p2 $0x16;
	[sflag:s24] =	ssyncadd.s32 $0xFFFFEC00  }
0x10e: {  	_ =	swait.ge @p2 [sflag:s0], $0x500  }
0x10f: {  	[sflag:s0] =	ssyncset.done @p2 $0x0  }
0x110: {  	s15 =	simm.s32 $0x7;
	[sflag:s0] =	ssyncadd.s32 @p2 $0xFFFFFB00  }
0x111: {  	_ =	swait.ge [sflag:s15], $0x50  }
0x112: {  	[sflag:s15] =	ssyncset.done $0x0  }
0x113: {  	[sflag:s15] =	ssyncadd.s32 $0xFFFFFFB0  }
0x114: {  	_ =	swait.ge [sflag:s15], $0x50  }
0x115: {  	s17 =	simm.s32 $0x370;
	[sflag:s15] =	ssyncset.done $0x0  }
0x116: {  	s5 =	simm.s32 $0x1A40;
	s0 =	rddreg [dreg:$0x1e];
	[sflag:s15] =	ssyncadd.s32 $0xFFFFFFB0  }
0x117: {  	[tilespmem:s5], [sflag:$0xC] =	stream.indirect.gather [hbm4b:s1+s19], $0x40, s17, s19, $0xb8;
	[tilespmem:$0x17F40] =	vst v63  }
0x118: {  	s11 =	sadd.s32 @!p1 s29, s0;
	s0 =	simm.s32 @!p1 $0x50  }
0x119: {  	[tilespmem:s0], [sflag:$0x2] =	stream.linear.gather @!p1 [hbm4b:s11+s2], $0x50, $0x38;
	[tilespmem:$0x17F40] =	vst v63  }
0x11a: {  	s12 =	simm.s32 @!p1 $0x1E0;
	s11 =	sadd.s32 @!p1 $0x138EE, s8  }
0x11b: {  	[tilespmem:s12], [sflag:$0x2] =	stream.linear.gather @!p1 [hbm4b:s11+s2], $0x50, $0x38;
	[tilespmem:$0x17F40] =	vst v63  }
0x11c: {  	_ =	swait.ge [sflag:s21], $0x1400  }
0x11d: {  	[sflag:s21] =	ssyncset.done $0x0  }
0x11e: {  	s11 =	simm.s32 @p2 $0x17;
	[sflag:s21] =	ssyncadd.s32 $0xFFFFEC00  }
0x11f: {  	_ =	swait.ge @p2 [sflag:s11], $0x500  }
0x120: {  	[sflag:s11] =	ssyncset.done @p2 $0x0  }
0x121: {  	s5 =	simm.s32 $0x8;
	[sflag:s11] =	ssyncadd.s32 @p2 $0xFFFFFB00  }
0x122: {  	_ =	swait.ge [sflag:s5], $0x50  }
0x123: {  	[sflag:s5] =	ssyncset.done $0x0  }
0x124: {  	[sflag:s5] =	ssyncadd.s32 $0xFFFFFFB0  }
0x125: {  	_ =	swait.ge [sflag:s5], $0x50  }
0x126: {  	[sflag:s5] =	ssyncset.done $0x0  }
0x127: {  	s12 =	simm.s32 $0x3C0;
	s11 =	rddreg [dreg:$0x1d];
	[sflag:s5] =	ssyncadd.s32 $0xFFFFFFB0  }
0x128: {  	[tilespmem:s14], [sflag:$0xD] =	stream.indirect.gather [hbm4b:s1+s19], $0x40, s12, s19, $0xb8;
	[tilespmem:$0x17F40] =	vst v63  }
0x129: {  	s11 =	sadd.s32 @!p1 s29, s11;
	s12 =	simm.s32 @!p1 $0xA0  }
0x12a: {  	[tilespmem:s12], [sflag:$0x3] =	stream.linear.gather @!p1 [hbm4b:s11+s2], $0x50, $0x38;
	[tilespmem:$0x17F40] =	vst v63  }
0x12b: {  	s15 =	simm.s32 @!p1 $0x230;
	s5 =	simm.s32 $0x13;
	s11 =	sadd.s32 @!p1 $0x138F8, s8  }
0x12c: {  	[tilespmem:s15], [sflag:$0x3] =	stream.linear.gather @!p1 [hbm4b:s11+s2], $0x50, $0x38;
	[tilespmem:$0x17F40] =	vst v63  }
0x12d: {  	_ =	swait.ge [sflag:s5], $0x1400  }
0x12e: {  	[sflag:s5] =	ssyncset.done $0x0  }
0x12f: {  	s11 =	simm.s32 @p2 $0x18;
	[sflag:s5] =	ssyncadd.s32 $0xFFFFEC00  }
0x130: {  	_ =	swait.ge @p2 [sflag:s11], $0x500  }
0x131: {  	[sflag:s11] =	ssyncset.done @p2 $0x0  }
0x132: {  	s13 =	simm.s32 $0x9;
	[sflag:s11] =	ssyncadd.s32 @p2 $0xFFFFFB00  }
0x133: {  	_ =	swait.ge [sflag:s13], $0x50  }
0x134: {  	[sflag:s13] =	ssyncset.done $0x0  }
0x135: {  	[sflag:s13] =	ssyncadd.s32 $0xFFFFFFB0  }
0x136: {  	_ =	swait.ge [sflag:s13], $0x50  }
0x137: {  	s15 =	simm.s32 $0x410;
	[sflag:s13] =	ssyncset.done $0x0  }
0x138: {  	s11 =	rddreg [dreg:$0x1c];
	[sflag:s13] =	ssyncadd.s32 $0xFFFFFFB0;
	s13 =	simm.s32 $0x4240  }
0x139: {  	[tilespmem:s13], [sflag:$0xE] =	stream.indirect.gather [hbm4b:s1+s19], $0x40, s15, s19, $0xb8;
	[tilespmem:$0x17F40] =	vst v63  }
0x13a: {  	s15 =	sadd.s32 @!p1 s29, s11;
	s11 =	simm.s32 @!p1 $0xF0  }
0x13b: {  	[tilespmem:s11], [sflag:$0x4] =	stream.linear.gather @!p1 [hbm4b:s15+s2], $0x50, $0x38;
	[tilespmem:$0x17F40] =	vst v63  }
0x13c: {  	s17 =	simm.s32 @!p1 $0x280;
	s15 =	sadd.s32 @!p1 $0x13902, s8  }
0x13d: {  	[tilespmem:s17], [sflag:$0x4] =	stream.linear.gather @!p1 [hbm4b:s15+s2], $0x50, $0x38;
	[tilespmem:$0x17F40] =	vst v63  }
0x13e: {  	_ =	swait.ge [sflag:s23], $0x1400  }
0x13f: {  	[sflag:s23] =	ssyncset.done $0x0  }
0x140: {  	s15 =	simm.s32 @p2 $0x19;
	[sflag:s23] =	ssyncadd.s32 $0xFFFFEC00  }
0x141: {  	_ =	swait.ge @p2 [sflag:s15], $0x500  }
0x142: {  	[sflag:s15] =	ssyncset.done @p2 $0x0  }
0x143: {  	s17 =	simm.s32 $0xA;
	[sflag:s15] =	ssyncadd.s32 @p2 $0xFFFFFB00  }
0x144: {  	_ =	swait.ge [sflag:s17], $0x50  }
0x145: {  	[sflag:s17] =	ssyncset.done $0x0  }
0x146: {  	[sflag:s17] =	ssyncadd.s32 $0xFFFFFFB0  }
0x147: {  	_ =	swait.ge [sflag:s17], $0x50  }
0x148: {  	[sflag:s17] =	ssyncset.done $0x0  }
0x149: {  	s15 =	rddreg [dreg:$0x1b];
	[sflag:s17] =	ssyncadd.s32 $0xFFFFFFB0  }
0x14a: {  	[tilespmem:s10], [sflag:$0xF] =	stream.indirect.gather [hbm4b:s1+s19], $0x40, s26, s19, $0xb8;
	[tilespmem:$0x17F40] =	vst v63  }
0x14b: {  	s15 =	sadd.s32 @!p1 s29, s15;
	s17 =	simm.s32 @!p1 $0x140  }
0x14c: {  	[tilespmem:s17], [sflag:$0x5] =	stream.linear.gather @!p1 [hbm4b:s15+s2], $0x50, $0x38;
	[tilespmem:$0x17F40] =	vst v63  }
0x14d: {  	s15 =	sadd.s32 @!p1 $0x1390C, s8;
	s17 =	simm.s32 @!p1 $0x2D0  }
0x14e: {  	[tilespmem:s17], [sflag:$0x5] =	stream.linear.gather @!p1 [hbm4b:s15+s2], $0x50, $0x38;
	[tilespmem:$0x17F40] =	vst v63  }
0x14f: {  	p3 =	sgt.u32 s31, $0xB;
	s15 =	simm.s32 $0x1  }
0x150: {  	_ =	swait.ge [sflag:s25], $0x1400;
	s15 =	simm.s32 @!p3 $0x0  }
0x151: {  	[sflag:s25] =	ssyncset.done $0x0;
	p2 =	seq.s32 s9, s15  }
0x152: {  	[sflag:s25] =	ssyncadd.s32 $0xFFFFEC00;
	s25 =	simm.s32 $0x4B0;
	s9 =	simm.s32 @p2 $0xC  }
0x153: {  	[spmem:s3] =	stream.indirect.scatter.add.f32 [tilespmem:s20], [sflag:$0x10], $0x40, s25, s19, $0xb8;
	[tilespmem:$0x17F40] =	vst v63  }
0x154: {  	_ =	swait.ge @p2 [sflag:s9], $0x1400  }
0x155: {  	s15 =	simm.s32 @p2 $0x500;
	[sflag:s9] =	ssyncset.done @p2 $0x0  }
0x156: {  	s17 =	simm.s32 @p2 $0x1A40;
	[sflag:s9] =	ssyncadd.s32 @p2 $0xFFFFEC00;
	s9 =	simm.s32 @p2 $0x50  }
0x157: {  	[spmem:s3] =	stream.indirect.scatter.add.f32 @p2 [tilespmem:s17], [sflag:$0x11], $0x40, s15, s9, $0xb8;
	[tilespmem:$0x17F40] =	vst v63  }
0x158: {  	s9 =	simm.s32 @!p2 $0x50;
	s15 =	simm.s32 @!p2 $0x4B0;
	s17 =	simm.s32 @!p2 $0x6A40  }
0x159: {  	[spmem:s4] =	stream.indirect.scatter.add.f32 @!p2 [tilespmem:s17], [sflag:$0x15], $0x10, s15, s9, $0xb8;
	[tilespmem:$0x17F40] =	vst v63  }
0x15a: {  	s15 =	simm.s32 @!p2 $0xC  }
0x15b: {  	_ =	swait.ge @!p2 [sflag:s15], $0x1400  }
0x15c: {  	[sflag:s15] =	ssyncset.done @!p2 $0x0  }
0x15d: {  	s26 =	simm.s32 @!p2 $0x1A40;
	[sflag:s15] =	ssyncadd.s32 @!p2 $0xFFFFEC00;
	s15 =	simm.s32 @!p2 $0x500  }
0x15e: {  	[spmem:s3] =	stream.indirect.scatter.add.f32 @!p2 [tilespmem:s26], [sflag:$0x11], $0x40, s15, s9, $0xb8;
	[tilespmem:$0x17F40] =	vst v63  }
0x15f: {  	_ = 	snop  }
0x160: {  	[spmem:s4] =	stream.indirect.scatter.add.f32 @!p2 [tilespmem:s17], [sflag:$0x16], $0x10, s15, s9, $0xb8;
	[tilespmem:$0x17F40] =	vst v63  }
0x161: {  	p2 =	por !p3, !p3;
	_ =	swait.ge [sflag:s16], $0x1400  }
0x162: {  	p2 =	por @!p0 p3, p3;
	[sflag:s16] =	ssyncset.done $0x0  }
0x163: {  	s26 =	simm.s32 $0x550;
	s9 =	simm.s32 @!p2 $0xE;
	[sflag:s16] =	ssyncadd.s32 $0xFFFFEC00  }
0x164: {  	[spmem:s3] =	stream.indirect.scatter.add.f32 [tilespmem:s14], [sflag:$0x12], $0x40, s26, s19, $0xb8;
	[tilespmem:$0x17F40] =	vst v63  }
0x165: {  	_ =	swait.ge @!p2 [sflag:s9], $0x1400  }
0x166: {  	s15 =	simm.s32 @!p2 $0x5A0;
	[sflag:s9] =	ssyncset.done @!p2 $0x0  }
0x167: {  	s17 =	simm.s32 @!p2 $0x4240;
	[sflag:s9] =	ssyncadd.s32 @!p2 $0xFFFFEC00;
	s9 =	simm.s32 @!p2 $0x50  }
0x168: {  	[spmem:s3] =	stream.indirect.scatter.add.f32 @!p2 [tilespmem:s17], [sflag:$0x13], $0x40, s15, s9, $0xb8;
	[tilespmem:$0x17F40] =	vst v63  }
0x169: {  	s9 =	simm.s32 @p2 $0x50;
	s15 =	simm.s32 @p2 $0x550;
	s17 =	simm.s32 @p2 $0x6A40  }
0x16a: {  	[spmem:s4] =	stream.indirect.scatter.add.f32 @p2 [tilespmem:s17], [sflag:$0x17], $0x10, s15, s9, $0xb8;
	[tilespmem:$0x17F40] =	vst v63  }
0x16b: {  	s15 =	simm.s32 @p2 $0xE  }
0x16c: {  	_ =	swait.ge @p2 [sflag:s15], $0x1400  }
0x16d: {  	[sflag:s15] =	ssyncset.done @p2 $0x0  }
0x16e: {  	s26 =	simm.s32 @p2 $0x4240;
	[sflag:s15] =	ssyncadd.s32 @p2 $0xFFFFEC00;
	s15 =	simm.s32 @p2 $0x5A0  }
0x16f: {  	[spmem:s3] =	stream.indirect.scatter.add.f32 @p2 [tilespmem:s26], [sflag:$0x13], $0x40, s15, s9, $0xb8;
	[tilespmem:$0x17F40] =	vst v63  }
0x170: {  	_ = 	snop  }
0x171: {  	[spmem:s4] =	stream.indirect.scatter.add.f32 @p2 [tilespmem:s17], [sflag:$0x18], $0x10, s15, s9, $0xb8;
	[tilespmem:$0x17F40] =	vst v63  }
0x172: {  	_ =	swait.ge [sflag:s18], $0x1400  }
0x173: {  	[sflag:s18] =	ssyncset.done $0x0  }
0x174: {  	[sflag:s18] =	ssyncadd.s32 $0xFFFFEC00  }
0x175: {  	[spmem:s3] =	stream.indirect.scatter.add.f32 [tilespmem:s10], [sflag:$0x14], $0x40, s28, s19, $0xb8;
	[tilespmem:$0x17F40] =	vst v63  }
0x176: {  	s15 =	simm.s32 @p2 $0x5F0  }
0x177: {  	[spmem:s4] =	stream.indirect.scatter.add.f32 @p2 [tilespmem:s17], [sflag:$0x19], $0x10, s15, s9, $0xb8;
	[tilespmem:$0x17F40] =	vst v63  }
0x178: {  	s9 =	simm.s32 @p2 $0x10  }
0x179: {  	_ =	swait.ge @p2 [sflag:s9], $0x1400  }
0x17a: {  	[sflag:s9] =	ssyncset.done @p2 $0x0  }
0x17b: {  	[sflag:s9] =	ssyncadd.s32 @p2 $0xFFFFEC00;
	s9 =	simm.s32 @p2 $0x15  }
0x17c: {  	_ =	swait.ge @p2 [sflag:s9], $0x500  }
0x17d: {  	[sflag:s9] =	ssyncset.done @p2 $0x0  }
0x17e: {  	[sflag:s9] =	ssyncadd.s32 @p2 $0xFFFFFB00;
	s9 =	simm.s32 @!p2 $0x10  }
0x17f: {  	_ =	swait.ge @!p2 [sflag:s9], $0x1400  }
0x180: {  	[sflag:s9] =	ssyncset.done @!p2 $0x0  }
0x181: {  	[sflag:s9] =	ssyncadd.s32 @!p2 $0xFFFFEC00;
	s9 =	simm.s32 @!p1 $0x1  }
0x182: {  	_ =	swait.ge @!p1 [sflag:s9], $0x50  }
0x183: {  	[sflag:s9] =	ssyncset.done @!p1 $0x0  }
0x184: {  	[sflag:s9] =	ssyncadd.s32 @!p1 $0xFFFFFFB0  }
0x185: {  	_ =	swait.ge @!p1 [sflag:s9], $0x50  }
0x186: {  	[sflag:s9] =	ssyncset.done @!p1 $0x0  }
0x187: {  	[sflag:s9] =	ssyncadd.s32 @!p1 $0xFFFFFFB0;
	s9 =	simm.s32 @!p1 $0x640  }
0x188: {  	[tilespmem:s9], [sflag:$0xB] =	stream.indirect.gather @!p1 [hbm4b:s1+s0], $0x40, s2, s0, $0xb8;
	[tilespmem:$0x17F40] =	vst v63  }
0x189: {  	s9 =	rddreg [dreg:$0x1a]  }
0x18a: {  	s15 =	simm.s32 @!p1 $0x320;
	s9 =	sadd.s32 @!p1 s29, s9  }
0x18b: {  	[tilespmem:s15], [sflag:$0x6] =	stream.linear.gather @!p1 [hbm4b:s9+s2], $0x50, $0x38;
	[tilespmem:$0x17F40] =	vst v63  }
0x18c: {  	s8 =	sadd.s32 @!p1 $0x13916, s8;
	s9 =	simm.s32 @!p1 $0x4B0  }
0x18d: {  	[tilespmem:s9], [sflag:$0x6] =	stream.linear.gather @!p1 [hbm4b:s8+s2], $0x50, $0x38;
	[tilespmem:$0x17F40] =	vst v63  }
0x18e: {  	_ =	swait.ge [sflag:s24], $0x1400  }
0x18f: {  	[sflag:s24] =	ssyncset.done $0x0  }
0x190: {  	s8 =	simm.s32 @p2 $0x16;
	[sflag:s24] =	ssyncadd.s32 $0xFFFFEC00  }
0x191: {  	_ =	swait.ge @p2 [sflag:s8], $0x500  }
0x192: {  	[sflag:s8] =	ssyncset.done @p2 $0x0  }
0x193: {  	s9 =	simm.s32 @!p1 $0x2;
	[sflag:s8] =	ssyncadd.s32 @p2 $0xFFFFFB00  }
0x194: {  	_ =	swait.ge @!p1 [sflag:s9], $0x50  }
0x195: {  	[sflag:s9] =	ssyncset.done @!p1 $0x0  }
0x196: {  	[sflag:s9] =	ssyncadd.s32 @!p1 $0xFFFFFFB0  }
0x197: {  	_ =	swait.ge @!p1 [sflag:s9], $0x50  }
0x198: {  	[sflag:s9] =	ssyncset.done @!p1 $0x0  }
0x199: {  	s8 =	smov.u32 s30;
	[sflag:s9] =	ssyncadd.s32 @!p1 $0xFFFFFFB0;
	s9 =	simm.s32 @!p1 $0x1A40  }
0x19a: {  	[tilespmem:s9], [sflag:$0xC] =	stream.indirect.gather @!p1 [hbm4b:s1+s0], $0x40, s0, s0, $0xb8;
	[tilespmem:$0x17F40] =	vst v63  }
0x19b: {  	s8 =	simm.s32 @p1 $0x4FB0;
	s9 =	rddreg [dreg:$0x12]  }
0x19c: {  	s9 =	sadd.s32 @!p1 s8, s9  }
0x19d: {  	s15 =	sadd.s32 @!p1 s7, s9  }
0x19e: {  	s9 =	sshrl.u32 @!p1 s9, $0x3;
	s15 =	sshrl.u32 @!p1 s15, $0x3  }
0x19f: {  	s17 =	simm.s32 @!p1 $0x370;
	s9 =	sadd.s32 @!p1 s6, s9;
	s15 =	sadd.s32 @!p1 s6, s15  }
0x1a0: {  	[tilespmem:s17], [sflag:$0x7] =	stream.linear.gather @!p1 [hbm4b:s15+s2], $0x50, $0x38;
	[tilespmem:$0x17F40] =	vst v63  }
0x1a1: {  	s9 =	sadd.s32 @!p1 $0x13880, s9;
	s15 =	simm.s32 @!p1 $0x500  }
0x1a2: {  	[tilespmem:s15], [sflag:$0x7] =	stream.linear.gather @!p1 [hbm4b:s9+s2], $0x50, $0x38;
	[tilespmem:$0x17F40] =	vst v63  }
0x1a3: {  	_ =	swait.ge [sflag:s21], $0x1400  }
0x1a4: {  	[sflag:s21] =	ssyncset.done $0x0  }
0x1a5: {  	s9 =	simm.s32 @p2 $0x17;
	[sflag:s21] =	ssyncadd.s32 $0xFFFFEC00  }
0x1a6: {  	_ =	swait.ge @p2 [sflag:s9], $0x500  }
0x1a7: {  	[sflag:s9] =	ssyncset.done @p2 $0x0  }
0x1a8: {  	[sflag:s9] =	ssyncadd.s32 @p2 $0xFFFFFB00;
	s9 =	simm.s32 @!p1 $0x3  }
0x1a9: {  	_ =	swait.ge @!p1 [sflag:s9], $0x50  }
0x1aa: {  	[sflag:s9] =	ssyncset.done @!p1 $0x0  }
0x1ab: {  	[sflag:s9] =	ssyncadd.s32 @!p1 $0xFFFFFFB0  }
0x1ac: {  	_ =	swait.ge @!p1 [sflag:s9], $0x50  }
0x1ad: {  	[sflag:s9] =	ssyncset.done @!p1 $0x0  }
0x1ae: {  	[sflag:s9] =	ssyncadd.s32 @!p1 $0xFFFFFFB0;
	s9 =	simm.s32 @!p1 $0x2E40  }
0x1af: {  	[tilespmem:s9], [sflag:$0xD] =	stream.indirect.gather @!p1 [hbm4b:s1+s0], $0x40, s12, s0, $0xb8;
	[tilespmem:$0x17F40] =	vst v63  }
0x1b0: {  	s9 =	rddreg [dreg:$0x13]  }
0x1b1: {  	s9 =	sadd.s32 @!p1 s8, s9  }
0x1b2: {  	s12 =	sadd.s32 @!p1 s7, s9  }
0x1b3: {  	s9 =	sshrl.u32 @!p1 s9, $0x3;
	s12 =	sshrl.u32 @!p1 s12, $0x3  }
0x1b4: {  	s15 =	simm.s32 @!p1 $0x3C0;
	s9 =	sadd.s32 @!p1 s6, s9;
	s12 =	sadd.s32 @!p1 s6, s12  }
0x1b5: {  	[tilespmem:s15], [sflag:$0x8] =	stream.linear.gather @!p1 [hbm4b:s12+s2], $0x50, $0x38;
	[tilespmem:$0x17F40] =	vst v63  }
0x1b6: {  	s9 =	sadd.s32 @!p1 $0x13880, s9;
	s12 =	simm.s32 @!p1 $0x550  }
0x1b7: {  	[tilespmem:s12], [sflag:$0x8] =	stream.linear.gather @!p1 [hbm4b:s9+s2], $0x50, $0x38;
	[tilespmem:$0x17F40] =	vst v63  }
0x1b8: {  	_ =	swait.ge [sflag:s5], $0x1400  }
0x1b9: {  	[sflag:s5] =	ssyncset.done $0x0  }
0x1ba: {  	s9 =	simm.s32 @p2 $0x18;
	[sflag:s5] =	ssyncadd.s32 $0xFFFFEC00  }
0x1bb: {  	_ =	swait.ge @p2 [sflag:s9], $0x500  }
0x1bc: {  	[sflag:s9] =	ssyncset.done @p2 $0x0  }
0x1bd: {  	[sflag:s9] =	ssyncadd.s32 @p2 $0xFFFFFB00;
	s9 =	simm.s32 @!p1 $0x4  }
0x1be: {  	_ =	swait.ge @!p1 [sflag:s9], $0x50  }
0x1bf: {  	[sflag:s9] =	ssyncset.done @!p1 $0x0  }
0x1c0: {  	[sflag:s9] =	ssyncadd.s32 @!p1 $0xFFFFFFB0  }
0x1c1: {  	_ =	swait.ge @!p1 [sflag:s9], $0x50  }
0x1c2: {  	[sflag:s9] =	ssyncset.done @!p1 $0x0  }
0x1c3: {  	[sflag:s9] =	ssyncadd.s32 @!p1 $0xFFFFFFB0;
	s9 =	simm.s32 @!p1 $0x4240  }
0x1c4: {  	[tilespmem:s9], [sflag:$0xE] =	stream.indirect.gather @!p1 [hbm4b:s1+s0], $0x40, s11, s0, $0xb8;
	[tilespmem:$0x17F40] =	vst v63  }
0x1c5: {  	s0 =	rddreg [dreg:$0x14]  }
0x1c6: {  	s0 =	sadd.s32 @!p1 s8, s0  }
0x1c7: {  	s9 =	sadd.s32 @!p1 s7, s0  }
0x1c8: {  	s0 =	sshrl.u32 @!p1 s0, $0x3;
	s9 =	sshrl.u32 @!p1 s9, $0x3  }
0x1c9: {  	s11 =	simm.s32 @!p1 $0x410;
	s0 =	sadd.s32 @!p1 s6, s0;
	s9 =	sadd.s32 @!p1 s6, s9  }
0x1ca: {  	[tilespmem:s11], [sflag:$0x9] =	stream.linear.gather @!p1 [hbm4b:s9+s2], $0x50, $0x38;
	[tilespmem:$0x17F40] =	vst v63  }
0x1cb: {  	s0 =	sadd.s32 @!p1 $0x13880, s0;
	s9 =	simm.s32 @!p1 $0x5A0  }
0x1cc: {  	[tilespmem:s9], [sflag:$0x9] =	stream.linear.gather @!p1 [hbm4b:s0+s2], $0x50, $0x38;
	[tilespmem:$0x17F40] =	vst v63  }
0x1cd: {  	_ =	swait.ge [sflag:s23], $0x1400  }
.Ltmp5:
0x1ce: {  	[sflag:s23] =	ssyncset.done $0x0;
	(pc) =	sbr.rel @p1 .LBB2_10-.Ltmp5, $4  }
0x1cf: {  	s0 =	simm.s32 @p2 $0x19;
	[sflag:s23] =	ssyncadd.s32 $0xFFFFEC00  }
0x1d0: {  	s13 =	simm.s32 $0x640;
	_ =	swait.ge @p2 [sflag:s0], $0x500  }
0x1d1: {  	s20 =	simm.s32 $0x460;
	s25 =	simm.s32 $0x2E40;
	[sflag:s0] =	ssyncset.done @p2 $0x0  }
0x1d2: {  	s10 =	simm.s32 $0x5640;
	s9 =	simm.s32 $0x5F0;
	[sflag:s0] =	ssyncadd.s32 @p2 $0xFFFFFB00  }
0x1d3: {  	s0 =	simm.s32 $0x5  }
0x1d4: {  	_ =	swait.ge [sflag:s0], $0x50  }
0x1d5: {  	[sflag:s0] =	ssyncset.done $0x0  }
0x1d6: {  	[sflag:s0] =	ssyncadd.s32 $0xFFFFFFB0  }
0x1d7: {  	_ =	swait.ge [sflag:s0], $0x50  }
0x1d8: {  	[sflag:s0] =	ssyncset.done $0x0;
	s25 =	rddreg [dreg:$0x15]  }
0x1d9: {  	s17 =	simm.s32 $0x140;
	[sflag:s0] =	ssyncadd.s32 $0xFFFFFFB0;
	s0 =	sadd.s32 s8, s25  }
0x1da: {  	[tilespmem:s10], [sflag:$0xF] =	stream.indirect.gather [hbm4b:s1+s19], $0x40, s17, s19, $0xb8;
	[tilespmem:$0x17F40] =	vst v63  }
0x1db: {  	s26 =	simm.s32 $0x0;
	s2 =	sadd.s32 s7, s0  }
0x1dc: {  	s31 =	sadd.s32 $0x1, s31;
	s0 =	sshrl.u32 s0, $0x3;
	s2 =	sshrl.u32 s2, $0x3  }
.Ltmp6:
0x1dd: {  	s0 =	sadd.s32 s6, s0;
	s2 =	sadd.s32 s6, s2;
	(pc) =	sbr.rel .LBB2_8-.Ltmp6, $4  }
0x1de: {  	[tilespmem:s20], [sflag:$0xA] =	stream.linear.gather [hbm4b:s2+s26], $0x50, $0x38;
	[tilespmem:$0x17F40] =	vst v63  }
0x1df: {  	s29 =	sadd.s32 $0x64, s29;
	s30 =	sadd.s32 $0x320, s30;
	s0 =	sadd.s32 $0x13880, s0  }
0x1e0: {  	[tilespmem:s9], [sflag:$0xA] =	stream.linear.gather [hbm4b:s0+s26], $0x50, $0x38;
	[tilespmem:$0x17F40] =	vst v63  }
0x1e1: {  	s28 =	simm.s32 $0x5F0;
	s10 =	simm.s32 $0x5640;
	s26 =	simm.s32 $0x460  }
.LBB2_11:
0x1e2: {  	_ =	sfence.sel $0x180000  }
0x1e3: {  	[bflag:$0x0] =	sbarrier.arrive $0xFFFF  }
0x1e4: {  	_ =	strace $0x90000047  }
0x1e5: {  	s0 =	stileid.u32;
	[bflag:$0x2] =	sbarrier.arrive $0xFFFF  }
0x1e6: {  	p0 =	sne.s32 s0, $0x0;
	s0 =	rddreg [dreg:$0x4]  }
0x1e7: {  	s0 =	sadd.s32 @!p0 $0x100000, s0  }
0x1e8: {  	[sflag:s0] =	ssyncadd.tile.s32 @!p0 $0x1;
	_ =	shalt  }
.Lfunc_end2:
_tile_overlayer_lowered:
.L_overlay_start_2:
0x1e9: {  	(tag) =	ssettag $0x2  }
0x1ea: {  	s0 =	rddreg [dreg:$0x0];
	s2 =	stileid.u32  }
0x1eb: {  	s1 =	rddreg [dreg:$0x1];
	p0 =	sne.s32 s2, $0x0  }
0x1ec: {  	s3 =	rddreg [dreg:$0x2];
	[bflag:$0x3] =	sbarrier.arrive $0xFFFF;
	s2 =	simm.s32 @!p0 $0x1C1A  }
0x1ed: {  	[timem:s3], [sflag:s2] =	dma.local @!p0 [hbm:s0], s1  }
0x1ee: {  	s0 =	simm.s32 @!p0 $0x1A  }
0x1ef: {  	_ =	swait.ge @!p0 [sflag:s0], s1  }
0x1f0: {  	s1 =	ssub.s32 @!p0 $0x0, s1;
	[sflag:s0] =	ssyncset.done @!p0 $0x0  }
0x1f1: {  	[sflag:s0] =	ssyncadd.s32 @!p0 s1  }
0x1f2: {  	[bflag:$0x3] =	sbarrier.arrive $0xFFFF  }
0x1f3: {  	_ =	shalt  }

</sc_bundles>
